<compile_context>
chip_gen: v7x
topology: tpu7x:2x2x1
jax: 0.10.2.dev20260603
libtpu: 0.0.44.dev20260713+nightly
codegen_flags: <defaults>
</compile_context>

<pallas_src>
import functools
import math

import jax
import jax.numpy as jnp
from jax import lax
from jax.experimental import pallas as pl
from jax.experimental.pallas import tpu as pltpu
from jax.experimental.pallas import tpu_sc as plsc

NC = 2
NS = 16
NW = NC * NS
LANES = 16
NBUF = 6
PRE = 3


@jax.jit
def _sc_embed(lut, xt):
    hist, batch = xt.shape
    _, d = lut.shape
    bcols = batch // NW
    n = hist
    n_groups = (n + NBUF - 1) // NBUF
    scale = float(math.sqrt(d))
    mesh = plsc.VectorSubcoreMesh(
        core_axis_name="c", subcore_axis_name="s", num_cores=NC, num_subcores=NS
    )

    @functools.partial(
        pl.kernel,
        out_type=jax.ShapeDtypeStruct((hist, batch, d), jnp.float32),
        mesh=mesh,
        scratch_types=[
            pltpu.VMEM((hist, bcols), jnp.int32),
            pltpu.VMEM((NBUF, bcols, d), jnp.float32),
        ]
        + [pltpu.SemaphoreType.DMA] * (2 * NBUF),
    )
    def k(lut_hbm, idx_hbm, out_hbm, idx_v, bufs, *sems):
        gsem = sems[:NBUF]
        ssem = sems[NBUF:]
        wid = lax.axis_index("s") * NC + lax.axis_index("c")
        base = wid * bcols
        pltpu.sync_copy(idx_hbm.at[:, pl.ds(base, bcols)], idx_v)

        def gather(j, b):
            return pltpu.make_async_copy(
                lut_hbm.at[idx_v.at[j]], bufs.at[b], gsem[b]
            )

        def scatter(j, b):
            return pltpu.make_async_copy(
                bufs.at[b], out_hbm.at[j, pl.ds(base, bcols)], ssem[b]
            )

        for b in range(PRE):
            gather(b, b).start()

        def group(g, carry):
            for b in range(NBUF):
                j = g * NBUF + b
                jp = j + PRE
                bp = (b + PRE) % NBUF

                @pl.when((jp < n) & (j >= NBUF - PRE))
                def _():
                    scatter(jp - NBUF, bp).wait()
                    gather(jp, bp).start()

                @pl.when((jp < n) & (j < NBUF - PRE))
                def _():
                    gather(jp, bp).start()

                @pl.when(j < n)
                def _():
                    gather(j, b).wait()

                    @plsc.parallel_loop(0, bcols, step=1, unroll=2)
                    def _(i):
                        for t in range(d // LANES):
                            sl = pl.ds(t * LANES, LANES)
                            bufs[b, i, sl] = bufs[b, i, sl] * scale

                    scatter(j, b).start()
            return carry

        lax.fori_loop(0, n_groups, group, 0)

        for j in range(max(0, n - NBUF), n):
            scatter(j, j % NBUF).wait()

    return k(lut, xt)


def kernel(x, lut):
    out_t = _sc_embed(lut, x.T)
    return out_t.transpose(1, 0, 2)

# --- scband reference (transcript-rebuilt; emitter-appended) ---
"""Pipeline reference for scband-embeddings-54778012893639 (READ-ONLY COPY).

The authoritative reference and input builder live on the scoring server;
editing this copy changes nothing except your own understanding.
"""

import jax, jax.numpy as jnp
import numpy as np
import math

VOCAB = 100000
D_MODEL = 128
BATCH = 4096
HIST = 50

def setup_inputs(seed: int = 0) -> dict:
    key = jax.random.key(seed)
    k1, k2 = jax.random.split(key)
    x = jax.random.randint(k1, (BATCH, HIST), 0, VOCAB, dtype=jnp.int64 if jax.config.jax_enable_x64 else jnp.int32)
    lut = jax.random.normal(k2, (VOCAB, D_MODEL), dtype=jnp.float32)
    return {"x": x, "lut": lut}

def reference(x, lut):
    # Embeddings.forward: self.lut(x) * math.sqrt(self.d_model)
    emb = jnp.take(lut, x, axis=0)
    return emb * math.sqrt(D_MODEL)

if __name__ == "__main__":
    import jax
    _d = setup_inputs()
    print(jax.jit(kernel)(*tuple(_d.values())))

</pallas_src>

<mosaic_0001>
#map = affine_map<(d0, d1) -> (0, 0)>
#map1 = affine_map<(d0, d1) -> (0, 0, 0)>
module attributes {stable_mosaic.version = 14 : i64} {
  func.func @k(%arg0: i32, %arg1: i32, %arg2: memref<100000x128xf32, #tpu.memory_space<hbm>>, %arg3: memref<50x4096xi32, #tpu.memory_space<hbm>>, %arg4: memref<50x4096x128xf32, #tpu.memory_space<hbm>>, %arg5: memref<50x128xi32, #tpu.memory_space<vmem>>, %arg6: memref<6x128x128xf32, #tpu.memory_space<vmem>>, %arg7: memref<!tpu.dma_semaphore, #tpu.memory_space<semaphore_mem>>, %arg8: memref<!tpu.dma_semaphore, #tpu.memory_space<semaphore_mem>>, %arg9: memref<!tpu.dma_semaphore, #tpu.memory_space<semaphore_mem>>, %arg10: memref<!tpu.dma_semaphore, #tpu.memory_space<semaphore_mem>>, %arg11: memref<!tpu.dma_semaphore, #tpu.memory_space<semaphore_mem>>, %arg12: memref<!tpu.dma_semaphore, #tpu.memory_space<semaphore_mem>>, %arg13: memref<!tpu.dma_semaphore, #tpu.memory_space<semaphore_mem>>, %arg14: memref<!tpu.dma_semaphore, #tpu.memory_space<semaphore_mem>>, %arg15: memref<!tpu.dma_semaphore, #tpu.memory_space<semaphore_mem>>, %arg16: memref<!tpu.dma_semaphore, #tpu.memory_space<semaphore_mem>>, %arg17: memref<!tpu.dma_semaphore, #tpu.memory_space<semaphore_mem>>, %arg18: memref<!tpu.dma_semaphore, #tpu.memory_space<semaphore_mem>>) attributes {dimension_semantics = [#tpu.dimension_semantics<core_parallel>, #tpu.dimension_semantics<subcore_parallel>], iteration_bounds = array<i64: 2, 16>, scalar_prefetch = 0 : i64, scratch_operands = 14 : i64, tpu.core_type = #tpu.core_type<sc_vector_subcore>, window_params = [{transform_indices = #map}, {transform_indices = #map}, {transform_indices = #map1}]} {
    %mul3A = arith.constant 2 : i32
    %mul3A_0 = arith.muli %arg1, %mul3A : i32
    %add3A = arith.addi %mul3A_0, %arg0 : i32
    %mul3A_1 = arith.constant 128 : i32
    %mul3A_2 = arith.muli %add3A, %mul3A_1 : i32
    "tpu.region"() ({
      %run_scoped3A = tpu.sem_alloc : memref<!tpu.dma_semaphore, #tpu.memory_space<semaphore_mem>>
      %dma_start3A_138 = arith.constant 0 : i32
      %dma_start3A_139 = tpu.memref_slice %arg3[%dma_start3A_138, %mul3A_2] : memref<50x4096xi32, #tpu.memory_space<hbm>> -> memref<50x128xi32, #tpu.memory_space<hbm>>
      %dma_start3A_140 = arith.constant 0 : i32
      %dma_start3A_141 = tpu.memref_slice %arg3[%dma_start3A_140, %mul3A_2] : memref<50x4096xi32, #tpu.memory_space<hbm>> -> memref<50x128xi32, #tpu.memory_space<hbm>>
      tpu.enqueue_dma source(%dma_start3A_141 : memref<50x128xi32, #tpu.memory_space<hbm>>) target(%arg5 : memref<50x128xi32, #tpu.memory_space<vmem>>) target_semaphore(%run_scoped3A : memref<!tpu.dma_semaphore, #tpu.memory_space<semaphore_mem>>)
      %dma_wait3A_142 = arith.constant 0 : i32
      %dma_wait3A_143 = tpu.memref_slice %arg3[%dma_wait3A_142, %mul3A_2] : memref<50x4096xi32, #tpu.memory_space<hbm>> -> memref<50x128xi32, #tpu.memory_space<hbm>>
      %dma_wait3A_144 = arith.constant 0 : i32
      %dma_wait3A_145 = tpu.memref_slice %arg3[%dma_wait3A_144, %mul3A_2] : memref<50x4096xi32, #tpu.memory_space<hbm>> -> memref<50x128xi32, #tpu.memory_space<hbm>>
      tpu.wait_dma2 semaphore(%run_scoped3A : memref<!tpu.dma_semaphore, #tpu.memory_space<semaphore_mem>>) src(%dma_wait3A_145 : memref<50x128xi32, #tpu.memory_space<hbm>>) dst(%arg5 : memref<50x128xi32, #tpu.memory_space<vmem>>)
      tpu.yield
    }) : () -> ()
    %dma_start3A = arith.constant 0 : i32
    %dma_start3A_3 = arith.constant 0 : i32
    %dma_start3A_4 = arith.constant 0 : i32
    %dma_start3A_5 = arith.constant 0 : i32
    %dma_start3A_6 = tpu.memref_slice %arg6[%dma_start3A_3, %dma_start3A_4, %dma_start3A_5] : memref<6x128x128xf32, #tpu.memory_space<vmem>> -> memref<1x128x128xf32, #tpu.memory_space<vmem>>
    %dma_start3A_7 = tpu.memref_squeeze %dma_start3A_6 : memref<1x128x128xf32, #tpu.memory_space<vmem>> -> memref<128x128xf32, #tpu.memory_space<vmem>>
    %dma_start3A_8 = arith.constant 0 : i32
    %dma_start3A_9 = tpu.memref_slice %arg5[%dma_start3A, %dma_start3A_8] : memref<50x128xi32, #tpu.memory_space<vmem>> -> memref<1x128xi32, #tpu.memory_space<vmem>>
    %dma_start3A_10 = tpu.memref_squeeze %dma_start3A_9 : memref<1x128xi32, #tpu.memory_space<vmem>> -> memref<128xi32, #tpu.memory_space<vmem>>
    %dma_start3A_11 = arith.constant 0 : i32
    %dma_start3A_12 = arith.constant 0 : i32
    %dma_start3A_13 = tpu.memref_slice %arg2[%dma_start3A_11, %dma_start3A_12] : memref<100000x128xf32, #tpu.memory_space<hbm>> -> memref<100000x128xf32, #tpu.memory_space<hbm>>
    tpu.enqueue_indirect_dma source(%dma_start3A_13 : memref<100000x128xf32, #tpu.memory_space<hbm>>) target(%dma_start3A_7 : memref<128x128xf32, #tpu.memory_space<vmem>>) offsets(%dma_start3A_10 : memref<128xi32, #tpu.memory_space<vmem>>) semaphore(%arg7 : memref<!tpu.dma_semaphore, #tpu.memory_space<semaphore_mem>>)
    %dma_start3A_14 = arith.constant 1 : i32
    %dma_start3A_15 = arith.constant 1 : i32
    %dma_start3A_16 = arith.constant 0 : i32
    %dma_start3A_17 = arith.constant 0 : i32
    %dma_start3A_18 = tpu.memref_slice %arg6[%dma_start3A_15, %dma_start3A_16, %dma_start3A_17] : memref<6x128x128xf32, #tpu.memory_space<vmem>> -> memref<1x128x128xf32, #tpu.memory_space<vmem>>
    %dma_start3A_19 = tpu.memref_squeeze %dma_start3A_18 : memref<1x128x128xf32, #tpu.memory_space<vmem>> -> memref<128x128xf32, #tpu.memory_space<vmem>>
    %dma_start3A_20 = arith.constant 0 : i32
    %dma_start3A_21 = tpu.memref_slice %arg5[%dma_start3A_14, %dma_start3A_20] : memref<50x128xi32, #tpu.memory_space<vmem>> -> memref<1x128xi32, #tpu.memory_space<vmem>>
    %dma_start3A_22 = tpu.memref_squeeze %dma_start3A_21 : memref<1x128xi32, #tpu.memory_space<vmem>> -> memref<128xi32, #tpu.memory_space<vmem>>
    %dma_start3A_23 = arith.constant 0 : i32
    %dma_start3A_24 = arith.constant 0 : i32
    %dma_start3A_25 = tpu.memref_slice %arg2[%dma_start3A_23, %dma_start3A_24] : memref<100000x128xf32, #tpu.memory_space<hbm>> -> memref<100000x128xf32, #tpu.memory_space<hbm>>
    tpu.enqueue_indirect_dma source(%dma_start3A_25 : memref<100000x128xf32, #tpu.memory_space<hbm>>) target(%dma_start3A_19 : memref<128x128xf32, #tpu.memory_space<vmem>>) offsets(%dma_start3A_22 : memref<128xi32, #tpu.memory_space<vmem>>) semaphore(%arg8 : memref<!tpu.dma_semaphore, #tpu.memory_space<semaphore_mem>>)
    %dma_start3A_26 = arith.constant 2 : i32
    %dma_start3A_27 = arith.constant 2 : i32
    %dma_start3A_28 = arith.constant 0 : i32
    %dma_start3A_29 = arith.constant 0 : i32
    %dma_start3A_30 = tpu.memref_slice %arg6[%dma_start3A_27, %dma_start3A_28, %dma_start3A_29] : memref<6x128x128xf32, #tpu.memory_space<vmem>> -> memref<1x128x128xf32, #tpu.memory_space<vmem>>
    %dma_start3A_31 = tpu.memref_squeeze %dma_start3A_30 : memref<1x128x128xf32, #tpu.memory_space<vmem>> -> memref<128x128xf32, #tpu.memory_space<vmem>>
    %dma_start3A_32 = arith.constant 0 : i32
    %dma_start3A_33 = tpu.memref_slice %arg5[%dma_start3A_26, %dma_start3A_32] : memref<50x128xi32, #tpu.memory_space<vmem>> -> memref<1x128xi32, #tpu.memory_space<vmem>>
    %dma_start3A_34 = tpu.memref_squeeze %dma_start3A_33 : memref<1x128xi32, #tpu.memory_space<vmem>> -> memref<128xi32, #tpu.memory_space<vmem>>
    %dma_start3A_35 = arith.constant 0 : i32
    %dma_start3A_36 = arith.constant 0 : i32
    %dma_start3A_37 = tpu.memref_slice %arg2[%dma_start3A_35, %dma_start3A_36] : memref<100000x128xf32, #tpu.memory_space<hbm>> -> memref<100000x128xf32, #tpu.memory_space<hbm>>
    tpu.enqueue_indirect_dma source(%dma_start3A_37 : memref<100000x128xf32, #tpu.memory_space<hbm>>) target(%dma_start3A_31 : memref<128x128xf32, #tpu.memory_space<vmem>>) offsets(%dma_start3A_34 : memref<128xi32, #tpu.memory_space<vmem>>) semaphore(%arg9 : memref<!tpu.dma_semaphore, #tpu.memory_space<semaphore_mem>>)
    %scan3A = arith.constant 0 : i32
    %scan3A_38 = arith.constant 0 : i32
    %scan3A_39 = arith.constant 9 : i32
    %scan3A_40 = arith.addi %scan3A_38, %scan3A_39 : i32
    %scan3A_41 = arith.constant 1 : i32
    scf.for %scan3A_138 = %scan3A_38 to %scan3A_40 step %scan3A_41  : i32 {
      %mul3A_139 = arith.constant 6 : i32
      %mul3A_140 = arith.muli %scan3A_138, %mul3A_139 : i32
      %add3A_141 = arith.constant 0 : i32
      %add3A_142 = arith.addi %mul3A_140, %add3A_141 : i32
      %add3A_143 = arith.constant 3 : i32
      %add3A_144 = arith.addi %add3A_142, %add3A_143 : i32
      %lt3A = arith.constant 50 : i32
      %lt3A_145 = arith.cmpi slt, %add3A_144, %lt3A : i32
      %ge3A = arith.constant 3 : i32
      %ge3A_146 = arith.cmpi sge, %add3A_142, %ge3A : i32
      %and3A = arith.andi %lt3A_145, %ge3A_146 : i1
      %convert_element_type3A = arith.extui %and3A : i1 to i32
      %cond3A = arith.constant 0 : i32
      %cond3A_147 = arith.cmpi ne, %convert_element_type3A, %cond3A : i32
      scf.if %cond3A_147 {
        %sub3A = arith.constant 6 : i32
        %sub3A_296 = arith.subi %add3A_144, %sub3A : i32
        %dma_wait3A_297 = arith.constant 3 : i32
        %dma_wait3A_298 = arith.constant 0 : i32
        %dma_wait3A_299 = arith.constant 0 : i32
        %dma_wait3A_300 = tpu.memref_slice %arg6[%dma_wait3A_297, %dma_wait3A_298, %dma_wait3A_299] : memref<6x128x128xf32, #tpu.memory_space<vmem>> -> memref<1x128x128xf32, #tpu.memory_space<vmem>>
        %dma_wait3A_301 = tpu.memref_squeeze %dma_wait3A_300 : memref<1x128x128xf32, #tpu.memory_space<vmem>> -> memref<128x128xf32, #tpu.memory_space<vmem>>
        %dma_wait3A_302 = arith.constant 0 : i32
        %dma_wait3A_303 = tpu.memref_slice %arg4[%sub3A_296, %mul3A_2, %dma_wait3A_302] : memref<50x4096x128xf32, #tpu.memory_space<hbm>> -> memref<1x128x128xf32, #tpu.memory_space<hbm>>
        %dma_wait3A_304 = tpu.memref_squeeze %dma_wait3A_303 : memref<1x128x128xf32, #tpu.memory_space<hbm>> -> memref<128x128xf32, #tpu.memory_space<hbm>>
        %dma_wait3A_305 = arith.constant 0 : i32
        %dma_wait3A_306 = tpu.memref_slice %arg4[%sub3A_296, %mul3A_2, %dma_wait3A_305] : memref<50x4096x128xf32, #tpu.memory_space<hbm>> -> memref<1x128x128xf32, #tpu.memory_space<hbm>>
        %dma_wait3A_307 = tpu.memref_squeeze %dma_wait3A_306 : memref<1x128x128xf32, #tpu.memory_space<hbm>> -> memref<128x128xf32, #tpu.memory_space<hbm>>
        %dma_wait3A_308 = arith.constant 0 : i32
        %dma_wait3A_309 = arith.constant 0 : i32
        %dma_wait3A_310 = tpu.memref_slice %arg6[%dma_wait3A_297, %dma_wait3A_308, %dma_wait3A_309] : memref<6x128x128xf32, #tpu.memory_space<vmem>> -> memref<1x128x128xf32, #tpu.memory_space<vmem>>
        %dma_wait3A_311 = tpu.memref_squeeze %dma_wait3A_310 : memref<1x128x128xf32, #tpu.memory_space<vmem>> -> memref<128x128xf32, #tpu.memory_space<vmem>>
        tpu.wait_dma2 semaphore(%arg16 : memref<!tpu.dma_semaphore, #tpu.memory_space<semaphore_mem>>) src(%dma_wait3A_311 : memref<128x128xf32, #tpu.memory_space<vmem>>) dst(%dma_wait3A_307 : memref<128x128xf32, #tpu.memory_space<hbm>>)
        %dma_start3A_312 = arith.constant 3 : i32
        %dma_start3A_313 = arith.constant 0 : i32
        %dma_start3A_314 = arith.constant 0 : i32
        %dma_start3A_315 = tpu.memref_slice %arg6[%dma_start3A_312, %dma_start3A_313, %dma_start3A_314] : memref<6x128x128xf32, #tpu.memory_space<vmem>> -> memref<1x128x128xf32, #tpu.memory_space<vmem>>
        %dma_start3A_316 = tpu.memref_squeeze %dma_start3A_315 : memref<1x128x128xf32, #tpu.memory_space<vmem>> -> memref<128x128xf32, #tpu.memory_space<vmem>>
        %dma_start3A_317 = arith.constant 0 : i32
        %dma_start3A_318 = tpu.memref_slice %arg5[%add3A_144, %dma_start3A_317] : memref<50x128xi32, #tpu.memory_space<vmem>> -> memref<1x128xi32, #tpu.memory_space<vmem>>
        %dma_start3A_319 = tpu.memref_squeeze %dma_start3A_318 : memref<1x128xi32, #tpu.memory_space<vmem>> -> memref<128xi32, #tpu.memory_space<vmem>>
        %dma_start3A_320 = arith.constant 0 : i32
        %dma_start3A_321 = arith.constant 0 : i32
        %dma_start3A_322 = tpu.memref_slice %arg2[%dma_start3A_320, %dma_start3A_321] : memref<100000x128xf32, #tpu.memory_space<hbm>> -> memref<100000x128xf32, #tpu.memory_space<hbm>>
        tpu.enqueue_indirect_dma source(%dma_start3A_322 : memref<100000x128xf32, #tpu.memory_space<hbm>>) target(%dma_start3A_316 : memref<128x128xf32, #tpu.memory_space<vmem>>) offsets(%dma_start3A_319 : memref<128xi32, #tpu.memory_space<vmem>>) semaphore(%arg10 : memref<!tpu.dma_semaphore, #tpu.memory_space<semaphore_mem>>)
      } else {
      }
      %lt3A_148 = arith.constant 50 : i32
      %lt3A_149 = arith.cmpi slt, %add3A_144, %lt3A_148 : i32
      %lt3A_150 = arith.constant 3 : i32
      %lt3A_151 = arith.cmpi slt, %add3A_142, %lt3A_150 : i32
      %and3A_152 = arith.andi %lt3A_149, %lt3A_151 : i1
      %convert_element_type3A_153 = arith.extui %and3A_152 : i1 to i32
      %cond3A_154 = arith.constant 0 : i32
      %cond3A_155 = arith.cmpi ne, %convert_element_type3A_153, %cond3A_154 : i32
      scf.if %cond3A_155 {
        %dma_start3A_296 = arith.constant 3 : i32
        %dma_start3A_297 = arith.constant 0 : i32
        %dma_start3A_298 = arith.constant 0 : i32
        %dma_start3A_299 = tpu.memref_slice %arg6[%dma_start3A_296, %dma_start3A_297, %dma_start3A_298] : memref<6x128x128xf32, #tpu.memory_space<vmem>> -> memref<1x128x128xf32, #tpu.memory_space<vmem>>
        %dma_start3A_300 = tpu.memref_squeeze %dma_start3A_299 : memref<1x128x128xf32, #tpu.memory_space<vmem>> -> memref<128x128xf32, #tpu.memory_space<vmem>>
        %dma_start3A_301 = arith.constant 0 : i32
        %dma_start3A_302 = tpu.memref_slice %arg5[%add3A_144, %dma_start3A_301] : memref<50x128xi32, #tpu.memory_space<vmem>> -> memref<1x128xi32, #tpu.memory_space<vmem>>
        %dma_start3A_303 = tpu.memref_squeeze %dma_start3A_302 : memref<1x128xi32, #tpu.memory_space<vmem>> -> memref<128xi32, #tpu.memory_space<vmem>>
        %dma_start3A_304 = arith.constant 0 : i32
        %dma_start3A_305 = arith.constant 0 : i32
        %dma_start3A_306 = tpu.memref_slice %arg2[%dma_start3A_304, %dma_start3A_305] : memref<100000x128xf32, #tpu.memory_space<hbm>> -> memref<100000x128xf32, #tpu.memory_space<hbm>>
        tpu.enqueue_indirect_dma source(%dma_start3A_306 : memref<100000x128xf32, #tpu.memory_space<hbm>>) target(%dma_start3A_300 : memref<128x128xf32, #tpu.memory_space<vmem>>) offsets(%dma_start3A_303 : memref<128xi32, #tpu.memory_space<vmem>>) semaphore(%arg10 : memref<!tpu.dma_semaphore, #tpu.memory_space<semaphore_mem>>)
      } else {
      }
      %lt3A_156 = arith.constant 50 : i32
      %lt3A_157 = arith.cmpi slt, %add3A_142, %lt3A_156 : i32
      %convert_element_type3A_158 = arith.extui %lt3A_157 : i1 to i32
      %cond3A_159 = arith.constant 0 : i32
      %cond3A_160 = arith.cmpi ne, %convert_element_type3A_158, %cond3A_159 : i32
      scf.if %cond3A_160 {
        %dma_wait3A_296 = arith.constant 0 : i32
        %dma_wait3A_297 = arith.constant 0 : i32
        %dma_wait3A_298 = arith.constant 0 : i32
        %dma_wait3A_299 = tpu.memref_slice %arg6[%dma_wait3A_296, %dma_wait3A_297, %dma_wait3A_298] : memref<6x128x128xf32, #tpu.memory_space<vmem>> -> memref<1x128x128xf32, #tpu.memory_space<vmem>>
        %dma_wait3A_300 = tpu.memref_squeeze %dma_wait3A_299 : memref<1x128x128xf32, #tpu.memory_space<vmem>> -> memref<128x128xf32, #tpu.memory_space<vmem>>
        %dma_wait3A_301 = arith.constant 0 : i32
        %dma_wait3A_302 = tpu.memref_slice %arg5[%add3A_142, %dma_wait3A_301] : memref<50x128xi32, #tpu.memory_space<vmem>> -> memref<1x128xi32, #tpu.memory_space<vmem>>
        %dma_wait3A_303 = tpu.memref_squeeze %dma_wait3A_302 : memref<1x128xi32, #tpu.memory_space<vmem>> -> memref<128xi32, #tpu.memory_space<vmem>>
        %dma_wait3A_304 = arith.constant 0 : i32
        %dma_wait3A_305 = arith.constant 0 : i32
        %dma_wait3A_306 = tpu.memref_slice %arg2[%dma_wait3A_304, %dma_wait3A_305] : memref<100000x128xf32, #tpu.memory_space<hbm>> -> memref<100000x128xf32, #tpu.memory_space<hbm>>
        tpu.wait_indirect_dma semaphore(%arg7 : memref<!tpu.dma_semaphore, #tpu.memory_space<semaphore_mem>>) src(%dma_wait3A_306 : memref<100000x128xf32, #tpu.memory_space<hbm>>) dst(%dma_wait3A_300 : memref<128x128xf32, #tpu.memory_space<vmem>>)
        %parallel_loop3A = arith.constant 0 : i32
        %parallel_loop3A_307 = arith.constant 128 : i32
        %parallel_loop3A_308 = arith.constant 1 : i32
        scf.for %parallel_loop3A_324 = %parallel_loop3A to %parallel_loop3A_307 step %parallel_loop3A_308  : i32 {
          %parallel_loop3A_325 = arith.constant 0 : i32
          %parallel_loop3A_326 = arith.index_cast %parallel_loop3A_325 : i32 to index
          %parallel_loop3A_327 = arith.index_cast %parallel_loop3A_324 : i32 to index
          %parallel_loop3A_328 = arith.constant 0 : index
          %parallel_loop3A_329 = tpu.vector_load %arg6[%parallel_loop3A_326, %parallel_loop3A_327, %parallel_loop3A_328] {strides = array<i32>} : memref<6x128x128xf32, #tpu.memory_space<vmem>>, vector<1x1x16xf32>,
          %parallel_loop3A_330 = vector.shape_cast %parallel_loop3A_329 : vector<1x1x16xf32> to vector<16xf32>
          %parallel_loop3A_331 = arith.constant 11.3137083 : f32
          %parallel_loop3A_332 = vector.broadcast %parallel_loop3A_331 : f32 to vector<16xf32>
          %parallel_loop3A_333 = arith.mulf %parallel_loop3A_330, %parallel_loop3A_332 : vector<16xf32>
          %parallel_loop3A_334 = arith.constant 0 : i32
          %parallel_loop3A_335 = arith.index_cast %parallel_loop3A_334 : i32 to index
          %parallel_loop3A_336 = arith.index_cast %parallel_loop3A_324 : i32 to index
          %parallel_loop3A_337 = arith.constant 0 : index
          %parallel_loop3A_338 = tpu.vector_load %arg6[%parallel_loop3A_335, %parallel_loop3A_336, %parallel_loop3A_337] {strides = array<i32>} : memref<6x128x128xf32, #tpu.memory_space<vmem>>, vector<1x1x16xf32>,
          %parallel_loop3A_339 = vector.shape_cast %parallel_loop3A_338 : vector<1x1x16xf32> to vector<16xf32>
          %parallel_loop3A_340 = vector.shape_cast %parallel_loop3A_333 : vector<16xf32> to vector<1x1x16xf32>
          tpu.vector_store %arg6[%parallel_loop3A_335, %parallel_loop3A_336, %parallel_loop3A_337], %parallel_loop3A_340 {strides = array<i32>} : memref<6x128x128xf32, #tpu.memory_space<vmem>>, vector<1x1x16xf32>,
          %parallel_loop3A_341 = arith.constant 0 : i32
          %parallel_loop3A_342 = arith.index_cast %parallel_loop3A_341 : i32 to index
          %parallel_loop3A_343 = arith.index_cast %parallel_loop3A_324 : i32 to index
          %parallel_loop3A_344 = arith.constant 16 : index
          %parallel_loop3A_345 = tpu.vector_load %arg6[%parallel_loop3A_342, %parallel_loop3A_343, %parallel_loop3A_344] {strides = array<i32>} : memref<6x128x128xf32, #tpu.memory_space<vmem>>, vector<1x1x16xf32>,
          %parallel_loop3A_346 = vector.shape_cast %parallel_loop3A_345 : vector<1x1x16xf32> to vector<16xf32>
          %parallel_loop3A_347 = arith.constant 11.3137083 : f32
          %parallel_loop3A_348 = vector.broadcast %parallel_loop3A_347 : f32 to vector<16xf32>
          %parallel_loop3A_349 = arith.mulf %parallel_loop3A_346, %parallel_loop3A_348 : vector<16xf32>
          %parallel_loop3A_350 = arith.constant 0 : i32
          %parallel_loop3A_351 = arith.index_cast %parallel_loop3A_350 : i32 to index
          %parallel_loop3A_352 = arith.index_cast %parallel_loop3A_324 : i32 to index
          %parallel_loop3A_353 = arith.constant 16 : index
          %parallel_loop3A_354 = tpu.vector_load %arg6[%parallel_loop3A_351, %parallel_loop3A_352, %parallel_loop3A_353] {strides = array<i32>} : memref<6x128x128xf32, #tpu.memory_space<vmem>>, vector<1x1x16xf32>,
          %parallel_loop3A_355 = vector.shape_cast %parallel_loop3A_354 : vector<1x1x16xf32> to vector<16xf32>
          %parallel_loop3A_356 = vector.shape_cast %parallel_loop3A_349 : vector<16xf32> to vector<1x1x16xf32>
          tpu.vector_store %arg6[%parallel_loop3A_351, %parallel_loop3A_352, %parallel_loop3A_353], %parallel_loop3A_356 {strides = array<i32>} : memref<6x128x128xf32, #tpu.memory_space<vmem>>, vector<1x1x16xf32>,
          %parallel_loop3A_357 = arith.constant 0 : i32
          %parallel_loop3A_358 = arith.index_cast %parallel_loop3A_357 : i32 to index
          %parallel_loop3A_359 = arith.index_cast %parallel_loop3A_324 : i32 to index
          %parallel_loop3A_360 = arith.constant 32 : index
          %parallel_loop3A_361 = tpu.vector_load %arg6[%parallel_loop3A_358, %parallel_loop3A_359, %parallel_loop3A_360] {strides = array<i32>} : memref<6x128x128xf32, #tpu.memory_space<vmem>>, vector<1x1x16xf32>,
          %parallel_loop3A_362 = vector.shape_cast %parallel_loop3A_361 : vector<1x1x16xf32> to vector<16xf32>
          %parallel_loop3A_363 = arith.constant 11.3137083 : f32
          %parallel_loop3A_364 = vector.broadcast %parallel_loop3A_363 : f32 to vector<16xf32>
          %parallel_loop3A_365 = arith.mulf %parallel_loop3A_362, %parallel_loop3A_364 : vector<16xf32>
          %parallel_loop3A_366 = arith.constant 0 : i32
          %parallel_loop3A_367 = arith.index_cast %parallel_loop3A_366 : i32 to index
          %parallel_loop3A_368 = arith.index_cast %parallel_loop3A_324 : i32 to index
          %parallel_loop3A_369 = arith.constant 32 : index
          %parallel_loop3A_370 = tpu.vector_load %arg6[%parallel_loop3A_367, %parallel_loop3A_368, %parallel_loop3A_369] {strides = array<i32>} : memref<6x128x128xf32, #tpu.memory_space<vmem>>, vector<1x1x16xf32>,
          %parallel_loop3A_371 = vector.shape_cast %parallel_loop3A_370 : vector<1x1x16xf32> to vector<16xf32>
          %parallel_loop3A_372 = vector.shape_cast %parallel_loop3A_365 : vector<16xf32> to vector<1x1x16xf32>
          tpu.vector_store %arg6[%parallel_loop3A_367, %parallel_loop3A_368, %parallel_loop3A_369], %parallel_loop3A_372 {strides = array<i32>} : memref<6x128x128xf32, #tpu.memory_space<vmem>>, vector<1x1x16xf32>,
          %parallel_loop3A_373 = arith.constant 0 : i32
          %parallel_loop3A_374 = arith.index_cast %parallel_loop3A_373 : i32 to index
          %parallel_loop3A_375 = arith.index_cast %parallel_loop3A_324 : i32 to index
          %parallel_loop3A_376 = arith.constant 48 : index
          %parallel_loop3A_377 = tpu.vector_load %arg6[%parallel_loop3A_374, %parallel_loop3A_375, %parallel_loop3A_376] {strides = array<i32>} : memref<6x128x128xf32, #tpu.memory_space<vmem>>, vector<1x1x16xf32>,
          %parallel_loop3A_378 = vector.shape_cast %parallel_loop3A_377 : vector<1x1x16xf32> to vector<16xf32>
          %parallel_loop3A_379 = arith.constant 11.3137083 : f32
          %parallel_loop3A_380 = vector.broadcast %parallel_loop3A_379 : f32 to vector<16xf32>
          %parallel_loop3A_381 = arith.mulf %parallel_loop3A_378, %parallel_loop3A_380 : vector<16xf32>
          %parallel_loop3A_382 = arith.constant 0 : i32
          %parallel_loop3A_383 = arith.index_cast %parallel_loop3A_382 : i32 to index
          %parallel_loop3A_384 = arith.index_cast %parallel_loop3A_324 : i32 to index
          %parallel_loop3A_385 = arith.constant 48 : index
          %parallel_loop3A_386 = tpu.vector_load %arg6[%parallel_loop3A_383, %parallel_loop3A_384, %parallel_loop3A_385] {strides = array<i32>} : memref<6x128x128xf32, #tpu.memory_space<vmem>>, vector<1x1x16xf32>,
          %parallel_loop3A_387 = vector.shape_cast %parallel_loop3A_386 : vector<1x1x16xf32> to vector<16xf32>
          %parallel_loop3A_388 = vector.shape_cast %parallel_loop3A_381 : vector<16xf32> to vector<1x1x16xf32>
          tpu.vector_store %arg6[%parallel_loop3A_383, %parallel_loop3A_384, %parallel_loop3A_385], %parallel_loop3A_388 {strides = array<i32>} : memref<6x128x128xf32, #tpu.memory_space<vmem>>, vector<1x1x16xf32>,
          %parallel_loop3A_389 = arith.constant 0 : i32
          %parallel_loop3A_390 = arith.index_cast %parallel_loop3A_389 : i32 to index
          %parallel_loop3A_391 = arith.index_cast %parallel_loop3A_324 : i32 to index
          %parallel_loop3A_392 = arith.constant 64 : index
          %parallel_loop3A_393 = tpu.vector_load %arg6[%parallel_loop3A_390, %parallel_loop3A_391, %parallel_loop3A_392] {strides = array<i32>} : memref<6x128x128xf32, #tpu.memory_space<vmem>>, vector<1x1x16xf32>,
          %parallel_loop3A_394 = vector.shape_cast %parallel_loop3A_393 : vector<1x1x16xf32> to vector<16xf32>
          %parallel_loop3A_395 = arith.constant 11.3137083 : f32
          %parallel_loop3A_396 = vector.broadcast %parallel_loop3A_395 : f32 to vector<16xf32>
          %parallel_loop3A_397 = arith.mulf %parallel_loop3A_394, %parallel_loop3A_396 : vector<16xf32>
          %parallel_loop3A_398 = arith.constant 0 : i32
          %parallel_loop3A_399 = arith.index_cast %parallel_loop3A_398 : i32 to index
          %parallel_loop3A_400 = arith.index_cast %parallel_loop3A_324 : i32 to index
          %parallel_loop3A_401 = arith.constant 64 : index
          %parallel_loop3A_402 = tpu.vector_load %arg6[%parallel_loop3A_399, %parallel_loop3A_400, %parallel_loop3A_401] {strides = array<i32>} : memref<6x128x128xf32, #tpu.memory_space<vmem>>, vector<1x1x16xf32>,
          %parallel_loop3A_403 = vector.shape_cast %parallel_loop3A_402 : vector<1x1x16xf32> to vector<16xf32>
          %parallel_loop3A_404 = vector.shape_cast %parallel_loop3A_397 : vector<16xf32> to vector<1x1x16xf32>
          tpu.vector_store %arg6[%parallel_loop3A_399, %parallel_loop3A_400, %parallel_loop3A_401], %parallel_loop3A_404 {strides = array<i32>} : memref<6x128x128xf32, #tpu.memory_space<vmem>>, vector<1x1x16xf32>,
          %parallel_loop3A_405 = arith.constant 0 : i32
          %parallel_loop3A_406 = arith.index_cast %parallel_loop3A_405 : i32 to index
          %parallel_loop3A_407 = arith.index_cast %parallel_loop3A_324 : i32 to index
          %parallel_loop3A_408 = arith.constant 80 : index
          %parallel_loop3A_409 = tpu.vector_load %arg6[%parallel_loop3A_406, %parallel_loop3A_407, %parallel_loop3A_408] {strides = array<i32>} : memref<6x128x128xf32, #tpu.memory_space<vmem>>, vector<1x1x16xf32>,
          %parallel_loop3A_410 = vector.shape_cast %parallel_loop3A_409 : vector<1x1x16xf32> to vector<16xf32>
          %parallel_loop3A_411 = arith.constant 11.3137083 : f32
          %parallel_loop3A_412 = vector.broadcast %parallel_loop3A_411 : f32 to vector<16xf32>
          %parallel_loop3A_413 = arith.mulf %parallel_loop3A_410, %parallel_loop3A_412 : vector<16xf32>
          %parallel_loop3A_414 = arith.constant 0 : i32
          %parallel_loop3A_415 = arith.index_cast %parallel_loop3A_414 : i32 to index
          %parallel_loop3A_416 = arith.index_cast %parallel_loop3A_324 : i32 to index
          %parallel_loop3A_417 = arith.constant 80 : index
          %parallel_loop3A_418 = tpu.vector_load %arg6[%parallel_loop3A_415, %parallel_loop3A_416, %parallel_loop3A_417] {strides = array<i32>} : memref<6x128x128xf32, #tpu.memory_space<vmem>>, vector<1x1x16xf32>,
          %parallel_loop3A_419 = vector.shape_cast %parallel_loop3A_418 : vector<1x1x16xf32> to vector<16xf32>
          %parallel_loop3A_420 = vector.shape_cast %parallel_loop3A_413 : vector<16xf32> to vector<1x1x16xf32>
          tpu.vector_store %arg6[%parallel_loop3A_415, %parallel_loop3A_416, %parallel_loop3A_417], %parallel_loop3A_420 {strides = array<i32>} : memref<6x128x128xf32, #tpu.memory_space<vmem>>, vector<1x1x16xf32>,
          %parallel_loop3A_421 = arith.constant 0 : i32
          %parallel_loop3A_422 = arith.index_cast %parallel_loop3A_421 : i32 to index
          %parallel_loop3A_423 = arith.index_cast %parallel_loop3A_324 : i32 to index
          %parallel_loop3A_424 = arith.constant 96 : index
          %parallel_loop3A_425 = tpu.vector_load %arg6[%parallel_loop3A_422, %parallel_loop3A_423, %parallel_loop3A_424] {strides = array<i32>} : memref<6x128x128xf32, #tpu.memory_space<vmem>>, vector<1x1x16xf32>,
          %parallel_loop3A_426 = vector.shape_cast %parallel_loop3A_425 : vector<1x1x16xf32> to vector<16xf32>
          %parallel_loop3A_427 = arith.constant 11.3137083 : f32
          %parallel_loop3A_428 = vector.broadcast %parallel_loop3A_427 : f32 to vector<16xf32>
          %parallel_loop3A_429 = arith.mulf %parallel_loop3A_426, %parallel_loop3A_428 : vector<16xf32>
          %parallel_loop3A_430 = arith.constant 0 : i32
          %parallel_loop3A_431 = arith.index_cast %parallel_loop3A_430 : i32 to index
          %parallel_loop3A_432 = arith.index_cast %parallel_loop3A_324 : i32 to index
          %parallel_loop3A_433 = arith.constant 96 : index
          %parallel_loop3A_434 = tpu.vector_load %arg6[%parallel_loop3A_431, %parallel_loop3A_432, %parallel_loop3A_433] {strides = array<i32>} : memref<6x128x128xf32, #tpu.memory_space<vmem>>, vector<1x1x16xf32>,
          %parallel_loop3A_435 = vector.shape_cast %parallel_loop3A_434 : vector<1x1x16xf32> to vector<16xf32>
          %parallel_loop3A_436 = vector.shape_cast %parallel_loop3A_429 : vector<16xf32> to vector<1x1x16xf32>
          tpu.vector_store %arg6[%parallel_loop3A_431, %parallel_loop3A_432, %parallel_loop3A_433], %parallel_loop3A_436 {strides = array<i32>} : memref<6x128x128xf32, #tpu.memory_space<vmem>>, vector<1x1x16xf32>,
          %parallel_loop3A_437 = arith.constant 0 : i32
          %parallel_loop3A_438 = arith.index_cast %parallel_loop3A_437 : i32 to index
          %parallel_loop3A_439 = arith.index_cast %parallel_loop3A_324 : i32 to index
          %parallel_loop3A_440 = arith.constant 112 : index
          %parallel_loop3A_441 = tpu.vector_load %arg6[%parallel_loop3A_438, %parallel_loop3A_439, %parallel_loop3A_440] {strides = array<i32>} : memref<6x128x128xf32, #tpu.memory_space<vmem>>, vector<1x1x16xf32>,
          %parallel_loop3A_442 = vector.shape_cast %parallel_loop3A_441 : vector<1x1x16xf32> to vector<16xf32>
          %parallel_loop3A_443 = arith.constant 11.3137083 : f32
          %parallel_loop3A_444 = vector.broadcast %parallel_loop3A_443 : f32 to vector<16xf32>
          %parallel_loop3A_445 = arith.mulf %parallel_loop3A_442, %parallel_loop3A_444 : vector<16xf32>
          %parallel_loop3A_446 = arith.constant 0 : i32
          %parallel_loop3A_447 = arith.index_cast %parallel_loop3A_446 : i32 to index
          %parallel_loop3A_448 = arith.index_cast %parallel_loop3A_324 : i32 to index
          %parallel_loop3A_449 = arith.constant 112 : index
          %parallel_loop3A_450 = tpu.vector_load %arg6[%parallel_loop3A_447, %parallel_loop3A_448, %parallel_loop3A_449] {strides = array<i32>} : memref<6x128x128xf32, #tpu.memory_space<vmem>>, vector<1x1x16xf32>,
          %parallel_loop3A_451 = vector.shape_cast %parallel_loop3A_450 : vector<1x1x16xf32> to vector<16xf32>
          %parallel_loop3A_452 = vector.shape_cast %parallel_loop3A_445 : vector<16xf32> to vector<1x1x16xf32>
          tpu.vector_store %arg6[%parallel_loop3A_447, %parallel_loop3A_448, %parallel_loop3A_449], %parallel_loop3A_452 {strides = array<i32>} : memref<6x128x128xf32, #tpu.memory_space<vmem>>, vector<1x1x16xf32>,
        } {sc.loop_unroll_factor = 2 : i64, sc.parallel_access}
        %dma_start3A_309 = arith.constant 0 : i32
        %dma_start3A_310 = arith.constant 0 : i32
        %dma_start3A_311 = arith.constant 0 : i32
        %dma_start3A_312 = tpu.memref_slice %arg6[%dma_start3A_309, %dma_start3A_310, %dma_start3A_311] : memref<6x128x128xf32, #tpu.memory_space<vmem>> -> memref<1x128x128xf32, #tpu.memory_space<vmem>>
        %dma_start3A_313 = tpu.memref_squeeze %dma_start3A_312 : memref<1x128x128xf32, #tpu.memory_space<vmem>> -> memref<128x128xf32, #tpu.memory_space<vmem>>
        %dma_start3A_314 = arith.constant 0 : i32
        %dma_start3A_315 = tpu.memref_slice %arg4[%add3A_142, %mul3A_2, %dma_start3A_314] : memref<50x4096x128xf32, #tpu.memory_space<hbm>> -> memref<1x128x128xf32, #tpu.memory_space<hbm>>
        %dma_start3A_316 = tpu.memref_squeeze %dma_start3A_315 : memref<1x128x128xf32, #tpu.memory_space<hbm>> -> memref<128x128xf32, #tpu.memory_space<hbm>>
        %dma_start3A_317 = arith.constant 0 : i32
        %dma_start3A_318 = tpu.memref_slice %arg4[%add3A_142, %mul3A_2, %dma_start3A_317] : memref<50x4096x128xf32, #tpu.memory_space<hbm>> -> memref<1x128x128xf32, #tpu.memory_space<hbm>>
        %dma_start3A_319 = tpu.memref_squeeze %dma_start3A_318 : memref<1x128x128xf32, #tpu.memory_space<hbm>> -> memref<128x128xf32, #tpu.memory_space<hbm>>
        %dma_start3A_320 = arith.constant 0 : i32
        %dma_start3A_321 = arith.constant 0 : i32
        %dma_start3A_322 = tpu.memref_slice %arg6[%dma_start3A_309, %dma_start3A_320, %dma_start3A_321] : memref<6x128x128xf32, #tpu.memory_space<vmem>> -> memref<1x128x128xf32, #tpu.memory_space<vmem>>
        %dma_start3A_323 = tpu.memref_squeeze %dma_start3A_322 : memref<1x128x128xf32, #tpu.memory_space<vmem>> -> memref<128x128xf32, #tpu.memory_space<vmem>>
        tpu.enqueue_dma source(%dma_start3A_323 : memref<128x128xf32, #tpu.memory_space<vmem>>) target(%dma_start3A_319 : memref<128x128xf32, #tpu.memory_space<hbm>>) target_semaphore(%arg13 : memref<!tpu.dma_semaphore, #tpu.memory_space<semaphore_mem>>)
      } else {
      }
      %mul3A_161 = arith.constant 6 : i32
      %mul3A_162 = arith.muli %scan3A_138, %mul3A_161 : i32
      %add3A_163 = arith.constant 1 : i32
      %add3A_164 = arith.addi %mul3A_162, %add3A_163 : i32
      %add3A_165 = arith.constant 3 : i32
      %add3A_166 = arith.addi %add3A_164, %add3A_165 : i32
      %lt3A_167 = arith.constant 50 : i32
      %lt3A_168 = arith.cmpi slt, %add3A_166, %lt3A_167 : i32
      %ge3A_169 = arith.constant 3 : i32
      %ge3A_170 = arith.cmpi sge, %add3A_164, %ge3A_169 : i32
      %and3A_171 = arith.andi %lt3A_168, %ge3A_170 : i1
      %convert_element_type3A_172 = arith.extui %and3A_171 : i1 to i32
      %cond3A_173 = arith.constant 0 : i32
      %cond3A_174 = arith.cmpi ne, %convert_element_type3A_172, %cond3A_173 : i32
      scf.if %cond3A_174 {
        %sub3A = arith.constant 6 : i32
        %sub3A_296 = arith.subi %add3A_166, %sub3A : i32
        %dma_wait3A_297 = arith.constant 4 : i32
        %dma_wait3A_298 = arith.constant 0 : i32
        %dma_wait3A_299 = arith.constant 0 : i32
        %dma_wait3A_300 = tpu.memref_slice %arg6[%dma_wait3A_297, %dma_wait3A_298, %dma_wait3A_299] : memref<6x128x128xf32, #tpu.memory_space<vmem>> -> memref<1x128x128xf32, #tpu.memory_space<vmem>>
        %dma_wait3A_301 = tpu.memref_squeeze %dma_wait3A_300 : memref<1x128x128xf32, #tpu.memory_space<vmem>> -> memref<128x128xf32, #tpu.memory_space<vmem>>
        %dma_wait3A_302 = arith.constant 0 : i32
        %dma_wait3A_303 = tpu.memref_slice %arg4[%sub3A_296, %mul3A_2, %dma_wait3A_302] : memref<50x4096x128xf32, #tpu.memory_space<hbm>> -> memref<1x128x128xf32, #tpu.memory_space<hbm>>
        %dma_wait3A_304 = tpu.memref_squeeze %dma_wait3A_303 : memref<1x128x128xf32, #tpu.memory_space<hbm>> -> memref<128x128xf32, #tpu.memory_space<hbm>>
        %dma_wait3A_305 = arith.constant 0 : i32
        %dma_wait3A_306 = tpu.memref_slice %arg4[%sub3A_296, %mul3A_2, %dma_wait3A_305] : memref<50x4096x128xf32, #tpu.memory_space<hbm>> -> memref<1x128x128xf32, #tpu.memory_space<hbm>>
        %dma_wait3A_307 = tpu.memref_squeeze %dma_wait3A_306 : memref<1x128x128xf32, #tpu.memory_space<hbm>> -> memref<128x128xf32, #tpu.memory_space<hbm>>
        %dma_wait3A_308 = arith.constant 0 : i32
        %dma_wait3A_309 = arith.constant 0 : i32
        %dma_wait3A_310 = tpu.memref_slice %arg6[%dma_wait3A_297, %dma_wait3A_308, %dma_wait3A_309] : memref<6x128x128xf32, #tpu.memory_space<vmem>> -> memref<1x128x128xf32, #tpu.memory_space<vmem>>
        %dma_wait3A_311 = tpu.memref_squeeze %dma_wait3A_310 : memref<1x128x128xf32, #tpu.memory_space<vmem>> -> memref<128x128xf32, #tpu.memory_space<vmem>>
        tpu.wait_dma2 semaphore(%arg17 : memref<!tpu.dma_semaphore, #tpu.memory_space<semaphore_mem>>) src(%dma_wait3A_311 : memref<128x128xf32, #tpu.memory_space<vmem>>) dst(%dma_wait3A_307 : memref<128x128xf32, #tpu.memory_space<hbm>>)
        %dma_start3A_312 = arith.constant 4 : i32
        %dma_start3A_313 = arith.constant 0 : i32
        %dma_start3A_314 = arith.constant 0 : i32
        %dma_start3A_315 = tpu.memref_slice %arg6[%dma_start3A_312, %dma_start3A_313, %dma_start3A_314] : memref<6x128x128xf32, #tpu.memory_space<vmem>> -> memref<1x128x128xf32, #tpu.memory_space<vmem>>
        %dma_start3A_316 = tpu.memref_squeeze %dma_start3A_315 : memref<1x128x128xf32, #tpu.memory_space<vmem>> -> memref<128x128xf32, #tpu.memory_space<vmem>>
        %dma_start3A_317 = arith.constant 0 : i32
        %dma_start3A_318 = tpu.memref_slice %arg5[%add3A_166, %dma_start3A_317] : memref<50x128xi32, #tpu.memory_space<vmem>> -> memref<1x128xi32, #tpu.memory_space<vmem>>
        %dma_start3A_319 = tpu.memref_squeeze %dma_start3A_318 : memref<1x128xi32, #tpu.memory_space<vmem>> -> memref<128xi32, #tpu.memory_space<vmem>>
        %dma_start3A_320 = arith.constant 0 : i32
        %dma_start3A_321 = arith.constant 0 : i32
        %dma_start3A_322 = tpu.memref_slice %arg2[%dma_start3A_320, %dma_start3A_321] : memref<100000x128xf32, #tpu.memory_space<hbm>> -> memref<100000x128xf32, #tpu.memory_space<hbm>>
        tpu.enqueue_indirect_dma source(%dma_start3A_322 : memref<100000x128xf32, #tpu.memory_space<hbm>>) target(%dma_start3A_316 : memref<128x128xf32, #tpu.memory_space<vmem>>) offsets(%dma_start3A_319 : memref<128xi32, #tpu.memory_space<vmem>>) semaphore(%arg11 : memref<!tpu.dma_semaphore, #tpu.memory_space<semaphore_mem>>)
      } else {
      }
      %lt3A_175 = arith.constant 50 : i32
      %lt3A_176 = arith.cmpi slt, %add3A_166, %lt3A_175 : i32
      %lt3A_177 = arith.constant 3 : i32
      %lt3A_178 = arith.cmpi slt, %add3A_164, %lt3A_177 : i32
      %and3A_179 = arith.andi %lt3A_176, %lt3A_178 : i1
      %convert_element_type3A_180 = arith.extui %and3A_179 : i1 to i32
      %cond3A_181 = arith.constant 0 : i32
      %cond3A_182 = arith.cmpi ne, %convert_element_type3A_180, %cond3A_181 : i32
      scf.if %cond3A_182 {
        %dma_start3A_296 = arith.constant 4 : i32
        %dma_start3A_297 = arith.constant 0 : i32
        %dma_start3A_298 = arith.constant 0 : i32
        %dma_start3A_299 = tpu.memref_slice %arg6[%dma_start3A_296, %dma_start3A_297, %dma_start3A_298] : memref<6x128x128xf32, #tpu.memory_space<vmem>> -> memref<1x128x128xf32, #tpu.memory_space<vmem>>
        %dma_start3A_300 = tpu.memref_squeeze %dma_start3A_299 : memref<1x128x128xf32, #tpu.memory_space<vmem>> -> memref<128x128xf32, #tpu.memory_space<vmem>>
        %dma_start3A_301 = arith.constant 0 : i32
        %dma_start3A_302 = tpu.memref_slice %arg5[%add3A_166, %dma_start3A_301] : memref<50x128xi32, #tpu.memory_space<vmem>> -> memref<1x128xi32, #tpu.memory_space<vmem>>
        %dma_start3A_303 = tpu.memref_squeeze %dma_start3A_302 : memref<1x128xi32, #tpu.memory_space<vmem>> -> memref<128xi32, #tpu.memory_space<vmem>>
        %dma_start3A_304 = arith.constant 0 : i32
        %dma_start3A_305 = arith.constant 0 : i32
        %dma_start3A_306 = tpu.memref_slice %arg2[%dma_start3A_304, %dma_start3A_305] : memref<100000x128xf32, #tpu.memory_space<hbm>> -> memref<100000x128xf32, #tpu.memory_space<hbm>>
        tpu.enqueue_indirect_dma source(%dma_start3A_306 : memref<100000x128xf32, #tpu.memory_space<hbm>>) target(%dma_start3A_300 : memref<128x128xf32, #tpu.memory_space<vmem>>) offsets(%dma_start3A_303 : memref<128xi32, #tpu.memory_space<vmem>>) semaphore(%arg11 : memref<!tpu.dma_semaphore, #tpu.memory_space<semaphore_mem>>)
      } else {
      }
      %lt3A_183 = arith.constant 50 : i32
      %lt3A_184 = arith.cmpi slt, %add3A_164, %lt3A_183 : i32
      %convert_element_type3A_185 = arith.extui %lt3A_184 : i1 to i32
      %cond3A_186 = arith.constant 0 : i32
      %cond3A_187 = arith.cmpi ne, %convert_element_type3A_185, %cond3A_186 : i32
      scf.if %cond3A_187 {
        %dma_wait3A_296 = arith.constant 1 : i32
        %dma_wait3A_297 = arith.constant 0 : i32
        %dma_wait3A_298 = arith.constant 0 : i32
        %dma_wait3A_299 = tpu.memref_slice %arg6[%dma_wait3A_296, %dma_wait3A_297, %dma_wait3A_298] : memref<6x128x128xf32, #tpu.memory_space<vmem>> -> memref<1x128x128xf32, #tpu.memory_space<vmem>>
        %dma_wait3A_300 = tpu.memref_squeeze %dma_wait3A_299 : memref<1x128x128xf32, #tpu.memory_space<vmem>> -> memref<128x128xf32, #tpu.memory_space<vmem>>
        %dma_wait3A_301 = arith.constant 0 : i32
        %dma_wait3A_302 = tpu.memref_slice %arg5[%add3A_164, %dma_wait3A_301] : memref<50x128xi32, #tpu.memory_space<vmem>> -> memref<1x128xi32, #tpu.memory_space<vmem>>
        %dma_wait3A_303 = tpu.memref_squeeze %dma_wait3A_302 : memref<1x128xi32, #tpu.memory_space<vmem>> -> memref<128xi32, #tpu.memory_space<vmem>>
        %dma_wait3A_304 = arith.constant 0 : i32
        %dma_wait3A_305 = arith.constant 0 : i32
        %dma_wait3A_306 = tpu.memref_slice %arg2[%dma_wait3A_304, %dma_wait3A_305] : memref<100000x128xf32, #tpu.memory_space<hbm>> -> memref<100000x128xf32, #tpu.memory_space<hbm>>
        tpu.wait_indirect_dma semaphore(%arg8 : memref<!tpu.dma_semaphore, #tpu.memory_space<semaphore_mem>>) src(%dma_wait3A_306 : memref<100000x128xf32, #tpu.memory_space<hbm>>) dst(%dma_wait3A_300 : memref<128x128xf32, #tpu.memory_space<vmem>>)
        %parallel_loop3A = arith.constant 0 : i32
        %parallel_loop3A_307 = arith.constant 128 : i32
        %parallel_loop3A_308 = arith.constant 1 : i32
        scf.for %parallel_loop3A_324 = %parallel_loop3A to %parallel_loop3A_307 step %parallel_loop3A_308  : i32 {
          %parallel_loop3A_325 = arith.constant 1 : i32
          %parallel_loop3A_326 = arith.index_cast %parallel_loop3A_325 : i32 to index
          %parallel_loop3A_327 = arith.index_cast %parallel_loop3A_324 : i32 to index
          %parallel_loop3A_328 = arith.constant 0 : index
          %parallel_loop3A_329 = tpu.vector_load %arg6[%parallel_loop3A_326, %parallel_loop3A_327, %parallel_loop3A_328] {strides = array<i32>} : memref<6x128x128xf32, #tpu.memory_space<vmem>>, vector<1x1x16xf32>,
          %parallel_loop3A_330 = vector.shape_cast %parallel_loop3A_329 : vector<1x1x16xf32> to vector<16xf32>
          %parallel_loop3A_331 = arith.constant 11.3137083 : f32
          %parallel_loop3A_332 = vector.broadcast %parallel_loop3A_331 : f32 to vector<16xf32>
          %parallel_loop3A_333 = arith.mulf %parallel_loop3A_330, %parallel_loop3A_332 : vector<16xf32>
          %parallel_loop3A_334 = arith.constant 1 : i32
          %parallel_loop3A_335 = arith.index_cast %parallel_loop3A_334 : i32 to index
          %parallel_loop3A_336 = arith.index_cast %parallel_loop3A_324 : i32 to index
          %parallel_loop3A_337 = arith.constant 0 : index
          %parallel_loop3A_338 = tpu.vector_load %arg6[%parallel_loop3A_335, %parallel_loop3A_336, %parallel_loop3A_337] {strides = array<i32>} : memref<6x128x128xf32, #tpu.memory_space<vmem>>, vector<1x1x16xf32>,
          %parallel_loop3A_339 = vector.shape_cast %parallel_loop3A_338 : vector<1x1x16xf32> to vector<16xf32>
          %parallel_loop3A_340 = vector.shape_cast %parallel_loop3A_333 : vector<16xf32> to vector<1x1x16xf32>
          tpu.vector_store %arg6[%parallel_loop3A_335, %parallel_loop3A_336, %parallel_loop3A_337], %parallel_loop3A_340 {strides = array<i32>} : memref<6x128x128xf32, #tpu.memory_space<vmem>>, vector<1x1x16xf32>,
          %parallel_loop3A_341 = arith.constant 1 : i32
          %parallel_loop3A_342 = arith.index_cast %parallel_loop3A_341 : i32 to index
          %parallel_loop3A_343 = arith.index_cast %parallel_loop3A_324 : i32 to index
          %parallel_loop3A_344 = arith.constant 16 : index
          %parallel_loop3A_345 = tpu.vector_load %arg6[%parallel_loop3A_342, %parallel_loop3A_343, %parallel_loop3A_344] {strides = array<i32>} : memref<6x128x128xf32, #tpu.memory_space<vmem>>, vector<1x1x16xf32>,
          %parallel_loop3A_346 = vector.shape_cast %parallel_loop3A_345 : vector<1x1x16xf32> to vector<16xf32>
          %parallel_loop3A_347 = arith.constant 11.3137083 : f32
          %parallel_loop3A_348 = vector.broadcast %parallel_loop3A_347 : f32 to vector<16xf32>
          %parallel_loop3A_349 = arith.mulf %parallel_loop3A_346, %parallel_loop3A_348 : vector<16xf32>
          %parallel_loop3A_350 = arith.constant 1 : i32
          %parallel_loop3A_351 = arith.index_cast %parallel_loop3A_350 : i32 to index
          %parallel_loop3A_352 = arith.index_cast %parallel_loop3A_324 : i32 to index
          %parallel_loop3A_353 = arith.constant 16 : index
          %parallel_loop3A_354 = tpu.vector_load %arg6[%parallel_loop3A_351, %parallel_loop3A_352, %parallel_loop3A_353] {strides = array<i32>} : memref<6x128x128xf32, #tpu.memory_space<vmem>>, vector<1x1x16xf32>,
          %parallel_loop3A_355 = vector.shape_cast %parallel_loop3A_354 : vector<1x1x16xf32> to vector<16xf32>
          %parallel_loop3A_356 = vector.shape_cast %parallel_loop3A_349 : vector<16xf32> to vector<1x1x16xf32>
          tpu.vector_store %arg6[%parallel_loop3A_351, %parallel_loop3A_352, %parallel_loop3A_353], %parallel_loop3A_356 {strides = array<i32>} : memref<6x128x128xf32, #tpu.memory_space<vmem>>, vector<1x1x16xf32>,
          %parallel_loop3A_357 = arith.constant 1 : i32
          %parallel_loop3A_358 = arith.index_cast %parallel_loop3A_357 : i32 to index
          %parallel_loop3A_359 = arith.index_cast %parallel_loop3A_324 : i32 to index
          %parallel_loop3A_360 = arith.constant 32 : index
          %parallel_loop3A_361 = tpu.vector_load %arg6[%parallel_loop3A_358, %parallel_loop3A_359, %parallel_loop3A_360] {strides = array<i32>} : memref<6x128x128xf32, #tpu.memory_space<vmem>>, vector<1x1x16xf32>,
          %parallel_loop3A_362 = vector.shape_cast %parallel_loop3A_361 : vector<1x1x16xf32> to vector<16xf32>
          %parallel_loop3A_363 = arith.constant 11.3137083 : f32
          %parallel_loop3A_364 = vector.broadcast %parallel_loop3A_363 : f32 to vector<16xf32>
          %parallel_loop3A_365 = arith.mulf %parallel_loop3A_362, %parallel_loop3A_364 : vector<16xf32>
          %parallel_loop3A_366 = arith.constant 1 : i32
          %parallel_loop3A_367 = arith.index_cast %parallel_loop3A_366 : i32 to index
          %parallel_loop3A_368 = arith.index_cast %parallel_loop3A_324 : i32 to index
          %parallel_loop3A_369 = arith.constant 32 : index
          %parallel_loop3A_370 = tpu.vector_load %arg6[%parallel_loop3A_367, %parallel_loop3A_368, %parallel_loop3A_369] {strides = array<i32>} : memref<6x128x128xf32, #tpu.memory_space<vmem>>, vector<1x1x16xf32>,
          %parallel_loop3A_371 = vector.shape_cast %parallel_loop3A_370 : vector<1x1x16xf32> to vector<16xf32>
          %parallel_loop3A_372 = vector.shape_cast %parallel_loop3A_365 : vector<16xf32> to vector<1x1x16xf32>
          tpu.vector_store %arg6[%parallel_loop3A_367, %parallel_loop3A_368, %parallel_loop3A_369], %parallel_loop3A_372 {strides = array<i32>} : memref<6x128x128xf32, #tpu.memory_space<vmem>>, vector<1x1x16xf32>,
          %parallel_loop3A_373 = arith.constant 1 : i32
          %parallel_loop3A_374 = arith.index_cast %parallel_loop3A_373 : i32 to index
          %parallel_loop3A_375 = arith.index_cast %parallel_loop3A_324 : i32 to index
          %parallel_loop3A_376 = arith.constant 48 : index
          %parallel_loop3A_377 = tpu.vector_load %arg6[%parallel_loop3A_374, %parallel_loop3A_375, %parallel_loop3A_376] {strides = array<i32>} : memref<6x128x128xf32, #tpu.memory_space<vmem>>, vector<1x1x16xf32>,
          %parallel_loop3A_378 = vector.shape_cast %parallel_loop3A_377 : vector<1x1x16xf32> to vector<16xf32>
          %parallel_loop3A_379 = arith.constant 11.3137083 : f32
          %parallel_loop3A_380 = vector.broadcast %parallel_loop3A_379 : f32 to vector<16xf32>
          %parallel_loop3A_381 = arith.mulf %parallel_loop3A_378, %parallel_loop3A_380 : vector<16xf32>
          %parallel_loop3A_382 = arith.constant 1 : i32
          %parallel_loop3A_383 = arith.index_cast %parallel_loop3A_382 : i32 to index
          %parallel_loop3A_384 = arith.index_cast %parallel_loop3A_324 : i32 to index
          %parallel_loop3A_385 = arith.constant 48 : index
          %parallel_loop3A_386 = tpu.vector_load %arg6[%parallel_loop3A_383, %parallel_loop3A_384, %parallel_loop3A_385] {strides = array<i32>} : memref<6x128x128xf32, #tpu.memory_space<vmem>>, vector<1x1x16xf32>,
          %parallel_loop3A_387 = vector.shape_cast %parallel_loop3A_386 : vector<1x1x16xf32> to vector<16xf32>
          %parallel_loop3A_388 = vector.shape_cast %parallel_loop3A_381 : vector<16xf32> to vector<1x1x16xf32>
          tpu.vector_store %arg6[%parallel_loop3A_383, %parallel_loop3A_384, %parallel_loop3A_385], %parallel_loop3A_388 {strides = array<i32>} : memref<6x128x128xf32, #tpu.memory_space<vmem>>, vector<1x1x16xf32>,
          %parallel_loop3A_389 = arith.constant 1 : i32
          %parallel_loop3A_390 = arith.index_cast %parallel_loop3A_389 : i32 to index
          %parallel_loop3A_391 = arith.index_cast %parallel_loop3A_324 : i32 to index
          %parallel_loop3A_392 = arith.constant 64 : index
          %parallel_loop3A_393 = tpu.vector_load %arg6[%parallel_loop3A_390, %parallel_loop3A_391, %parallel_loop3A_392] {strides = array<i32>} : memref<6x128x128xf32, #tpu.memory_space<vmem>>, vector<1x1x16xf32>,
          %parallel_loop3A_394 = vector.shape_cast %parallel_loop3A_393 : vector<1x1x16xf32> to vector<16xf32>
          %parallel_loop3A_395 = arith.constant 11.3137083 : f32
          %parallel_loop3A_396 = vector.broadcast %parallel_loop3A_395 : f32 to vector<16xf32>
          %parallel_loop3A_397 = arith.mulf %parallel_loop3A_394, %parallel_loop3A_396 : vector<16xf32>
          %parallel_loop3A_398 = arith.constant 1 : i32
          %parallel_loop3A_399 = arith.index_cast %parallel_loop3A_398 : i32 to index
          %parallel_loop3A_400 = arith.index_cast %parallel_loop3A_324 : i32 to index
          %parallel_loop3A_401 = arith.constant 64 : index
          %parallel_loop3A_402 = tpu.vector_load %arg6[%parallel_loop3A_399, %parallel_loop3A_400, %parallel_loop3A_401] {strides = array<i32>} : memref<6x128x128xf32, #tpu.memory_space<vmem>>, vector<1x1x16xf32>,
          %parallel_loop3A_403 = vector.shape_cast %parallel_loop3A_402 : vector<1x1x16xf32> to vector<16xf32>
          %parallel_loop3A_404 = vector.shape_cast %parallel_loop3A_397 : vector<16xf32> to vector<1x1x16xf32>
          tpu.vector_store %arg6[%parallel_loop3A_399, %parallel_loop3A_400, %parallel_loop3A_401], %parallel_loop3A_404 {strides = array<i32>} : memref<6x128x128xf32, #tpu.memory_space<vmem>>, vector<1x1x16xf32>,
          %parallel_loop3A_405 = arith.constant 1 : i32
          %parallel_loop3A_406 = arith.index_cast %parallel_loop3A_405 : i32 to index
          %parallel_loop3A_407 = arith.index_cast %parallel_loop3A_324 : i32 to index
          %parallel_loop3A_408 = arith.constant 80 : index
          %parallel_loop3A_409 = tpu.vector_load %arg6[%parallel_loop3A_406, %parallel_loop3A_407, %parallel_loop3A_408] {strides = array<i32>} : memref<6x128x128xf32, #tpu.memory_space<vmem>>, vector<1x1x16xf32>,
          %parallel_loop3A_410 = vector.shape_cast %parallel_loop3A_409 : vector<1x1x16xf32> to vector<16xf32>
          %parallel_loop3A_411 = arith.constant 11.3137083 : f32
          %parallel_loop3A_412 = vector.broadcast %parallel_loop3A_411 : f32 to vector<16xf32>
          %parallel_loop3A_413 = arith.mulf %parallel_loop3A_410, %parallel_loop3A_412 : vector<16xf32>
          %parallel_loop3A_414 = arith.constant 1 : i32
          %parallel_loop3A_415 = arith.index_cast %parallel_loop3A_414 : i32 to index
          %parallel_loop3A_416 = arith.index_cast %parallel_loop3A_324 : i32 to index
          %parallel_loop3A_417 = arith.constant 80 : index
          %parallel_loop3A_418 = tpu.vector_load %arg6[%parallel_loop3A_415, %parallel_loop3A_416, %parallel_loop3A_417] {strides = array<i32>} : memref<6x128x128xf32, #tpu.memory_space<vmem>>, vector<1x1x16xf32>,
          %parallel_loop3A_419 = vector.shape_cast %parallel_loop3A_418 : vector<1x1x16xf32> to vector<16xf32>
          %parallel_loop3A_420 = vector.shape_cast %parallel_loop3A_413 : vector<16xf32> to vector<1x1x16xf32>
          tpu.vector_store %arg6[%parallel_loop3A_415, %parallel_loop3A_416, %parallel_loop3A_417], %parallel_loop3A_420 {strides = array<i32>} : memref<6x128x128xf32, #tpu.memory_space<vmem>>, vector<1x1x16xf32>,
          %parallel_loop3A_421 = arith.constant 1 : i32
          %parallel_loop3A_422 = arith.index_cast %parallel_loop3A_421 : i32 to index
          %parallel_loop3A_423 = arith.index_cast %parallel_loop3A_324 : i32 to index
          %parallel_loop3A_424 = arith.constant 96 : index
          %parallel_loop3A_425 = tpu.vector_load %arg6[%parallel_loop3A_422, %parallel_loop3A_423, %parallel_loop3A_424] {strides = array<i32>} : memref<6x128x128xf32, #tpu.memory_space<vmem>>, vector<1x1x16xf32>,
          %parallel_loop3A_426 = vector.shape_cast %parallel_loop3A_425 : vector<1x1x16xf32> to vector<16xf32>
          %parallel_loop3A_427 = arith.constant 11.3137083 : f32
          %parallel_loop3A_428 = vector.broadcast %parallel_loop3A_427 : f32 to vector<16xf32>
          %parallel_loop3A_429 = arith.mulf %parallel_loop3A_426, %parallel_loop3A_428 : vector<16xf32>
          %parallel_loop3A_430 = arith.constant 1 : i32
          %parallel_loop3A_431 = arith.index_cast %parallel_loop3A_430 : i32 to index
          %parallel_loop3A_432 = arith.index_cast %parallel_loop3A_324 : i32 to index
          %parallel_loop3A_433 = arith.constant 96 : index
          %parallel_loop3A_434 = tpu.vector_load %arg6[%parallel_loop3A_431, %parallel_loop3A_432, %parallel_loop3A_433] {strides = array<i32>} : memref<6x128x128xf32, #tpu.memory_space<vmem>>, vector<1x1x16xf32>,
          %parallel_loop3A_435 = vector.shape_cast %parallel_loop3A_434 : vector<1x1x16xf32> to vector<16xf32>
          %parallel_loop3A_436 = vector.shape_cast %parallel_loop3A_429 : vector<16xf32> to vector<1x1x16xf32>
          tpu.vector_store %arg6[%parallel_loop3A_431, %parallel_loop3A_432, %parallel_loop3A_433], %parallel_loop3A_436 {strides = array<i32>} : memref<6x128x128xf32, #tpu.memory_space<vmem>>, vector<1x1x16xf32>,
          %parallel_loop3A_437 = arith.constant 1 : i32
          %parallel_loop3A_438 = arith.index_cast %parallel_loop3A_437 : i32 to index
          %parallel_loop3A_439 = arith.index_cast %parallel_loop3A_324 : i32 to index
          %parallel_loop3A_440 = arith.constant 112 : index
          %parallel_loop3A_441 = tpu.vector_load %arg6[%parallel_loop3A_438, %parallel_loop3A_439, %parallel_loop3A_440] {strides = array<i32>} : memref<6x128x128xf32, #tpu.memory_space<vmem>>, vector<1x1x16xf32>,
          %parallel_loop3A_442 = vector.shape_cast %parallel_loop3A_441 : vector<1x1x16xf32> to vector<16xf32>
          %parallel_loop3A_443 = arith.constant 11.3137083 : f32
          %parallel_loop3A_444 = vector.broadcast %parallel_loop3A_443 : f32 to vector<16xf32>
          %parallel_loop3A_445 = arith.mulf %parallel_loop3A_442, %parallel_loop3A_444 : vector<16xf32>
          %parallel_loop3A_446 = arith.constant 1 : i32
          %parallel_loop3A_447 = arith.index_cast %parallel_loop3A_446 : i32 to index
          %parallel_loop3A_448 = arith.index_cast %parallel_loop3A_324 : i32 to index
          %parallel_loop3A_449 = arith.constant 112 : index
          %parallel_loop3A_450 = tpu.vector_load %arg6[%parallel_loop3A_447, %parallel_loop3A_448, %parallel_loop3A_449] {strides = array<i32>} : memref<6x128x128xf32, #tpu.memory_space<vmem>>, vector<1x1x16xf32>,
          %parallel_loop3A_451 = vector.shape_cast %parallel_loop3A_450 : vector<1x1x16xf32> to vector<16xf32>
          %parallel_loop3A_452 = vector.shape_cast %parallel_loop3A_445 : vector<16xf32> to vector<1x1x16xf32>
          tpu.vector_store %arg6[%parallel_loop3A_447, %parallel_loop3A_448, %parallel_loop3A_449], %parallel_loop3A_452 {strides = array<i32>} : memref<6x128x128xf32, #tpu.memory_space<vmem>>, vector<1x1x16xf32>,
        } {sc.loop_unroll_factor = 2 : i64, sc.parallel_access}
        %dma_start3A_309 = arith.constant 1 : i32
        %dma_start3A_310 = arith.constant 0 : i32
        %dma_start3A_311 = arith.constant 0 : i32
        %dma_start3A_312 = tpu.memref_slice %arg6[%dma_start3A_309, %dma_start3A_310, %dma_start3A_311] : memref<6x128x128xf32, #tpu.memory_space<vmem>> -> memref<1x128x128xf32, #tpu.memory_space<vmem>>
        %dma_start3A_313 = tpu.memref_squeeze %dma_start3A_312 : memref<1x128x128xf32, #tpu.memory_space<vmem>> -> memref<128x128xf32, #tpu.memory_space<vmem>>
        %dma_start3A_314 = arith.constant 0 : i32
        %dma_start3A_315 = tpu.memref_slice %arg4[%add3A_164, %mul3A_2, %dma_start3A_314] : memref<50x4096x128xf32, #tpu.memory_space<hbm>> -> memref<1x128x128xf32, #tpu.memory_space<hbm>>
        %dma_start3A_316 = tpu.memref_squeeze %dma_start3A_315 : memref<1x128x128xf32, #tpu.memory_space<hbm>> -> memref<128x128xf32, #tpu.memory_space<hbm>>
        %dma_start3A_317 = arith.constant 0 : i32
        %dma_start3A_318 = tpu.memref_slice %arg4[%add3A_164, %mul3A_2, %dma_start3A_317] : memref<50x4096x128xf32, #tpu.memory_space<hbm>> -> memref<1x128x128xf32, #tpu.memory_space<hbm>>
        %dma_start3A_319 = tpu.memref_squeeze %dma_start3A_318 : memref<1x128x128xf32, #tpu.memory_space<hbm>> -> memref<128x128xf32, #tpu.memory_space<hbm>>
        %dma_start3A_320 = arith.constant 0 : i32
        %dma_start3A_321 = arith.constant 0 : i32
        %dma_start3A_322 = tpu.memref_slice %arg6[%dma_start3A_309, %dma_start3A_320, %dma_start3A_321] : memref<6x128x128xf32, #tpu.memory_space<vmem>> -> memref<1x128x128xf32, #tpu.memory_space<vmem>>
        %dma_start3A_323 = tpu.memref_squeeze %dma_start3A_322 : memref<1x128x128xf32, #tpu.memory_space<vmem>> -> memref<128x128xf32, #tpu.memory_space<vmem>>
        tpu.enqueue_dma source(%dma_start3A_323 : memref<128x128xf32, #tpu.memory_space<vmem>>) target(%dma_start3A_319 : memref<128x128xf32, #tpu.memory_space<hbm>>) target_semaphore(%arg14 : memref<!tpu.dma_semaphore, #tpu.memory_space<semaphore_mem>>)
      } else {
      }
      %mul3A_188 = arith.constant 6 : i32
      %mul3A_189 = arith.muli %scan3A_138, %mul3A_188 : i32
      %add3A_190 = arith.constant 2 : i32
      %add3A_191 = arith.addi %mul3A_189, %add3A_190 : i32
      %add3A_192 = arith.constant 3 : i32
      %add3A_193 = arith.addi %add3A_191, %add3A_192 : i32
      %lt3A_194 = arith.constant 50 : i32
      %lt3A_195 = arith.cmpi slt, %add3A_193, %lt3A_194 : i32
      %ge3A_196 = arith.constant 3 : i32
      %ge3A_197 = arith.cmpi sge, %add3A_191, %ge3A_196 : i32
      %and3A_198 = arith.andi %lt3A_195, %ge3A_197 : i1
      %convert_element_type3A_199 = arith.extui %and3A_198 : i1 to i32
      %cond3A_200 = arith.constant 0 : i32
      %cond3A_201 = arith.cmpi ne, %convert_element_type3A_199, %cond3A_200 : i32
      scf.if %cond3A_201 {
        %sub3A = arith.constant 6 : i32
        %sub3A_296 = arith.subi %add3A_193, %sub3A : i32
        %dma_wait3A_297 = arith.constant 5 : i32
        %dma_wait3A_298 = arith.constant 0 : i32
        %dma_wait3A_299 = arith.constant 0 : i32
        %dma_wait3A_300 = tpu.memref_slice %arg6[%dma_wait3A_297, %dma_wait3A_298, %dma_wait3A_299] : memref<6x128x128xf32, #tpu.memory_space<vmem>> -> memref<1x128x128xf32, #tpu.memory_space<vmem>>
        %dma_wait3A_301 = tpu.memref_squeeze %dma_wait3A_300 : memref<1x128x128xf32, #tpu.memory_space<vmem>> -> memref<128x128xf32, #tpu.memory_space<vmem>>
        %dma_wait3A_302 = arith.constant 0 : i32
        %dma_wait3A_303 = tpu.memref_slice %arg4[%sub3A_296, %mul3A_2, %dma_wait3A_302] : memref<50x4096x128xf32, #tpu.memory_space<hbm>> -> memref<1x128x128xf32, #tpu.memory_space<hbm>>
        %dma_wait3A_304 = tpu.memref_squeeze %dma_wait3A_303 : memref<1x128x128xf32, #tpu.memory_space<hbm>> -> memref<128x128xf32, #tpu.memory_space<hbm>>
        %dma_wait3A_305 = arith.constant 0 : i32
        %dma_wait3A_306 = tpu.memref_slice %arg4[%sub3A_296, %mul3A_2, %dma_wait3A_305] : memref<50x4096x128xf32, #tpu.memory_space<hbm>> -> memref<1x128x128xf32, #tpu.memory_space<hbm>>
        %dma_wait3A_307 = tpu.memref_squeeze %dma_wait3A_306 : memref<1x128x128xf32, #tpu.memory_space<hbm>> -> memref<128x128xf32, #tpu.memory_space<hbm>>
        %dma_wait3A_308 = arith.constant 0 : i32
        %dma_wait3A_309 = arith.constant 0 : i32
        %dma_wait3A_310 = tpu.memref_slice %arg6[%dma_wait3A_297, %dma_wait3A_308, %dma_wait3A_309] : memref<6x128x128xf32, #tpu.memory_space<vmem>> -> memref<1x128x128xf32, #tpu.memory_space<vmem>>
        %dma_wait3A_311 = tpu.memref_squeeze %dma_wait3A_310 : memref<1x128x128xf32, #tpu.memory_space<vmem>> -> memref<128x128xf32, #tpu.memory_space<vmem>>
        tpu.wait_dma2 semaphore(%arg18 : memref<!tpu.dma_semaphore, #tpu.memory_space<semaphore_mem>>) src(%dma_wait3A_311 : memref<128x128xf32, #tpu.memory_space<vmem>>) dst(%dma_wait3A_307 : memref<128x128xf32, #tpu.memory_space<hbm>>)
        %dma_start3A_312 = arith.constant 5 : i32
        %dma_start3A_313 = arith.constant 0 : i32
        %dma_start3A_314 = arith.constant 0 : i32
        %dma_start3A_315 = tpu.memref_slice %arg6[%dma_start3A_312, %dma_start3A_313, %dma_start3A_314] : memref<6x128x128xf32, #tpu.memory_space<vmem>> -> memref<1x128x128xf32, #tpu.memory_space<vmem>>
        %dma_start3A_316 = tpu.memref_squeeze %dma_start3A_315 : memref<1x128x128xf32, #tpu.memory_space<vmem>> -> memref<128x128xf32, #tpu.memory_space<vmem>>
        %dma_start3A_317 = arith.constant 0 : i32
        %dma_start3A_318 = tpu.memref_slice %arg5[%add3A_193, %dma_start3A_317] : memref<50x128xi32, #tpu.memory_space<vmem>> -> memref<1x128xi32, #tpu.memory_space<vmem>>
        %dma_start3A_319 = tpu.memref_squeeze %dma_start3A_318 : memref<1x128xi32, #tpu.memory_space<vmem>> -> memref<128xi32, #tpu.memory_space<vmem>>
        %dma_start3A_320 = arith.constant 0 : i32
        %dma_start3A_321 = arith.constant 0 : i32
        %dma_start3A_322 = tpu.memref_slice %arg2[%dma_start3A_320, %dma_start3A_321] : memref<100000x128xf32, #tpu.memory_space<hbm>> -> memref<100000x128xf32, #tpu.memory_space<hbm>>
        tpu.enqueue_indirect_dma source(%dma_start3A_322 : memref<100000x128xf32, #tpu.memory_space<hbm>>) target(%dma_start3A_316 : memref<128x128xf32, #tpu.memory_space<vmem>>) offsets(%dma_start3A_319 : memref<128xi32, #tpu.memory_space<vmem>>) semaphore(%arg12 : memref<!tpu.dma_semaphore, #tpu.memory_space<semaphore_mem>>)
      } else {
      }
      %lt3A_202 = arith.constant 50 : i32
      %lt3A_203 = arith.cmpi slt, %add3A_193, %lt3A_202 : i32
      %lt3A_204 = arith.constant 3 : i32
      %lt3A_205 = arith.cmpi slt, %add3A_191, %lt3A_204 : i32
      %and3A_206 = arith.andi %lt3A_203, %lt3A_205 : i1
      %convert_element_type3A_207 = arith.extui %and3A_206 : i1 to i32
      %cond3A_208 = arith.constant 0 : i32
      %cond3A_209 = arith.cmpi ne, %convert_element_type3A_207, %cond3A_208 : i32
      scf.if %cond3A_209 {
        %dma_start3A_296 = arith.constant 5 : i32
        %dma_start3A_297 = arith.constant 0 : i32
        %dma_start3A_298 = arith.constant 0 : i32
        %dma_start3A_299 = tpu.memref_slice %arg6[%dma_start3A_296, %dma_start3A_297, %dma_start3A_298] : memref<6x128x128xf32, #tpu.memory_space<vmem>> -> memref<1x128x128xf32, #tpu.memory_space<vmem>>
        %dma_start3A_300 = tpu.memref_squeeze %dma_start3A_299 : memref<1x128x128xf32, #tpu.memory_space<vmem>> -> memref<128x128xf32, #tpu.memory_space<vmem>>
        %dma_start3A_301 = arith.constant 0 : i32
        %dma_start3A_302 = tpu.memref_slice %arg5[%add3A_193, %dma_start3A_301] : memref<50x128xi32, #tpu.memory_space<vmem>> -> memref<1x128xi32, #tpu.memory_space<vmem>>
        %dma_start3A_303 = tpu.memref_squeeze %dma_start3A_302 : memref<1x128xi32, #tpu.memory_space<vmem>> -> memref<128xi32, #tpu.memory_space<vmem>>
        %dma_start3A_304 = arith.constant 0 : i32
        %dma_start3A_305 = arith.constant 0 : i32
        %dma_start3A_306 = tpu.memref_slice %arg2[%dma_start3A_304, %dma_start3A_305] : memref<100000x128xf32, #tpu.memory_space<hbm>> -> memref<100000x128xf32, #tpu.memory_space<hbm>>
        tpu.enqueue_indirect_dma source(%dma_start3A_306 : memref<100000x128xf32, #tpu.memory_space<hbm>>) target(%dma_start3A_300 : memref<128x128xf32, #tpu.memory_space<vmem>>) offsets(%dma_start3A_303 : memref<128xi32, #tpu.memory_space<vmem>>) semaphore(%arg12 : memref<!tpu.dma_semaphore, #tpu.memory_space<semaphore_mem>>)
      } else {
      }
      %lt3A_210 = arith.constant 50 : i32
      %lt3A_211 = arith.cmpi slt, %add3A_191, %lt3A_210 : i32
      %convert_element_type3A_212 = arith.extui %lt3A_211 : i1 to i32
      %cond3A_213 = arith.constant 0 : i32
      %cond3A_214 = arith.cmpi ne, %convert_element_type3A_212, %cond3A_213 : i32
      scf.if %cond3A_214 {
        %dma_wait3A_296 = arith.constant 2 : i32
        %dma_wait3A_297 = arith.constant 0 : i32
        %dma_wait3A_298 = arith.constant 0 : i32
        %dma_wait3A_299 = tpu.memref_slice %arg6[%dma_wait3A_296, %dma_wait3A_297, %dma_wait3A_298] : memref<6x128x128xf32, #tpu.memory_space<vmem>> -> memref<1x128x128xf32, #tpu.memory_space<vmem>>
        %dma_wait3A_300 = tpu.memref_squeeze %dma_wait3A_299 : memref<1x128x128xf32, #tpu.memory_space<vmem>> -> memref<128x128xf32, #tpu.memory_space<vmem>>
        %dma_wait3A_301 = arith.constant 0 : i32
        %dma_wait3A_302 = tpu.memref_slice %arg5[%add3A_191, %dma_wait3A_301] : memref<50x128xi32, #tpu.memory_space<vmem>> -> memref<1x128xi32, #tpu.memory_space<vmem>>
        %dma_wait3A_303 = tpu.memref_squeeze %dma_wait3A_302 : memref<1x128xi32, #tpu.memory_space<vmem>> -> memref<128xi32, #tpu.memory_space<vmem>>
        %dma_wait3A_304 = arith.constant 0 : i32
        %dma_wait3A_305 = arith.constant 0 : i32
        %dma_wait3A_306 = tpu.memref_slice %arg2[%dma_wait3A_304, %dma_wait3A_305] : memref<100000x128xf32, #tpu.memory_space<hbm>> -> memref<100000x128xf32, #tpu.memory_space<hbm>>
        tpu.wait_indirect_dma semaphore(%arg9 : memref<!tpu.dma_semaphore, #tpu.memory_space<semaphore_mem>>) src(%dma_wait3A_306 : memref<100000x128xf32, #tpu.memory_space<hbm>>) dst(%dma_wait3A_300 : memref<128x128xf32, #tpu.memory_space<vmem>>)
        %parallel_loop3A = arith.constant 0 : i32
        %parallel_loop3A_307 = arith.constant 128 : i32
        %parallel_loop3A_308 = arith.constant 1 : i32
        scf.for %parallel_loop3A_324 = %parallel_loop3A to %parallel_loop3A_307 step %parallel_loop3A_308  : i32 {
          %parallel_loop3A_325 = arith.constant 2 : i32
          %parallel_loop3A_326 = arith.index_cast %parallel_loop3A_325 : i32 to index
          %parallel_loop3A_327 = arith.index_cast %parallel_loop3A_324 : i32 to index
          %parallel_loop3A_328 = arith.constant 0 : index
          %parallel_loop3A_329 = tpu.vector_load %arg6[%parallel_loop3A_326, %parallel_loop3A_327, %parallel_loop3A_328] {strides = array<i32>} : memref<6x128x128xf32, #tpu.memory_space<vmem>>, vector<1x1x16xf32>,
          %parallel_loop3A_330 = vector.shape_cast %parallel_loop3A_329 : vector<1x1x16xf32> to vector<16xf32>
          %parallel_loop3A_331 = arith.constant 11.3137083 : f32
          %parallel_loop3A_332 = vector.broadcast %parallel_loop3A_331 : f32 to vector<16xf32>
          %parallel_loop3A_333 = arith.mulf %parallel_loop3A_330, %parallel_loop3A_332 : vector<16xf32>
          %parallel_loop3A_334 = arith.constant 2 : i32
          %parallel_loop3A_335 = arith.index_cast %parallel_loop3A_334 : i32 to index
          %parallel_loop3A_336 = arith.index_cast %parallel_loop3A_324 : i32 to index
          %parallel_loop3A_337 = arith.constant 0 : index
          %parallel_loop3A_338 = tpu.vector_load %arg6[%parallel_loop3A_335, %parallel_loop3A_336, %parallel_loop3A_337] {strides = array<i32>} : memref<6x128x128xf32, #tpu.memory_space<vmem>>, vector<1x1x16xf32>,
          %parallel_loop3A_339 = vector.shape_cast %parallel_loop3A_338 : vector<1x1x16xf32> to vector<16xf32>
          %parallel_loop3A_340 = vector.shape_cast %parallel_loop3A_333 : vector<16xf32> to vector<1x1x16xf32>
          tpu.vector_store %arg6[%parallel_loop3A_335, %parallel_loop3A_336, %parallel_loop3A_337], %parallel_loop3A_340 {strides = array<i32>} : memref<6x128x128xf32, #tpu.memory_space<vmem>>, vector<1x1x16xf32>,
          %parallel_loop3A_341 = arith.constant 2 : i32
          %parallel_loop3A_342 = arith.index_cast %parallel_loop3A_341 : i32 to index
          %parallel_loop3A_343 = arith.index_cast %parallel_loop3A_324 : i32 to index
          %parallel_loop3A_344 = arith.constant 16 : index
          %parallel_loop3A_345 = tpu.vector_load %arg6[%parallel_loop3A_342, %parallel_loop3A_343, %parallel_loop3A_344] {strides = array<i32>} : memref<6x128x128xf32, #tpu.memory_space<vmem>>, vector<1x1x16xf32>,
          %parallel_loop3A_346 = vector.shape_cast %parallel_loop3A_345 : vector<1x1x16xf32> to vector<16xf32>
          %parallel_loop3A_347 = arith.constant 11.3137083 : f32
          %parallel_loop3A_348 = vector.broadcast %parallel_loop3A_347 : f32 to vector<16xf32>
          %parallel_loop3A_349 = arith.mulf %parallel_loop3A_346, %parallel_loop3A_348 : vector<16xf32>
          %parallel_loop3A_350 = arith.constant 2 : i32
          %parallel_loop3A_351 = arith.index_cast %parallel_loop3A_350 : i32 to index
          %parallel_loop3A_352 = arith.index_cast %parallel_loop3A_324 : i32 to index
          %parallel_loop3A_353 = arith.constant 16 : index
          %parallel_loop3A_354 = tpu.vector_load %arg6[%parallel_loop3A_351, %parallel_loop3A_352, %parallel_loop3A_353] {strides = array<i32>} : memref<6x128x128xf32, #tpu.memory_space<vmem>>, vector<1x1x16xf32>,
          %parallel_loop3A_355 = vector.shape_cast %parallel_loop3A_354 : vector<1x1x16xf32> to vector<16xf32>
          %parallel_loop3A_356 = vector.shape_cast %parallel_loop3A_349 : vector<16xf32> to vector<1x1x16xf32>
          tpu.vector_store %arg6[%parallel_loop3A_351, %parallel_loop3A_352, %parallel_loop3A_353], %parallel_loop3A_356 {strides = array<i32>} : memref<6x128x128xf32, #tpu.memory_space<vmem>>, vector<1x1x16xf32>,
          %parallel_loop3A_357 = arith.constant 2 : i32
          %parallel_loop3A_358 = arith.index_cast %parallel_loop3A_357 : i32 to index
          %parallel_loop3A_359 = arith.index_cast %parallel_loop3A_324 : i32 to index
          %parallel_loop3A_360 = arith.constant 32 : index
          %parallel_loop3A_361 = tpu.vector_load %arg6[%parallel_loop3A_358, %parallel_loop3A_359, %parallel_loop3A_360] {strides = array<i32>} : memref<6x128x128xf32, #tpu.memory_space<vmem>>, vector<1x1x16xf32>,
          %parallel_loop3A_362 = vector.shape_cast %parallel_loop3A_361 : vector<1x1x16xf32> to vector<16xf32>
          %parallel_loop3A_363 = arith.constant 11.3137083 : f32
          %parallel_loop3A_364 = vector.broadcast %parallel_loop3A_363 : f32 to vector<16xf32>
          %parallel_loop3A_365 = arith.mulf %parallel_loop3A_362, %parallel_loop3A_364 : vector<16xf32>
          %parallel_loop3A_366 = arith.constant 2 : i32
          %parallel_loop3A_367 = arith.index_cast %parallel_loop3A_366 : i32 to index
          %parallel_loop3A_368 = arith.index_cast %parallel_loop3A_324 : i32 to index
          %parallel_loop3A_369 = arith.constant 32 : index
          %parallel_loop3A_370 = tpu.vector_load %arg6[%parallel_loop3A_367, %parallel_loop3A_368, %parallel_loop3A_369] {strides = array<i32>} : memref<6x128x128xf32, #tpu.memory_space<vmem>>, vector<1x1x16xf32>,
          %parallel_loop3A_371 = vector.shape_cast %parallel_loop3A_370 : vector<1x1x16xf32> to vector<16xf32>
          %parallel_loop3A_372 = vector.shape_cast %parallel_loop3A_365 : vector<16xf32> to vector<1x1x16xf32>
          tpu.vector_store %arg6[%parallel_loop3A_367, %parallel_loop3A_368, %parallel_loop3A_369], %parallel_loop3A_372 {strides = array<i32>} : memref<6x128x128xf32, #tpu.memory_space<vmem>>, vector<1x1x16xf32>,
          %parallel_loop3A_373 = arith.constant 2 : i32
          %parallel_loop3A_374 = arith.index_cast %parallel_loop3A_373 : i32 to index
          %parallel_loop3A_375 = arith.index_cast %parallel_loop3A_324 : i32 to index
          %parallel_loop3A_376 = arith.constant 48 : index
          %parallel_loop3A_377 = tpu.vector_load %arg6[%parallel_loop3A_374, %parallel_loop3A_375, %parallel_loop3A_376] {strides = array<i32>} : memref<6x128x128xf32, #tpu.memory_space<vmem>>, vector<1x1x16xf32>,
          %parallel_loop3A_378 = vector.shape_cast %parallel_loop3A_377 : vector<1x1x16xf32> to vector<16xf32>
          %parallel_loop3A_379 = arith.constant 11.3137083 : f32
          %parallel_loop3A_380 = vector.broadcast %parallel_loop3A_379 : f32 to vector<16xf32>
          %parallel_loop3A_381 = arith.mulf %parallel_loop3A_378, %parallel_loop3A_380 : vector<16xf32>
          %parallel_loop3A_382 = arith.constant 2 : i32
          %parallel_loop3A_383 = arith.index_cast %parallel_loop3A_382 : i32 to index
          %parallel_loop3A_384 = arith.index_cast %parallel_loop3A_324 : i32 to index
          %parallel_loop3A_385 = arith.constant 48 : index
          %parallel_loop3A_386 = tpu.vector_load %arg6[%parallel_loop3A_383, %parallel_loop3A_384, %parallel_loop3A_385] {strides = array<i32>} : memref<6x128x128xf32, #tpu.memory_space<vmem>>, vector<1x1x16xf32>,
          %parallel_loop3A_387 = vector.shape_cast %parallel_loop3A_386 : vector<1x1x16xf32> to vector<16xf32>
          %parallel_loop3A_388 = vector.shape_cast %parallel_loop3A_381 : vector<16xf32> to vector<1x1x16xf32>
          tpu.vector_store %arg6[%parallel_loop3A_383, %parallel_loop3A_384, %parallel_loop3A_385], %parallel_loop3A_388 {strides = array<i32>} : memref<6x128x128xf32, #tpu.memory_space<vmem>>, vector<1x1x16xf32>,
          %parallel_loop3A_389 = arith.constant 2 : i32
          %parallel_loop3A_390 = arith.index_cast %parallel_loop3A_389 : i32 to index
          %parallel_loop3A_391 = arith.index_cast %parallel_loop3A_324 : i32 to index
          %parallel_loop3A_392 = arith.constant 64 : index
          %parallel_loop3A_393 = tpu.vector_load %arg6[%parallel_loop3A_390, %parallel_loop3A_391, %parallel_loop3A_392] {strides = array<i32>} : memref<6x128x128xf32, #tpu.memory_space<vmem>>, vector<1x1x16xf32>,
          %parallel_loop3A_394 = vector.shape_cast %parallel_loop3A_393 : vector<1x1x16xf32> to vector<16xf32>
          %parallel_loop3A_395 = arith.constant 11.3137083 : f32
          %parallel_loop3A_396 = vector.broadcast %parallel_loop3A_395 : f32 to vector<16xf32>
          %parallel_loop3A_397 = arith.mulf %parallel_loop3A_394, %parallel_loop3A_396 : vector<16xf32>
          %parallel_loop3A_398 = arith.constant 2 : i32
          %parallel_loop3A_399 = arith.index_cast %parallel_loop3A_398 : i32 to index
          %parallel_loop3A_400 = arith.index_cast %parallel_loop3A_324 : i32 to index
          %parallel_loop3A_401 = arith.constant 64 : index
          %parallel_loop3A_402 = tpu.vector_load %arg6[%parallel_loop3A_399, %parallel_loop3A_400, %parallel_loop3A_401] {strides = array<i32>} : memref<6x128x128xf32, #tpu.memory_space<vmem>>, vector<1x1x16xf32>,
          %parallel_loop3A_403 = vector.shape_cast %parallel_loop3A_402 : vector<1x1x16xf32> to vector<16xf32>
          %parallel_loop3A_404 = vector.shape_cast %parallel_loop3A_397 : vector<16xf32> to vector<1x1x16xf32>
          tpu.vector_store %arg6[%parallel_loop3A_399, %parallel_loop3A_400, %parallel_loop3A_401], %parallel_loop3A_404 {strides = array<i32>} : memref<6x128x128xf32, #tpu.memory_space<vmem>>, vector<1x1x16xf32>,
          %parallel_loop3A_405 = arith.constant 2 : i32
          %parallel_loop3A_406 = arith.index_cast %parallel_loop3A_405 : i32 to index
          %parallel_loop3A_407 = arith.index_cast %parallel_loop3A_324 : i32 to index
          %parallel_loop3A_408 = arith.constant 80 : index
          %parallel_loop3A_409 = tpu.vector_load %arg6[%parallel_loop3A_406, %parallel_loop3A_407, %parallel_loop3A_408] {strides = array<i32>} : memref<6x128x128xf32, #tpu.memory_space<vmem>>, vector<1x1x16xf32>,
          %parallel_loop3A_410 = vector.shape_cast %parallel_loop3A_409 : vector<1x1x16xf32> to vector<16xf32>
          %parallel_loop3A_411 = arith.constant 11.3137083 : f32
          %parallel_loop3A_412 = vector.broadcast %parallel_loop3A_411 : f32 to vector<16xf32>
          %parallel_loop3A_413 = arith.mulf %parallel_loop3A_410, %parallel_loop3A_412 : vector<16xf32>
          %parallel_loop3A_414 = arith.constant 2 : i32
          %parallel_loop3A_415 = arith.index_cast %parallel_loop3A_414 : i32 to index
          %parallel_loop3A_416 = arith.index_cast %parallel_loop3A_324 : i32 to index
          %parallel_loop3A_417 = arith.constant 80 : index
          %parallel_loop3A_418 = tpu.vector_load %arg6[%parallel_loop3A_415, %parallel_loop3A_416, %parallel_loop3A_417] {strides = array<i32>} : memref<6x128x128xf32, #tpu.memory_space<vmem>>, vector<1x1x16xf32>,
          %parallel_loop3A_419 = vector.shape_cast %parallel_loop3A_418 : vector<1x1x16xf32> to vector<16xf32>
          %parallel_loop3A_420 = vector.shape_cast %parallel_loop3A_413 : vector<16xf32> to vector<1x1x16xf32>
          tpu.vector_store %arg6[%parallel_loop3A_415, %parallel_loop3A_416, %parallel_loop3A_417], %parallel_loop3A_420 {strides = array<i32>} : memref<6x128x128xf32, #tpu.memory_space<vmem>>, vector<1x1x16xf32>,
          %parallel_loop3A_421 = arith.constant 2 : i32
          %parallel_loop3A_422 = arith.index_cast %parallel_loop3A_421 : i32 to index
          %parallel_loop3A_423 = arith.index_cast %parallel_loop3A_324 : i32 to index
          %parallel_loop3A_424 = arith.constant 96 : index
          %parallel_loop3A_425 = tpu.vector_load %arg6[%parallel_loop3A_422, %parallel_loop3A_423, %parallel_loop3A_424] {strides = array<i32>} : memref<6x128x128xf32, #tpu.memory_space<vmem>>, vector<1x1x16xf32>,
          %parallel_loop3A_426 = vector.shape_cast %parallel_loop3A_425 : vector<1x1x16xf32> to vector<16xf32>
          %parallel_loop3A_427 = arith.constant 11.3137083 : f32
          %parallel_loop3A_428 = vector.broadcast %parallel_loop3A_427 : f32 to vector<16xf32>
          %parallel_loop3A_429 = arith.mulf %parallel_loop3A_426, %parallel_loop3A_428 : vector<16xf32>
          %parallel_loop3A_430 = arith.constant 2 : i32
          %parallel_loop3A_431 = arith.index_cast %parallel_loop3A_430 : i32 to index
          %parallel_loop3A_432 = arith.index_cast %parallel_loop3A_324 : i32 to index
          %parallel_loop3A_433 = arith.constant 96 : index
          %parallel_loop3A_434 = tpu.vector_load %arg6[%parallel_loop3A_431, %parallel_loop3A_432, %parallel_loop3A_433] {strides = array<i32>} : memref<6x128x128xf32, #tpu.memory_space<vmem>>, vector<1x1x16xf32>,
          %parallel_loop3A_435 = vector.shape_cast %parallel_loop3A_434 : vector<1x1x16xf32> to vector<16xf32>
          %parallel_loop3A_436 = vector.shape_cast %parallel_loop3A_429 : vector<16xf32> to vector<1x1x16xf32>
          tpu.vector_store %arg6[%parallel_loop3A_431, %parallel_loop3A_432, %parallel_loop3A_433], %parallel_loop3A_436 {strides = array<i32>} : memref<6x128x128xf32, #tpu.memory_space<vmem>>, vector<1x1x16xf32>,
          %parallel_loop3A_437 = arith.constant 2 : i32
          %parallel_loop3A_438 = arith.index_cast %parallel_loop3A_437 : i32 to index
          %parallel_loop3A_439 = arith.index_cast %parallel_loop3A_324 : i32 to index
          %parallel_loop3A_440 = arith.constant 112 : index
          %parallel_loop3A_441 = tpu.vector_load %arg6[%parallel_loop3A_438, %parallel_loop3A_439, %parallel_loop3A_440] {strides = array<i32>} : memref<6x128x128xf32, #tpu.memory_space<vmem>>, vector<1x1x16xf32>,
          %parallel_loop3A_442 = vector.shape_cast %parallel_loop3A_441 : vector<1x1x16xf32> to vector<16xf32>
          %parallel_loop3A_443 = arith.constant 11.3137083 : f32
          %parallel_loop3A_444 = vector.broadcast %parallel_loop3A_443 : f32 to vector<16xf32>
          %parallel_loop3A_445 = arith.mulf %parallel_loop3A_442, %parallel_loop3A_444 : vector<16xf32>
          %parallel_loop3A_446 = arith.constant 2 : i32
          %parallel_loop3A_447 = arith.index_cast %parallel_loop3A_446 : i32 to index
          %parallel_loop3A_448 = arith.index_cast %parallel_loop3A_324 : i32 to index
          %parallel_loop3A_449 = arith.constant 112 : index
          %parallel_loop3A_450 = tpu.vector_load %arg6[%parallel_loop3A_447, %parallel_loop3A_448, %parallel_loop3A_449] {strides = array<i32>} : memref<6x128x128xf32, #tpu.memory_space<vmem>>, vector<1x1x16xf32>,
          %parallel_loop3A_451 = vector.shape_cast %parallel_loop3A_450 : vector<1x1x16xf32> to vector<16xf32>
          %parallel_loop3A_452 = vector.shape_cast %parallel_loop3A_445 : vector<16xf32> to vector<1x1x16xf32>
          tpu.vector_store %arg6[%parallel_loop3A_447, %parallel_loop3A_448, %parallel_loop3A_449], %parallel_loop3A_452 {strides = array<i32>} : memref<6x128x128xf32, #tpu.memory_space<vmem>>, vector<1x1x16xf32>,
        } {sc.loop_unroll_factor = 2 : i64, sc.parallel_access}
        %dma_start3A_309 = arith.constant 2 : i32
        %dma_start3A_310 = arith.constant 0 : i32
        %dma_start3A_311 = arith.constant 0 : i32
        %dma_start3A_312 = tpu.memref_slice %arg6[%dma_start3A_309, %dma_start3A_310, %dma_start3A_311] : memref<6x128x128xf32, #tpu.memory_space<vmem>> -> memref<1x128x128xf32, #tpu.memory_space<vmem>>
        %dma_start3A_313 = tpu.memref_squeeze %dma_start3A_312 : memref<1x128x128xf32, #tpu.memory_space<vmem>> -> memref<128x128xf32, #tpu.memory_space<vmem>>
        %dma_start3A_314 = arith.constant 0 : i32
        %dma_start3A_315 = tpu.memref_slice %arg4[%add3A_191, %mul3A_2, %dma_start3A_314] : memref<50x4096x128xf32, #tpu.memory_space<hbm>> -> memref<1x128x128xf32, #tpu.memory_space<hbm>>
        %dma_start3A_316 = tpu.memref_squeeze %dma_start3A_315 : memref<1x128x128xf32, #tpu.memory_space<hbm>> -> memref<128x128xf32, #tpu.memory_space<hbm>>
        %dma_start3A_317 = arith.constant 0 : i32
        %dma_start3A_318 = tpu.memref_slice %arg4[%add3A_191, %mul3A_2, %dma_start3A_317] : memref<50x4096x128xf32, #tpu.memory_space<hbm>> -> memref<1x128x128xf32, #tpu.memory_space<hbm>>
        %dma_start3A_319 = tpu.memref_squeeze %dma_start3A_318 : memref<1x128x128xf32, #tpu.memory_space<hbm>> -> memref<128x128xf32, #tpu.memory_space<hbm>>
        %dma_start3A_320 = arith.constant 0 : i32
        %dma_start3A_321 = arith.constant 0 : i32
        %dma_start3A_322 = tpu.memref_slice %arg6[%dma_start3A_309, %dma_start3A_320, %dma_start3A_321] : memref<6x128x128xf32, #tpu.memory_space<vmem>> -> memref<1x128x128xf32, #tpu.memory_space<vmem>>
        %dma_start3A_323 = tpu.memref_squeeze %dma_start3A_322 : memref<1x128x128xf32, #tpu.memory_space<vmem>> -> memref<128x128xf32, #tpu.memory_space<vmem>>
        tpu.enqueue_dma source(%dma_start3A_323 : memref<128x128xf32, #tpu.memory_space<vmem>>) target(%dma_start3A_319 : memref<128x128xf32, #tpu.memory_space<hbm>>) target_semaphore(%arg15 : memref<!tpu.dma_semaphore, #tpu.memory_space<semaphore_mem>>)
      } else {
      }
      %mul3A_215 = arith.constant 6 : i32
      %mul3A_216 = arith.muli %scan3A_138, %mul3A_215 : i32
      %add3A_217 = arith.constant 3 : i32
      %add3A_218 = arith.addi %mul3A_216, %add3A_217 : i32
      %add3A_219 = arith.constant 3 : i32
      %add3A_220 = arith.addi %add3A_218, %add3A_219 : i32
      %lt3A_221 = arith.constant 50 : i32
      %lt3A_222 = arith.cmpi slt, %add3A_220, %lt3A_221 : i32
      %ge3A_223 = arith.constant 3 : i32
      %ge3A_224 = arith.cmpi sge, %add3A_218, %ge3A_223 : i32
      %and3A_225 = arith.andi %lt3A_222, %ge3A_224 : i1
      %convert_element_type3A_226 = arith.extui %and3A_225 : i1 to i32
      %cond3A_227 = arith.constant 0 : i32
      %cond3A_228 = arith.cmpi ne, %convert_element_type3A_226, %cond3A_227 : i32
      scf.if %cond3A_228 {
        %sub3A = arith.constant 6 : i32
        %sub3A_296 = arith.subi %add3A_220, %sub3A : i32
        %dma_wait3A_297 = arith.constant 0 : i32
        %dma_wait3A_298 = arith.constant 0 : i32
        %dma_wait3A_299 = arith.constant 0 : i32
        %dma_wait3A_300 = tpu.memref_slice %arg6[%dma_wait3A_297, %dma_wait3A_298, %dma_wait3A_299] : memref<6x128x128xf32, #tpu.memory_space<vmem>> -> memref<1x128x128xf32, #tpu.memory_space<vmem>>
        %dma_wait3A_301 = tpu.memref_squeeze %dma_wait3A_300 : memref<1x128x128xf32, #tpu.memory_space<vmem>> -> memref<128x128xf32, #tpu.memory_space<vmem>>
        %dma_wait3A_302 = arith.constant 0 : i32
        %dma_wait3A_303 = tpu.memref_slice %arg4[%sub3A_296, %mul3A_2, %dma_wait3A_302] : memref<50x4096x128xf32, #tpu.memory_space<hbm>> -> memref<1x128x128xf32, #tpu.memory_space<hbm>>
        %dma_wait3A_304 = tpu.memref_squeeze %dma_wait3A_303 : memref<1x128x128xf32, #tpu.memory_space<hbm>> -> memref<128x128xf32, #tpu.memory_space<hbm>>
        %dma_wait3A_305 = arith.constant 0 : i32
        %dma_wait3A_306 = tpu.memref_slice %arg4[%sub3A_296, %mul3A_2, %dma_wait3A_305] : memref<50x4096x128xf32, #tpu.memory_space<hbm>> -> memref<1x128x128xf32, #tpu.memory_space<hbm>>
        %dma_wait3A_307 = tpu.memref_squeeze %dma_wait3A_306 : memref<1x128x128xf32, #tpu.memory_space<hbm>> -> memref<128x128xf32, #tpu.memory_space<hbm>>
        %dma_wait3A_308 = arith.constant 0 : i32
        %dma_wait3A_309 = arith.constant 0 : i32
        %dma_wait3A_310 = tpu.memref_slice %arg6[%dma_wait3A_297, %dma_wait3A_308, %dma_wait3A_309] : memref<6x128x128xf32, #tpu.memory_space<vmem>> -> memref<1x128x128xf32, #tpu.memory_space<vmem>>
        %dma_wait3A_311 = tpu.memref_squeeze %dma_wait3A_310 : memref<1x128x128xf32, #tpu.memory_space<vmem>> -> memref<128x128xf32, #tpu.memory_space<vmem>>
        tpu.wait_dma2 semaphore(%arg13 : memref<!tpu.dma_semaphore, #tpu.memory_space<semaphore_mem>>) src(%dma_wait3A_311 : memref<128x128xf32, #tpu.memory_space<vmem>>) dst(%dma_wait3A_307 : memref<128x128xf32, #tpu.memory_space<hbm>>)
        %dma_start3A_312 = arith.constant 0 : i32
        %dma_start3A_313 = arith.constant 0 : i32
        %dma_start3A_314 = arith.constant 0 : i32
        %dma_start3A_315 = tpu.memref_slice %arg6[%dma_start3A_312, %dma_start3A_313, %dma_start3A_314] : memref<6x128x128xf32, #tpu.memory_space<vmem>> -> memref<1x128x128xf32, #tpu.memory_space<vmem>>
        %dma_start3A_316 = tpu.memref_squeeze %dma_start3A_315 : memref<1x128x128xf32, #tpu.memory_space<vmem>> -> memref<128x128xf32, #tpu.memory_space<vmem>>
        %dma_start3A_317 = arith.constant 0 : i32
        %dma_start3A_318 = tpu.memref_slice %arg5[%add3A_220, %dma_start3A_317] : memref<50x128xi32, #tpu.memory_space<vmem>> -> memref<1x128xi32, #tpu.memory_space<vmem>>
        %dma_start3A_319 = tpu.memref_squeeze %dma_start3A_318 : memref<1x128xi32, #tpu.memory_space<vmem>> -> memref<128xi32, #tpu.memory_space<vmem>>
        %dma_start3A_320 = arith.constant 0 : i32
        %dma_start3A_321 = arith.constant 0 : i32
        %dma_start3A_322 = tpu.memref_slice %arg2[%dma_start3A_320, %dma_start3A_321] : memref<100000x128xf32, #tpu.memory_space<hbm>> -> memref<100000x128xf32, #tpu.memory_space<hbm>>
        tpu.enqueue_indirect_dma source(%dma_start3A_322 : memref<100000x128xf32, #tpu.memory_space<hbm>>) target(%dma_start3A_316 : memref<128x128xf32, #tpu.memory_space<vmem>>) offsets(%dma_start3A_319 : memref<128xi32, #tpu.memory_space<vmem>>) semaphore(%arg7 : memref<!tpu.dma_semaphore, #tpu.memory_space<semaphore_mem>>)
      } else {
      }
      %lt3A_229 = arith.constant 50 : i32
      %lt3A_230 = arith.cmpi slt, %add3A_220, %lt3A_229 : i32
      %lt3A_231 = arith.constant 3 : i32
      %lt3A_232 = arith.cmpi slt, %add3A_218, %lt3A_231 : i32
      %and3A_233 = arith.andi %lt3A_230, %lt3A_232 : i1
      %convert_element_type3A_234 = arith.extui %and3A_233 : i1 to i32
      %cond3A_235 = arith.constant 0 : i32
      %cond3A_236 = arith.cmpi ne, %convert_element_type3A_234, %cond3A_235 : i32
      scf.if %cond3A_236 {
        %dma_start3A_296 = arith.constant 0 : i32
        %dma_start3A_297 = arith.constant 0 : i32
        %dma_start3A_298 = arith.constant 0 : i32
        %dma_start3A_299 = tpu.memref_slice %arg6[%dma_start3A_296, %dma_start3A_297, %dma_start3A_298] : memref<6x128x128xf32, #tpu.memory_space<vmem>> -> memref<1x128x128xf32, #tpu.memory_space<vmem>>
        %dma_start3A_300 = tpu.memref_squeeze %dma_start3A_299 : memref<1x128x128xf32, #tpu.memory_space<vmem>> -> memref<128x128xf32, #tpu.memory_space<vmem>>
        %dma_start3A_301 = arith.constant 0 : i32
        %dma_start3A_302 = tpu.memref_slice %arg5[%add3A_220, %dma_start3A_301] : memref<50x128xi32, #tpu.memory_space<vmem>> -> memref<1x128xi32, #tpu.memory_space<vmem>>
        %dma_start3A_303 = tpu.memref_squeeze %dma_start3A_302 : memref<1x128xi32, #tpu.memory_space<vmem>> -> memref<128xi32, #tpu.memory_space<vmem>>
        %dma_start3A_304 = arith.constant 0 : i32
        %dma_start3A_305 = arith.constant 0 : i32
        %dma_start3A_306 = tpu.memref_slice %arg2[%dma_start3A_304, %dma_start3A_305] : memref<100000x128xf32, #tpu.memory_space<hbm>> -> memref<100000x128xf32, #tpu.memory_space<hbm>>
        tpu.enqueue_indirect_dma source(%dma_start3A_306 : memref<100000x128xf32, #tpu.memory_space<hbm>>) target(%dma_start3A_300 : memref<128x128xf32, #tpu.memory_space<vmem>>) offsets(%dma_start3A_303 : memref<128xi32, #tpu.memory_space<vmem>>) semaphore(%arg7 : memref<!tpu.dma_semaphore, #tpu.memory_space<semaphore_mem>>)
      } else {
      }
      %lt3A_237 = arith.constant 50 : i32
      %lt3A_238 = arith.cmpi slt, %add3A_218, %lt3A_237 : i32
      %convert_element_type3A_239 = arith.extui %lt3A_238 : i1 to i32
      %cond3A_240 = arith.constant 0 : i32
      %cond3A_241 = arith.cmpi ne, %convert_element_type3A_239, %cond3A_240 : i32
      scf.if %cond3A_241 {
        %dma_wait3A_296 = arith.constant 3 : i32
        %dma_wait3A_297 = arith.constant 0 : i32
        %dma_wait3A_298 = arith.constant 0 : i32
        %dma_wait3A_299 = tpu.memref_slice %arg6[%dma_wait3A_296, %dma_wait3A_297, %dma_wait3A_298] : memref<6x128x128xf32, #tpu.memory_space<vmem>> -> memref<1x128x128xf32, #tpu.memory_space<vmem>>
        %dma_wait3A_300 = tpu.memref_squeeze %dma_wait3A_299 : memref<1x128x128xf32, #tpu.memory_space<vmem>> -> memref<128x128xf32, #tpu.memory_space<vmem>>
        %dma_wait3A_301 = arith.constant 0 : i32
        %dma_wait3A_302 = tpu.memref_slice %arg5[%add3A_218, %dma_wait3A_301] : memref<50x128xi32, #tpu.memory_space<vmem>> -> memref<1x128xi32, #tpu.memory_space<vmem>>
        %dma_wait3A_303 = tpu.memref_squeeze %dma_wait3A_302 : memref<1x128xi32, #tpu.memory_space<vmem>> -> memref<128xi32, #tpu.memory_space<vmem>>
        %dma_wait3A_304 = arith.constant 0 : i32
        %dma_wait3A_305 = arith.constant 0 : i32
        %dma_wait3A_306 = tpu.memref_slice %arg2[%dma_wait3A_304, %dma_wait3A_305] : memref<100000x128xf32, #tpu.memory_space<hbm>> -> memref<100000x128xf32, #tpu.memory_space<hbm>>
        tpu.wait_indirect_dma semaphore(%arg10 : memref<!tpu.dma_semaphore, #tpu.memory_space<semaphore_mem>>) src(%dma_wait3A_306 : memref<100000x128xf32, #tpu.memory_space<hbm>>) dst(%dma_wait3A_300 : memref<128x128xf32, #tpu.memory_space<vmem>>)
        %parallel_loop3A = arith.constant 0 : i32
        %parallel_loop3A_307 = arith.constant 128 : i32
        %parallel_loop3A_308 = arith.constant 1 : i32
        scf.for %parallel_loop3A_324 = %parallel_loop3A to %parallel_loop3A_307 step %parallel_loop3A_308  : i32 {
          %parallel_loop3A_325 = arith.constant 3 : i32
          %parallel_loop3A_326 = arith.index_cast %parallel_loop3A_325 : i32 to index
          %parallel_loop3A_327 = arith.index_cast %parallel_loop3A_324 : i32 to index
          %parallel_loop3A_328 = arith.constant 0 : index
          %parallel_loop3A_329 = tpu.vector_load %arg6[%parallel_loop3A_326, %parallel_loop3A_327, %parallel_loop3A_328] {strides = array<i32>} : memref<6x128x128xf32, #tpu.memory_space<vmem>>, vector<1x1x16xf32>,
          %parallel_loop3A_330 = vector.shape_cast %parallel_loop3A_329 : vector<1x1x16xf32> to vector<16xf32>
          %parallel_loop3A_331 = arith.constant 11.3137083 : f32
          %parallel_loop3A_332 = vector.broadcast %parallel_loop3A_331 : f32 to vector<16xf32>
          %parallel_loop3A_333 = arith.mulf %parallel_loop3A_330, %parallel_loop3A_332 : vector<16xf32>
          %parallel_loop3A_334 = arith.constant 3 : i32
          %parallel_loop3A_335 = arith.index_cast %parallel_loop3A_334 : i32 to index
          %parallel_loop3A_336 = arith.index_cast %parallel_loop3A_324 : i32 to index
          %parallel_loop3A_337 = arith.constant 0 : index
          %parallel_loop3A_338 = tpu.vector_load %arg6[%parallel_loop3A_335, %parallel_loop3A_336, %parallel_loop3A_337] {strides = array<i32>} : memref<6x128x128xf32, #tpu.memory_space<vmem>>, vector<1x1x16xf32>,
          %parallel_loop3A_339 = vector.shape_cast %parallel_loop3A_338 : vector<1x1x16xf32> to vector<16xf32>
          %parallel_loop3A_340 = vector.shape_cast %parallel_loop3A_333 : vector<16xf32> to vector<1x1x16xf32>
          tpu.vector_store %arg6[%parallel_loop3A_335, %parallel_loop3A_336, %parallel_loop3A_337], %parallel_loop3A_340 {strides = array<i32>} : memref<6x128x128xf32, #tpu.memory_space<vmem>>, vector<1x1x16xf32>,
          %parallel_loop3A_341 = arith.constant 3 : i32
          %parallel_loop3A_342 = arith.index_cast %parallel_loop3A_341 : i32 to index
          %parallel_loop3A_343 = arith.index_cast %parallel_loop3A_324 : i32 to index
          %parallel_loop3A_344 = arith.constant 16 : index
          %parallel_loop3A_345 = tpu.vector_load %arg6[%parallel_loop3A_342, %parallel_loop3A_343, %parallel_loop3A_344] {strides = array<i32>} : memref<6x128x128xf32, #tpu.memory_space<vmem>>, vector<1x1x16xf32>,
          %parallel_loop3A_346 = vector.shape_cast %parallel_loop3A_345 : vector<1x1x16xf32> to vector<16xf32>
          %parallel_loop3A_347 = arith.constant 11.3137083 : f32
          %parallel_loop3A_348 = vector.broadcast %parallel_loop3A_347 : f32 to vector<16xf32>
          %parallel_loop3A_349 = arith.mulf %parallel_loop3A_346, %parallel_loop3A_348 : vector<16xf32>
          %parallel_loop3A_350 = arith.constant 3 : i32
          %parallel_loop3A_351 = arith.index_cast %parallel_loop3A_350 : i32 to index
          %parallel_loop3A_352 = arith.index_cast %parallel_loop3A_324 : i32 to index
          %parallel_loop3A_353 = arith.constant 16 : index
          %parallel_loop3A_354 = tpu.vector_load %arg6[%parallel_loop3A_351, %parallel_loop3A_352, %parallel_loop3A_353] {strides = array<i32>} : memref<6x128x128xf32, #tpu.memory_space<vmem>>, vector<1x1x16xf32>,
          %parallel_loop3A_355 = vector.shape_cast %parallel_loop3A_354 : vector<1x1x16xf32> to vector<16xf32>
          %parallel_loop3A_356 = vector.shape_cast %parallel_loop3A_349 : vector<16xf32> to vector<1x1x16xf32>
          tpu.vector_store %arg6[%parallel_loop3A_351, %parallel_loop3A_352, %parallel_loop3A_353], %parallel_loop3A_356 {strides = array<i32>} : memref<6x128x128xf32, #tpu.memory_space<vmem>>, vector<1x1x16xf32>,
          %parallel_loop3A_357 = arith.constant 3 : i32
          %parallel_loop3A_358 = arith.index_cast %parallel_loop3A_357 : i32 to index
          %parallel_loop3A_359 = arith.index_cast %parallel_loop3A_324 : i32 to index
          %parallel_loop3A_360 = arith.constant 32 : index
          %parallel_loop3A_361 = tpu.vector_load %arg6[%parallel_loop3A_358, %parallel_loop3A_359, %parallel_loop3A_360] {strides = array<i32>} : memref<6x128x128xf32, #tpu.memory_space<vmem>>, vector<1x1x16xf32>,
          %parallel_loop3A_362 = vector.shape_cast %parallel_loop3A_361 : vector<1x1x16xf32> to vector<16xf32>
          %parallel_loop3A_363 = arith.constant 11.3137083 : f32
          %parallel_loop3A_364 = vector.broadcast %parallel_loop3A_363 : f32 to vector<16xf32>
          %parallel_loop3A_365 = arith.mulf %parallel_loop3A_362, %parallel_loop3A_364 : vector<16xf32>
          %parallel_loop3A_366 = arith.constant 3 : i32
          %parallel_loop3A_367 = arith.index_cast %parallel_loop3A_366 : i32 to index
          %parallel_loop3A_368 = arith.index_cast %parallel_loop3A_324 : i32 to index
          %parallel_loop3A_369 = arith.constant 32 : index
          %parallel_loop3A_370 = tpu.vector_load %arg6[%parallel_loop3A_367, %parallel_loop3A_368, %parallel_loop3A_369] {strides = array<i32>} : memref<6x128x128xf32, #tpu.memory_space<vmem>>, vector<1x1x16xf32>,
          %parallel_loop3A_371 = vector.shape_cast %parallel_loop3A_370 : vector<1x1x16xf32> to vector<16xf32>
          %parallel_loop3A_372 = vector.shape_cast %parallel_loop3A_365 : vector<16xf32> to vector<1x1x16xf32>
          tpu.vector_store %arg6[%parallel_loop3A_367, %parallel_loop3A_368, %parallel_loop3A_369], %parallel_loop3A_372 {strides = array<i32>} : memref<6x128x128xf32, #tpu.memory_space<vmem>>, vector<1x1x16xf32>,
          %parallel_loop3A_373 = arith.constant 3 : i32
          %parallel_loop3A_374 = arith.index_cast %parallel_loop3A_373 : i32 to index
          %parallel_loop3A_375 = arith.index_cast %parallel_loop3A_324 : i32 to index
          %parallel_loop3A_376 = arith.constant 48 : index
          %parallel_loop3A_377 = tpu.vector_load %arg6[%parallel_loop3A_374, %parallel_loop3A_375, %parallel_loop3A_376] {strides = array<i32>} : memref<6x128x128xf32, #tpu.memory_space<vmem>>, vector<1x1x16xf32>,
          %parallel_loop3A_378 = vector.shape_cast %parallel_loop3A_377 : vector<1x1x16xf32> to vector<16xf32>
          %parallel_loop3A_379 = arith.constant 11.3137083 : f32
          %parallel_loop3A_380 = vector.broadcast %parallel_loop3A_379 : f32 to vector<16xf32>
          %parallel_loop3A_381 = arith.mulf %parallel_loop3A_378, %parallel_loop3A_380 : vector<16xf32>
          %parallel_loop3A_382 = arith.constant 3 : i32
          %parallel_loop3A_383 = arith.index_cast %parallel_loop3A_382 : i32 to index
          %parallel_loop3A_384 = arith.index_cast %parallel_loop3A_324 : i32 to index
          %parallel_loop3A_385 = arith.constant 48 : index
          %parallel_loop3A_386 = tpu.vector_load %arg6[%parallel_loop3A_383, %parallel_loop3A_384, %parallel_loop3A_385] {strides = array<i32>} : memref<6x128x128xf32, #tpu.memory_space<vmem>>, vector<1x1x16xf32>,
          %parallel_loop3A_387 = vector.shape_cast %parallel_loop3A_386 : vector<1x1x16xf32> to vector<16xf32>
          %parallel_loop3A_388 = vector.shape_cast %parallel_loop3A_381 : vector<16xf32> to vector<1x1x16xf32>
          tpu.vector_store %arg6[%parallel_loop3A_383, %parallel_loop3A_384, %parallel_loop3A_385], %parallel_loop3A_388 {strides = array<i32>} : memref<6x128x128xf32, #tpu.memory_space<vmem>>, vector<1x1x16xf32>,
          %parallel_loop3A_389 = arith.constant 3 : i32
          %parallel_loop3A_390 = arith.index_cast %parallel_loop3A_389 : i32 to index
          %parallel_loop3A_391 = arith.index_cast %parallel_loop3A_324 : i32 to index
          %parallel_loop3A_392 = arith.constant 64 : index
          %parallel_loop3A_393 = tpu.vector_load %arg6[%parallel_loop3A_390, %parallel_loop3A_391, %parallel_loop3A_392] {strides = array<i32>} : memref<6x128x128xf32, #tpu.memory_space<vmem>>, vector<1x1x16xf32>,
          %parallel_loop3A_394 = vector.shape_cast %parallel_loop3A_393 : vector<1x1x16xf32> to vector<16xf32>
          %parallel_loop3A_395 = arith.constant 11.3137083 : f32
          %parallel_loop3A_396 = vector.broadcast %parallel_loop3A_395 : f32 to vector<16xf32>
          %parallel_loop3A_397 = arith.mulf %parallel_loop3A_394, %parallel_loop3A_396 : vector<16xf32>
          %parallel_loop3A_398 = arith.constant 3 : i32
          %parallel_loop3A_399 = arith.index_cast %parallel_loop3A_398 : i32 to index
          %parallel_loop3A_400 = arith.index_cast %parallel_loop3A_324 : i32 to index
          %parallel_loop3A_401 = arith.constant 64 : index
          %parallel_loop3A_402 = tpu.vector_load %arg6[%parallel_loop3A_399, %parallel_loop3A_400, %parallel_loop3A_401] {strides = array<i32>} : memref<6x128x128xf32, #tpu.memory_space<vmem>>, vector<1x1x16xf32>,
          %parallel_loop3A_403 = vector.shape_cast %parallel_loop3A_402 : vector<1x1x16xf32> to vector<16xf32>
          %parallel_loop3A_404 = vector.shape_cast %parallel_loop3A_397 : vector<16xf32> to vector<1x1x16xf32>
          tpu.vector_store %arg6[%parallel_loop3A_399, %parallel_loop3A_400, %parallel_loop3A_401], %parallel_loop3A_404 {strides = array<i32>} : memref<6x128x128xf32, #tpu.memory_space<vmem>>, vector<1x1x16xf32>,
          %parallel_loop3A_405 = arith.constant 3 : i32
          %parallel_loop3A_406 = arith.index_cast %parallel_loop3A_405 : i32 to index
          %parallel_loop3A_407 = arith.index_cast %parallel_loop3A_324 : i32 to index
          %parallel_loop3A_408 = arith.constant 80 : index
          %parallel_loop3A_409 = tpu.vector_load %arg6[%parallel_loop3A_406, %parallel_loop3A_407, %parallel_loop3A_408] {strides = array<i32>} : memref<6x128x128xf32, #tpu.memory_space<vmem>>, vector<1x1x16xf32>,
          %parallel_loop3A_410 = vector.shape_cast %parallel_loop3A_409 : vector<1x1x16xf32> to vector<16xf32>
          %parallel_loop3A_411 = arith.constant 11.3137083 : f32
          %parallel_loop3A_412 = vector.broadcast %parallel_loop3A_411 : f32 to vector<16xf32>
          %parallel_loop3A_413 = arith.mulf %parallel_loop3A_410, %parallel_loop3A_412 : vector<16xf32>
          %parallel_loop3A_414 = arith.constant 3 : i32
          %parallel_loop3A_415 = arith.index_cast %parallel_loop3A_414 : i32 to index
          %parallel_loop3A_416 = arith.index_cast %parallel_loop3A_324 : i32 to index
          %parallel_loop3A_417 = arith.constant 80 : index
          %parallel_loop3A_418 = tpu.vector_load %arg6[%parallel_loop3A_415, %parallel_loop3A_416, %parallel_loop3A_417] {strides = array<i32>} : memref<6x128x128xf32, #tpu.memory_space<vmem>>, vector<1x1x16xf32>,
          %parallel_loop3A_419 = vector.shape_cast %parallel_loop3A_418 : vector<1x1x16xf32> to vector<16xf32>
          %parallel_loop3A_420 = vector.shape_cast %parallel_loop3A_413 : vector<16xf32> to vector<1x1x16xf32>
          tpu.vector_store %arg6[%parallel_loop3A_415, %parallel_loop3A_416, %parallel_loop3A_417], %parallel_loop3A_420 {strides = array<i32>} : memref<6x128x128xf32, #tpu.memory_space<vmem>>, vector<1x1x16xf32>,
          %parallel_loop3A_421 = arith.constant 3 : i32
          %parallel_loop3A_422 = arith.index_cast %parallel_loop3A_421 : i32 to index
          %parallel_loop3A_423 = arith.index_cast %parallel_loop3A_324 : i32 to index
          %parallel_loop3A_424 = arith.constant 96 : index
          %parallel_loop3A_425 = tpu.vector_load %arg6[%parallel_loop3A_422, %parallel_loop3A_423, %parallel_loop3A_424] {strides = array<i32>} : memref<6x128x128xf32, #tpu.memory_space<vmem>>, vector<1x1x16xf32>,
          %parallel_loop3A_426 = vector.shape_cast %parallel_loop3A_425 : vector<1x1x16xf32> to vector<16xf32>
          %parallel_loop3A_427 = arith.constant 11.3137083 : f32
          %parallel_loop3A_428 = vector.broadcast %parallel_loop3A_427 : f32 to vector<16xf32>
          %parallel_loop3A_429 = arith.mulf %parallel_loop3A_426, %parallel_loop3A_428 : vector<16xf32>
          %parallel_loop3A_430 = arith.constant 3 : i32
          %parallel_loop3A_431 = arith.index_cast %parallel_loop3A_430 : i32 to index
          %parallel_loop3A_432 = arith.index_cast %parallel_loop3A_324 : i32 to index
          %parallel_loop3A_433 = arith.constant 96 : index
          %parallel_loop3A_434 = tpu.vector_load %arg6[%parallel_loop3A_431, %parallel_loop3A_432, %parallel_loop3A_433] {strides = array<i32>} : memref<6x128x128xf32, #tpu.memory_space<vmem>>, vector<1x1x16xf32>,
          %parallel_loop3A_435 = vector.shape_cast %parallel_loop3A_434 : vector<1x1x16xf32> to vector<16xf32>
          %parallel_loop3A_436 = vector.shape_cast %parallel_loop3A_429 : vector<16xf32> to vector<1x1x16xf32>
          tpu.vector_store %arg6[%parallel_loop3A_431, %parallel_loop3A_432, %parallel_loop3A_433], %parallel_loop3A_436 {strides = array<i32>} : memref<6x128x128xf32, #tpu.memory_space<vmem>>, vector<1x1x16xf32>,
          %parallel_loop3A_437 = arith.constant 3 : i32
          %parallel_loop3A_438 = arith.index_cast %parallel_loop3A_437 : i32 to index
          %parallel_loop3A_439 = arith.index_cast %parallel_loop3A_324 : i32 to index
          %parallel_loop3A_440 = arith.constant 112 : index
          %parallel_loop3A_441 = tpu.vector_load %arg6[%parallel_loop3A_438, %parallel_loop3A_439, %parallel_loop3A_440] {strides = array<i32>} : memref<6x128x128xf32, #tpu.memory_space<vmem>>, vector<1x1x16xf32>,
          %parallel_loop3A_442 = vector.shape_cast %parallel_loop3A_441 : vector<1x1x16xf32> to vector<16xf32>
          %parallel_loop3A_443 = arith.constant 11.3137083 : f32
          %parallel_loop3A_444 = vector.broadcast %parallel_loop3A_443 : f32 to vector<16xf32>
          %parallel_loop3A_445 = arith.mulf %parallel_loop3A_442, %parallel_loop3A_444 : vector<16xf32>
          %parallel_loop3A_446 = arith.constant 3 : i32
          %parallel_loop3A_447 = arith.index_cast %parallel_loop3A_446 : i32 to index
          %parallel_loop3A_448 = arith.index_cast %parallel_loop3A_324 : i32 to index
          %parallel_loop3A_449 = arith.constant 112 : index
          %parallel_loop3A_450 = tpu.vector_load %arg6[%parallel_loop3A_447, %parallel_loop3A_448, %parallel_loop3A_449] {strides = array<i32>} : memref<6x128x128xf32, #tpu.memory_space<vmem>>, vector<1x1x16xf32>,
          %parallel_loop3A_451 = vector.shape_cast %parallel_loop3A_450 : vector<1x1x16xf32> to vector<16xf32>
          %parallel_loop3A_452 = vector.shape_cast %parallel_loop3A_445 : vector<16xf32> to vector<1x1x16xf32>
          tpu.vector_store %arg6[%parallel_loop3A_447, %parallel_loop3A_448, %parallel_loop3A_449], %parallel_loop3A_452 {strides = array<i32>} : memref<6x128x128xf32, #tpu.memory_space<vmem>>, vector<1x1x16xf32>,
        } {sc.loop_unroll_factor = 2 : i64, sc.parallel_access}
        %dma_start3A_309 = arith.constant 3 : i32
        %dma_start3A_310 = arith.constant 0 : i32
        %dma_start3A_311 = arith.constant 0 : i32
        %dma_start3A_312 = tpu.memref_slice %arg6[%dma_start3A_309, %dma_start3A_310, %dma_start3A_311] : memref<6x128x128xf32, #tpu.memory_space<vmem>> -> memref<1x128x128xf32, #tpu.memory_space<vmem>>
        %dma_start3A_313 = tpu.memref_squeeze %dma_start3A_312 : memref<1x128x128xf32, #tpu.memory_space<vmem>> -> memref<128x128xf32, #tpu.memory_space<vmem>>
        %dma_start3A_314 = arith.constant 0 : i32
        %dma_start3A_315 = tpu.memref_slice %arg4[%add3A_218, %mul3A_2, %dma_start3A_314] : memref<50x4096x128xf32, #tpu.memory_space<hbm>> -> memref<1x128x128xf32, #tpu.memory_space<hbm>>
        %dma_start3A_316 = tpu.memref_squeeze %dma_start3A_315 : memref<1x128x128xf32, #tpu.memory_space<hbm>> -> memref<128x128xf32, #tpu.memory_space<hbm>>
        %dma_start3A_317 = arith.constant 0 : i32
        %dma_start3A_318 = tpu.memref_slice %arg4[%add3A_218, %mul3A_2, %dma_start3A_317] : memref<50x4096x128xf32, #tpu.memory_space<hbm>> -> memref<1x128x128xf32, #tpu.memory_space<hbm>>
        %dma_start3A_319 = tpu.memref_squeeze %dma_start3A_318 : memref<1x128x128xf32, #tpu.memory_space<hbm>> -> memref<128x128xf32, #tpu.memory_space<hbm>>
        %dma_start3A_320 = arith.constant 0 : i32
        %dma_start3A_321 = arith.constant 0 : i32
        %dma_start3A_322 = tpu.memref_slice %arg6[%dma_start3A_309, %dma_start3A_320, %dma_start3A_321] : memref<6x128x128xf32, #tpu.memory_space<vmem>> -> memref<1x128x128xf32, #tpu.memory_space<vmem>>
        %dma_start3A_323 = tpu.memref_squeeze %dma_start3A_322 : memref<1x128x128xf32, #tpu.memory_space<vmem>> -> memref<128x128xf32, #tpu.memory_space<vmem>>
        tpu.enqueue_dma source(%dma_start3A_323 : memref<128x128xf32, #tpu.memory_space<vmem>>) target(%dma_start3A_319 : memref<128x128xf32, #tpu.memory_space<hbm>>) target_semaphore(%arg16 : memref<!tpu.dma_semaphore, #tpu.memory_space<semaphore_mem>>)
      } else {
      }
      %mul3A_242 = arith.constant 6 : i32
      %mul3A_243 = arith.muli %scan3A_138, %mul3A_242 : i32
      %add3A_244 = arith.constant 4 : i32
      %add3A_245 = arith.addi %mul3A_243, %add3A_244 : i32
      %add3A_246 = arith.constant 3 : i32
      %add3A_247 = arith.addi %add3A_245, %add3A_246 : i32
      %lt3A_248 = arith.constant 50 : i32
      %lt3A_249 = arith.cmpi slt, %add3A_247, %lt3A_248 : i32
      %ge3A_250 = arith.constant 3 : i32
      %ge3A_251 = arith.cmpi sge, %add3A_245, %ge3A_250 : i32
      %and3A_252 = arith.andi %lt3A_249, %ge3A_251 : i1
      %convert_element_type3A_253 = arith.extui %and3A_252 : i1 to i32
      %cond3A_254 = arith.constant 0 : i32
      %cond3A_255 = arith.cmpi ne, %convert_element_type3A_253, %cond3A_254 : i32
      scf.if %cond3A_255 {
        %sub3A = arith.constant 6 : i32
        %sub3A_296 = arith.subi %add3A_247, %sub3A : i32
        %dma_wait3A_297 = arith.constant 1 : i32
        %dma_wait3A_298 = arith.constant 0 : i32
        %dma_wait3A_299 = arith.constant 0 : i32
        %dma_wait3A_300 = tpu.memref_slice %arg6[%dma_wait3A_297, %dma_wait3A_298, %dma_wait3A_299] : memref<6x128x128xf32, #tpu.memory_space<vmem>> -> memref<1x128x128xf32, #tpu.memory_space<vmem>>
        %dma_wait3A_301 = tpu.memref_squeeze %dma_wait3A_300 : memref<1x128x128xf32, #tpu.memory_space<vmem>> -> memref<128x128xf32, #tpu.memory_space<vmem>>
        %dma_wait3A_302 = arith.constant 0 : i32
        %dma_wait3A_303 = tpu.memref_slice %arg4[%sub3A_296, %mul3A_2, %dma_wait3A_302] : memref<50x4096x128xf32, #tpu.memory_space<hbm>> -> memref<1x128x128xf32, #tpu.memory_space<hbm>>
        %dma_wait3A_304 = tpu.memref_squeeze %dma_wait3A_303 : memref<1x128x128xf32, #tpu.memory_space<hbm>> -> memref<128x128xf32, #tpu.memory_space<hbm>>
        %dma_wait3A_305 = arith.constant 0 : i32
        %dma_wait3A_306 = tpu.memref_slice %arg4[%sub3A_296, %mul3A_2, %dma_wait3A_305] : memref<50x4096x128xf32, #tpu.memory_space<hbm>> -> memref<1x128x128xf32, #tpu.memory_space<hbm>>
        %dma_wait3A_307 = tpu.memref_squeeze %dma_wait3A_306 : memref<1x128x128xf32, #tpu.memory_space<hbm>> -> memref<128x128xf32, #tpu.memory_space<hbm>>
        %dma_wait3A_308 = arith.constant 0 : i32
        %dma_wait3A_309 = arith.constant 0 : i32
        %dma_wait3A_310 = tpu.memref_slice %arg6[%dma_wait3A_297, %dma_wait3A_308, %dma_wait3A_309] : memref<6x128x128xf32, #tpu.memory_space<vmem>> -> memref<1x128x128xf32, #tpu.memory_space<vmem>>
        %dma_wait3A_311 = tpu.memref_squeeze %dma_wait3A_310 : memref<1x128x128xf32, #tpu.memory_space<vmem>> -> memref<128x128xf32, #tpu.memory_space<vmem>>
        tpu.wait_dma2 semaphore(%arg14 : memref<!tpu.dma_semaphore, #tpu.memory_space<semaphore_mem>>) src(%dma_wait3A_311 : memref<128x128xf32, #tpu.memory_space<vmem>>) dst(%dma_wait3A_307 : memref<128x128xf32, #tpu.memory_space<hbm>>)
        %dma_start3A_312 = arith.constant 1 : i32
        %dma_start3A_313 = arith.constant 0 : i32
        %dma_start3A_314 = arith.constant 0 : i32
        %dma_start3A_315 = tpu.memref_slice %arg6[%dma_start3A_312, %dma_start3A_313, %dma_start3A_314] : memref<6x128x128xf32, #tpu.memory_space<vmem>> -> memref<1x128x128xf32, #tpu.memory_space<vmem>>
        %dma_start3A_316 = tpu.memref_squeeze %dma_start3A_315 : memref<1x128x128xf32, #tpu.memory_space<vmem>> -> memref<128x128xf32, #tpu.memory_space<vmem>>
        %dma_start3A_317 = arith.constant 0 : i32
        %dma_start3A_318 = tpu.memref_slice %arg5[%add3A_247, %dma_start3A_317] : memref<50x128xi32, #tpu.memory_space<vmem>> -> memref<1x128xi32, #tpu.memory_space<vmem>>
        %dma_start3A_319 = tpu.memref_squeeze %dma_start3A_318 : memref<1x128xi32, #tpu.memory_space<vmem>> -> memref<128xi32, #tpu.memory_space<vmem>>
        %dma_start3A_320 = arith.constant 0 : i32
        %dma_start3A_321 = arith.constant 0 : i32
        %dma_start3A_322 = tpu.memref_slice %arg2[%dma_start3A_320, %dma_start3A_321] : memref<100000x128xf32, #tpu.memory_space<hbm>> -> memref<100000x128xf32, #tpu.memory_space<hbm>>
        tpu.enqueue_indirect_dma source(%dma_start3A_322 : memref<100000x128xf32, #tpu.memory_space<hbm>>) target(%dma_start3A_316 : memref<128x128xf32, #tpu.memory_space<vmem>>) offsets(%dma_start3A_319 : memref<128xi32, #tpu.memory_space<vmem>>) semaphore(%arg8 : memref<!tpu.dma_semaphore, #tpu.memory_space<semaphore_mem>>)
      } else {
      }
      %lt3A_256 = arith.constant 50 : i32
      %lt3A_257 = arith.cmpi slt, %add3A_247, %lt3A_256 : i32
      %lt3A_258 = arith.constant 3 : i32
      %lt3A_259 = arith.cmpi slt, %add3A_245, %lt3A_258 : i32
      %and3A_260 = arith.andi %lt3A_257, %lt3A_259 : i1
      %convert_element_type3A_261 = arith.extui %and3A_260 : i1 to i32
      %cond3A_262 = arith.constant 0 : i32
      %cond3A_263 = arith.cmpi ne, %convert_element_type3A_261, %cond3A_262 : i32
      scf.if %cond3A_263 {
        %dma_start3A_296 = arith.constant 1 : i32
        %dma_start3A_297 = arith.constant 0 : i32
        %dma_start3A_298 = arith.constant 0 : i32
        %dma_start3A_299 = tpu.memref_slice %arg6[%dma_start3A_296, %dma_start3A_297, %dma_start3A_298] : memref<6x128x128xf32, #tpu.memory_space<vmem>> -> memref<1x128x128xf32, #tpu.memory_space<vmem>>
        %dma_start3A_300 = tpu.memref_squeeze %dma_start3A_299 : memref<1x128x128xf32, #tpu.memory_space<vmem>> -> memref<128x128xf32, #tpu.memory_space<vmem>>
        %dma_start3A_301 = arith.constant 0 : i32
        %dma_start3A_302 = tpu.memref_slice %arg5[%add3A_247, %dma_start3A_301] : memref<50x128xi32, #tpu.memory_space<vmem>> -> memref<1x128xi32, #tpu.memory_space<vmem>>
        %dma_start3A_303 = tpu.memref_squeeze %dma_start3A_302 : memref<1x128xi32, #tpu.memory_space<vmem>> -> memref<128xi32, #tpu.memory_space<vmem>>
        %dma_start3A_304 = arith.constant 0 : i32
        %dma_start3A_305 = arith.constant 0 : i32
        %dma_start3A_306 = tpu.memref_slice %arg2[%dma_start3A_304, %dma_start3A_305] : memref<100000x128xf32, #tpu.memory_space<hbm>> -> memref<100000x128xf32, #tpu.memory_space<hbm>>
        tpu.enqueue_indirect_dma source(%dma_start3A_306 : memref<100000x128xf32, #tpu.memory_space<hbm>>) target(%dma_start3A_300 : memref<128x128xf32, #tpu.memory_space<vmem>>) offsets(%dma_start3A_303 : memref<128xi32, #tpu.memory_space<vmem>>) semaphore(%arg8 : memref<!tpu.dma_semaphore, #tpu.memory_space<semaphore_mem>>)
      } else {
      }
      %lt3A_264 = arith.constant 50 : i32
      %lt3A_265 = arith.cmpi slt, %add3A_245, %lt3A_264 : i32
      %convert_element_type3A_266 = arith.extui %lt3A_265 : i1 to i32
      %cond3A_267 = arith.constant 0 : i32
      %cond3A_268 = arith.cmpi ne, %convert_element_type3A_266, %cond3A_267 : i32
      scf.if %cond3A_268 {
        %dma_wait3A_296 = arith.constant 4 : i32
        %dma_wait3A_297 = arith.constant 0 : i32
        %dma_wait3A_298 = arith.constant 0 : i32
        %dma_wait3A_299 = tpu.memref_slice %arg6[%dma_wait3A_296, %dma_wait3A_297, %dma_wait3A_298] : memref<6x128x128xf32, #tpu.memory_space<vmem>> -> memref<1x128x128xf32, #tpu.memory_space<vmem>>
        %dma_wait3A_300 = tpu.memref_squeeze %dma_wait3A_299 : memref<1x128x128xf32, #tpu.memory_space<vmem>> -> memref<128x128xf32, #tpu.memory_space<vmem>>
        %dma_wait3A_301 = arith.constant 0 : i32
        %dma_wait3A_302 = tpu.memref_slice %arg5[%add3A_245, %dma_wait3A_301] : memref<50x128xi32, #tpu.memory_space<vmem>> -> memref<1x128xi32, #tpu.memory_space<vmem>>
        %dma_wait3A_303 = tpu.memref_squeeze %dma_wait3A_302 : memref<1x128xi32, #tpu.memory_space<vmem>> -> memref<128xi32, #tpu.memory_space<vmem>>
        %dma_wait3A_304 = arith.constant 0 : i32
        %dma_wait3A_305 = arith.constant 0 : i32
        %dma_wait3A_306 = tpu.memref_slice %arg2[%dma_wait3A_304, %dma_wait3A_305] : memref<100000x128xf32, #tpu.memory_space<hbm>> -> memref<100000x128xf32, #tpu.memory_space<hbm>>
        tpu.wait_indirect_dma semaphore(%arg11 : memref<!tpu.dma_semaphore, #tpu.memory_space<semaphore_mem>>) src(%dma_wait3A_306 : memref<100000x128xf32, #tpu.memory_space<hbm>>) dst(%dma_wait3A_300 : memref<128x128xf32, #tpu.memory_space<vmem>>)
        %parallel_loop3A = arith.constant 0 : i32
        %parallel_loop3A_307 = arith.constant 128 : i32
        %parallel_loop3A_308 = arith.constant 1 : i32
        scf.for %parallel_loop3A_324 = %parallel_loop3A to %parallel_loop3A_307 step %parallel_loop3A_308  : i32 {
          %parallel_loop3A_325 = arith.constant 4 : i32
          %parallel_loop3A_326 = arith.index_cast %parallel_loop3A_325 : i32 to index
          %parallel_loop3A_327 = arith.index_cast %parallel_loop3A_324 : i32 to index
          %parallel_loop3A_328 = arith.constant 0 : index
          %parallel_loop3A_329 = tpu.vector_load %arg6[%parallel_loop3A_326, %parallel_loop3A_327, %parallel_loop3A_328] {strides = array<i32>} : memref<6x128x128xf32, #tpu.memory_space<vmem>>, vector<1x1x16xf32>,
          %parallel_loop3A_330 = vector.shape_cast %parallel_loop3A_329 : vector<1x1x16xf32> to vector<16xf32>
          %parallel_loop3A_331 = arith.constant 11.3137083 : f32
          %parallel_loop3A_332 = vector.broadcast %parallel_loop3A_331 : f32 to vector<16xf32>
          %parallel_loop3A_333 = arith.mulf %parallel_loop3A_330, %parallel_loop3A_332 : vector<16xf32>
          %parallel_loop3A_334 = arith.constant 4 : i32
          %parallel_loop3A_335 = arith.index_cast %parallel_loop3A_334 : i32 to index
          %parallel_loop3A_336 = arith.index_cast %parallel_loop3A_324 : i32 to index
          %parallel_loop3A_337 = arith.constant 0 : index
          %parallel_loop3A_338 = tpu.vector_load %arg6[%parallel_loop3A_335, %parallel_loop3A_336, %parallel_loop3A_337] {strides = array<i32>} : memref<6x128x128xf32, #tpu.memory_space<vmem>>, vector<1x1x16xf32>,
          %parallel_loop3A_339 = vector.shape_cast %parallel_loop3A_338 : vector<1x1x16xf32> to vector<16xf32>
          %parallel_loop3A_340 = vector.shape_cast %parallel_loop3A_333 : vector<16xf32> to vector<1x1x16xf32>
          tpu.vector_store %arg6[%parallel_loop3A_335, %parallel_loop3A_336, %parallel_loop3A_337], %parallel_loop3A_340 {strides = array<i32>} : memref<6x128x128xf32, #tpu.memory_space<vmem>>, vector<1x1x16xf32>,
          %parallel_loop3A_341 = arith.constant 4 : i32
          %parallel_loop3A_342 = arith.index_cast %parallel_loop3A_341 : i32 to index
          %parallel_loop3A_343 = arith.index_cast %parallel_loop3A_324 : i32 to index
          %parallel_loop3A_344 = arith.constant 16 : index
          %parallel_loop3A_345 = tpu.vector_load %arg6[%parallel_loop3A_342, %parallel_loop3A_343, %parallel_loop3A_344] {strides = array<i32>} : memref<6x128x128xf32, #tpu.memory_space<vmem>>, vector<1x1x16xf32>,
          %parallel_loop3A_346 = vector.shape_cast %parallel_loop3A_345 : vector<1x1x16xf32> to vector<16xf32>
          %parallel_loop3A_347 = arith.constant 11.3137083 : f32
          %parallel_loop3A_348 = vector.broadcast %parallel_loop3A_347 : f32 to vector<16xf32>
          %parallel_loop3A_349 = arith.mulf %parallel_loop3A_346, %parallel_loop3A_348 : vector<16xf32>
          %parallel_loop3A_350 = arith.constant 4 : i32
          %parallel_loop3A_351 = arith.index_cast %parallel_loop3A_350 : i32 to index
          %parallel_loop3A_352 = arith.index_cast %parallel_loop3A_324 : i32 to index
          %parallel_loop3A_353 = arith.constant 16 : index
          %parallel_loop3A_354 = tpu.vector_load %arg6[%parallel_loop3A_351, %parallel_loop3A_352, %parallel_loop3A_353] {strides = array<i32>} : memref<6x128x128xf32, #tpu.memory_space<vmem>>, vector<1x1x16xf32>,
          %parallel_loop3A_355 = vector.shape_cast %parallel_loop3A_354 : vector<1x1x16xf32> to vector<16xf32>
          %parallel_loop3A_356 = vector.shape_cast %parallel_loop3A_349 : vector<16xf32> to vector<1x1x16xf32>
          tpu.vector_store %arg6[%parallel_loop3A_351, %parallel_loop3A_352, %parallel_loop3A_353], %parallel_loop3A_356 {strides = array<i32>} : memref<6x128x128xf32, #tpu.memory_space<vmem>>, vector<1x1x16xf32>,
          %parallel_loop3A_357 = arith.constant 4 : i32
          %parallel_loop3A_358 = arith.index_cast %parallel_loop3A_357 : i32 to index
          %parallel_loop3A_359 = arith.index_cast %parallel_loop3A_324 : i32 to index
          %parallel_loop3A_360 = arith.constant 32 : index
          %parallel_loop3A_361 = tpu.vector_load %arg6[%parallel_loop3A_358, %parallel_loop3A_359, %parallel_loop3A_360] {strides = array<i32>} : memref<6x128x128xf32, #tpu.memory_space<vmem>>, vector<1x1x16xf32>,
          %parallel_loop3A_362 = vector.shape_cast %parallel_loop3A_361 : vector<1x1x16xf32> to vector<16xf32>
          %parallel_loop3A_363 = arith.constant 11.3137083 : f32
          %parallel_loop3A_364 = vector.broadcast %parallel_loop3A_363 : f32 to vector<16xf32>
          %parallel_loop3A_365 = arith.mulf %parallel_loop3A_362, %parallel_loop3A_364 : vector<16xf32>
          %parallel_loop3A_366 = arith.constant 4 : i32
          %parallel_loop3A_367 = arith.index_cast %parallel_loop3A_366 : i32 to index
          %parallel_loop3A_368 = arith.index_cast %parallel_loop3A_324 : i32 to index
          %parallel_loop3A_369 = arith.constant 32 : index
          %parallel_loop3A_370 = tpu.vector_load %arg6[%parallel_loop3A_367, %parallel_loop3A_368, %parallel_loop3A_369] {strides = array<i32>} : memref<6x128x128xf32, #tpu.memory_space<vmem>>, vector<1x1x16xf32>,
          %parallel_loop3A_371 = vector.shape_cast %parallel_loop3A_370 : vector<1x1x16xf32> to vector<16xf32>
          %parallel_loop3A_372 = vector.shape_cast %parallel_loop3A_365 : vector<16xf32> to vector<1x1x16xf32>
          tpu.vector_store %arg6[%parallel_loop3A_367, %parallel_loop3A_368, %parallel_loop3A_369], %parallel_loop3A_372 {strides = array<i32>} : memref<6x128x128xf32, #tpu.memory_space<vmem>>, vector<1x1x16xf32>,
          %parallel_loop3A_373 = arith.constant 4 : i32
          %parallel_loop3A_374 = arith.index_cast %parallel_loop3A_373 : i32 to index
          %parallel_loop3A_375 = arith.index_cast %parallel_loop3A_324 : i32 to index
          %parallel_loop3A_376 = arith.constant 48 : index
          %parallel_loop3A_377 = tpu.vector_load %arg6[%parallel_loop3A_374, %parallel_loop3A_375, %parallel_loop3A_376] {strides = array<i32>} : memref<6x128x128xf32, #tpu.memory_space<vmem>>, vector<1x1x16xf32>,
          %parallel_loop3A_378 = vector.shape_cast %parallel_loop3A_377 : vector<1x1x16xf32> to vector<16xf32>
          %parallel_loop3A_379 = arith.constant 11.3137083 : f32
          %parallel_loop3A_380 = vector.broadcast %parallel_loop3A_379 : f32 to vector<16xf32>
          %parallel_loop3A_381 = arith.mulf %parallel_loop3A_378, %parallel_loop3A_380 : vector<16xf32>
          %parallel_loop3A_382 = arith.constant 4 : i32
          %parallel_loop3A_383 = arith.index_cast %parallel_loop3A_382 : i32 to index
          %parallel_loop3A_384 = arith.index_cast %parallel_loop3A_324 : i32 to index
          %parallel_loop3A_385 = arith.constant 48 : index
          %parallel_loop3A_386 = tpu.vector_load %arg6[%parallel_loop3A_383, %parallel_loop3A_384, %parallel_loop3A_385] {strides = array<i32>} : memref<6x128x128xf32, #tpu.memory_space<vmem>>, vector<1x1x16xf32>,
          %parallel_loop3A_387 = vector.shape_cast %parallel_loop3A_386 : vector<1x1x16xf32> to vector<16xf32>
          %parallel_loop3A_388 = vector.shape_cast %parallel_loop3A_381 : vector<16xf32> to vector<1x1x16xf32>
          tpu.vector_store %arg6[%parallel_loop3A_383, %parallel_loop3A_384, %parallel_loop3A_385], %parallel_loop3A_388 {strides = array<i32>} : memref<6x128x128xf32, #tpu.memory_space<vmem>>, vector<1x1x16xf32>,
          %parallel_loop3A_389 = arith.constant 4 : i32
          %parallel_loop3A_390 = arith.index_cast %parallel_loop3A_389 : i32 to index
          %parallel_loop3A_391 = arith.index_cast %parallel_loop3A_324 : i32 to index
          %parallel_loop3A_392 = arith.constant 64 : index
          %parallel_loop3A_393 = tpu.vector_load %arg6[%parallel_loop3A_390, %parallel_loop3A_391, %parallel_loop3A_392] {strides = array<i32>} : memref<6x128x128xf32, #tpu.memory_space<vmem>>, vector<1x1x16xf32>,
          %parallel_loop3A_394 = vector.shape_cast %parallel_loop3A_393 : vector<1x1x16xf32> to vector<16xf32>
          %parallel_loop3A_395 = arith.constant 11.3137083 : f32
          %parallel_loop3A_396 = vector.broadcast %parallel_loop3A_395 : f32 to vector<16xf32>
          %parallel_loop3A_397 = arith.mulf %parallel_loop3A_394, %parallel_loop3A_396 : vector<16xf32>
          %parallel_loop3A_398 = arith.constant 4 : i32
          %parallel_loop3A_399 = arith.index_cast %parallel_loop3A_398 : i32 to index
          %parallel_loop3A_400 = arith.index_cast %parallel_loop3A_324 : i32 to index
          %parallel_loop3A_401 = arith.constant 64 : index
          %parallel_loop3A_402 = tpu.vector_load %arg6[%parallel_loop3A_399, %parallel_loop3A_400, %parallel_loop3A_401] {strides = array<i32>} : memref<6x128x128xf32, #tpu.memory_space<vmem>>, vector<1x1x16xf32>,
          %parallel_loop3A_403 = vector.shape_cast %parallel_loop3A_402 : vector<1x1x16xf32> to vector<16xf32>
          %parallel_loop3A_404 = vector.shape_cast %parallel_loop3A_397 : vector<16xf32> to vector<1x1x16xf32>
          tpu.vector_store %arg6[%parallel_loop3A_399, %parallel_loop3A_400, %parallel_loop3A_401], %parallel_loop3A_404 {strides = array<i32>} : memref<6x128x128xf32, #tpu.memory_space<vmem>>, vector<1x1x16xf32>,
          %parallel_loop3A_405 = arith.constant 4 : i32
          %parallel_loop3A_406 = arith.index_cast %parallel_loop3A_405 : i32 to index
          %parallel_loop3A_407 = arith.index_cast %parallel_loop3A_324 : i32 to index
          %parallel_loop3A_408 = arith.constant 80 : index
          %parallel_loop3A_409 = tpu.vector_load %arg6[%parallel_loop3A_406, %parallel_loop3A_407, %parallel_loop3A_408] {strides = array<i32>} : memref<6x128x128xf32, #tpu.memory_space<vmem>>, vector<1x1x16xf32>,
          %parallel_loop3A_410 = vector.shape_cast %parallel_loop3A_409 : vector<1x1x16xf32> to vector<16xf32>
          %parallel_loop3A_411 = arith.constant 11.3137083 : f32
          %parallel_loop3A_412 = vector.broadcast %parallel_loop3A_411 : f32 to vector<16xf32>
          %parallel_loop3A_413 = arith.mulf %parallel_loop3A_410, %parallel_loop3A_412 : vector<16xf32>
          %parallel_loop3A_414 = arith.constant 4 : i32
          %parallel_loop3A_415 = arith.index_cast %parallel_loop3A_414 : i32 to index
          %parallel_loop3A_416 = arith.index_cast %parallel_loop3A_324 : i32 to index
          %parallel_loop3A_417 = arith.constant 80 : index
          %parallel_loop3A_418 = tpu.vector_load %arg6[%parallel_loop3A_415, %parallel_loop3A_416, %parallel_loop3A_417] {strides = array<i32>} : memref<6x128x128xf32, #tpu.memory_space<vmem>>, vector<1x1x16xf32>,
          %parallel_loop3A_419 = vector.shape_cast %parallel_loop3A_418 : vector<1x1x16xf32> to vector<16xf32>
          %parallel_loop3A_420 = vector.shape_cast %parallel_loop3A_413 : vector<16xf32> to vector<1x1x16xf32>
          tpu.vector_store %arg6[%parallel_loop3A_415, %parallel_loop3A_416, %parallel_loop3A_417], %parallel_loop3A_420 {strides = array<i32>} : memref<6x128x128xf32, #tpu.memory_space<vmem>>, vector<1x1x16xf32>,
          %parallel_loop3A_421 = arith.constant 4 : i32
          %parallel_loop3A_422 = arith.index_cast %parallel_loop3A_421 : i32 to index
          %parallel_loop3A_423 = arith.index_cast %parallel_loop3A_324 : i32 to index
          %parallel_loop3A_424 = arith.constant 96 : index
          %parallel_loop3A_425 = tpu.vector_load %arg6[%parallel_loop3A_422, %parallel_loop3A_423, %parallel_loop3A_424] {strides = array<i32>} : memref<6x128x128xf32, #tpu.memory_space<vmem>>, vector<1x1x16xf32>,
          %parallel_loop3A_426 = vector.shape_cast %parallel_loop3A_425 : vector<1x1x16xf32> to vector<16xf32>
          %parallel_loop3A_427 = arith.constant 11.3137083 : f32
          %parallel_loop3A_428 = vector.broadcast %parallel_loop3A_427 : f32 to vector<16xf32>
          %parallel_loop3A_429 = arith.mulf %parallel_loop3A_426, %parallel_loop3A_428 : vector<16xf32>
          %parallel_loop3A_430 = arith.constant 4 : i32
          %parallel_loop3A_431 = arith.index_cast %parallel_loop3A_430 : i32 to index
          %parallel_loop3A_432 = arith.index_cast %parallel_loop3A_324 : i32 to index
          %parallel_loop3A_433 = arith.constant 96 : index
          %parallel_loop3A_434 = tpu.vector_load %arg6[%parallel_loop3A_431, %parallel_loop3A_432, %parallel_loop3A_433] {strides = array<i32>} : memref<6x128x128xf32, #tpu.memory_space<vmem>>, vector<1x1x16xf32>,
          %parallel_loop3A_435 = vector.shape_cast %parallel_loop3A_434 : vector<1x1x16xf32> to vector<16xf32>
          %parallel_loop3A_436 = vector.shape_cast %parallel_loop3A_429 : vector<16xf32> to vector<1x1x16xf32>
          tpu.vector_store %arg6[%parallel_loop3A_431, %parallel_loop3A_432, %parallel_loop3A_433], %parallel_loop3A_436 {strides = array<i32>} : memref<6x128x128xf32, #tpu.memory_space<vmem>>, vector<1x1x16xf32>,
          %parallel_loop3A_437 = arith.constant 4 : i32
          %parallel_loop3A_438 = arith.index_cast %parallel_loop3A_437 : i32 to index
          %parallel_loop3A_439 = arith.index_cast %parallel_loop3A_324 : i32 to index
          %parallel_loop3A_440 = arith.constant 112 : index
          %parallel_loop3A_441 = tpu.vector_load %arg6[%parallel_loop3A_438, %parallel_loop3A_439, %parallel_loop3A_440] {strides = array<i32>} : memref<6x128x128xf32, #tpu.memory_space<vmem>>, vector<1x1x16xf32>,
          %parallel_loop3A_442 = vector.shape_cast %parallel_loop3A_441 : vector<1x1x16xf32> to vector<16xf32>
          %parallel_loop3A_443 = arith.constant 11.3137083 : f32
          %parallel_loop3A_444 = vector.broadcast %parallel_loop3A_443 : f32 to vector<16xf32>
          %parallel_loop3A_445 = arith.mulf %parallel_loop3A_442, %parallel_loop3A_444 : vector<16xf32>
          %parallel_loop3A_446 = arith.constant 4 : i32
          %parallel_loop3A_447 = arith.index_cast %parallel_loop3A_446 : i32 to index
          %parallel_loop3A_448 = arith.index_cast %parallel_loop3A_324 : i32 to index
          %parallel_loop3A_449 = arith.constant 112 : index
          %parallel_loop3A_450 = tpu.vector_load %arg6[%parallel_loop3A_447, %parallel_loop3A_448, %parallel_loop3A_449] {strides = array<i32>} : memref<6x128x128xf32, #tpu.memory_space<vmem>>, vector<1x1x16xf32>,
          %parallel_loop3A_451 = vector.shape_cast %parallel_loop3A_450 : vector<1x1x16xf32> to vector<16xf32>
          %parallel_loop3A_452 = vector.shape_cast %parallel_loop3A_445 : vector<16xf32> to vector<1x1x16xf32>
          tpu.vector_store %arg6[%parallel_loop3A_447, %parallel_loop3A_448, %parallel_loop3A_449], %parallel_loop3A_452 {strides = array<i32>} : memref<6x128x128xf32, #tpu.memory_space<vmem>>, vector<1x1x16xf32>,
        } {sc.loop_unroll_factor = 2 : i64, sc.parallel_access}
        %dma_start3A_309 = arith.constant 4 : i32
        %dma_start3A_310 = arith.constant 0 : i32
        %dma_start3A_311 = arith.constant 0 : i32
        %dma_start3A_312 = tpu.memref_slice %arg6[%dma_start3A_309, %dma_start3A_310, %dma_start3A_311] : memref<6x128x128xf32, #tpu.memory_space<vmem>> -> memref<1x128x128xf32, #tpu.memory_space<vmem>>
        %dma_start3A_313 = tpu.memref_squeeze %dma_start3A_312 : memref<1x128x128xf32, #tpu.memory_space<vmem>> -> memref<128x128xf32, #tpu.memory_space<vmem>>
        %dma_start3A_314 = arith.constant 0 : i32
        %dma_start3A_315 = tpu.memref_slice %arg4[%add3A_245, %mul3A_2, %dma_start3A_314] : memref<50x4096x128xf32, #tpu.memory_space<hbm>> -> memref<1x128x128xf32, #tpu.memory_space<hbm>>
        %dma_start3A_316 = tpu.memref_squeeze %dma_start3A_315 : memref<1x128x128xf32, #tpu.memory_space<hbm>> -> memref<128x128xf32, #tpu.memory_space<hbm>>
        %dma_start3A_317 = arith.constant 0 : i32
        %dma_start3A_318 = tpu.memref_slice %arg4[%add3A_245, %mul3A_2, %dma_start3A_317] : memref<50x4096x128xf32, #tpu.memory_space<hbm>> -> memref<1x128x128xf32, #tpu.memory_space<hbm>>
        %dma_start3A_319 = tpu.memref_squeeze %dma_start3A_318 : memref<1x128x128xf32, #tpu.memory_space<hbm>> -> memref<128x128xf32, #tpu.memory_space<hbm>>
        %dma_start3A_320 = arith.constant 0 : i32
        %dma_start3A_321 = arith.constant 0 : i32
        %dma_start3A_322 = tpu.memref_slice %arg6[%dma_start3A_309, %dma_start3A_320, %dma_start3A_321] : memref<6x128x128xf32, #tpu.memory_space<vmem>> -> memref<1x128x128xf32, #tpu.memory_space<vmem>>
        %dma_start3A_323 = tpu.memref_squeeze %dma_start3A_322 : memref<1x128x128xf32, #tpu.memory_space<vmem>> -> memref<128x128xf32, #tpu.memory_space<vmem>>
        tpu.enqueue_dma source(%dma_start3A_323 : memref<128x128xf32, #tpu.memory_space<vmem>>) target(%dma_start3A_319 : memref<128x128xf32, #tpu.memory_space<hbm>>) target_semaphore(%arg17 : memref<!tpu.dma_semaphore, #tpu.memory_space<semaphore_mem>>)
      } else {
      }
      %mul3A_269 = arith.constant 6 : i32
      %mul3A_270 = arith.muli %scan3A_138, %mul3A_269 : i32
      %add3A_271 = arith.constant 5 : i32
      %add3A_272 = arith.addi %mul3A_270, %add3A_271 : i32
      %add3A_273 = arith.constant 3 : i32
      %add3A_274 = arith.addi %add3A_272, %add3A_273 : i32
      %lt3A_275 = arith.constant 50 : i32
      %lt3A_276 = arith.cmpi slt, %add3A_274, %lt3A_275 : i32
      %ge3A_277 = arith.constant 3 : i32
      %ge3A_278 = arith.cmpi sge, %add3A_272, %ge3A_277 : i32
      %and3A_279 = arith.andi %lt3A_276, %ge3A_278 : i1
      %convert_element_type3A_280 = arith.extui %and3A_279 : i1 to i32
      %cond3A_281 = arith.constant 0 : i32
      %cond3A_282 = arith.cmpi ne, %convert_element_type3A_280, %cond3A_281 : i32
      scf.if %cond3A_282 {
        %sub3A = arith.constant 6 : i32
        %sub3A_296 = arith.subi %add3A_274, %sub3A : i32
        %dma_wait3A_297 = arith.constant 2 : i32
        %dma_wait3A_298 = arith.constant 0 : i32
        %dma_wait3A_299 = arith.constant 0 : i32
        %dma_wait3A_300 = tpu.memref_slice %arg6[%dma_wait3A_297, %dma_wait3A_298, %dma_wait3A_299] : memref<6x128x128xf32, #tpu.memory_space<vmem>> -> memref<1x128x128xf32, #tpu.memory_space<vmem>>
        %dma_wait3A_301 = tpu.memref_squeeze %dma_wait3A_300 : memref<1x128x128xf32, #tpu.memory_space<vmem>> -> memref<128x128xf32, #tpu.memory_space<vmem>>
        %dma_wait3A_302 = arith.constant 0 : i32
        %dma_wait3A_303 = tpu.memref_slice %arg4[%sub3A_296, %mul3A_2, %dma_wait3A_302] : memref<50x4096x128xf32, #tpu.memory_space<hbm>> -> memref<1x128x128xf32, #tpu.memory_space<hbm>>
        %dma_wait3A_304 = tpu.memref_squeeze %dma_wait3A_303 : memref<1x128x128xf32, #tpu.memory_space<hbm>> -> memref<128x128xf32, #tpu.memory_space<hbm>>
        %dma_wait3A_305 = arith.constant 0 : i32
        %dma_wait3A_306 = tpu.memref_slice %arg4[%sub3A_296, %mul3A_2, %dma_wait3A_305] : memref<50x4096x128xf32, #tpu.memory_space<hbm>> -> memref<1x128x128xf32, #tpu.memory_space<hbm>>
        %dma_wait3A_307 = tpu.memref_squeeze %dma_wait3A_306 : memref<1x128x128xf32, #tpu.memory_space<hbm>> -> memref<128x128xf32, #tpu.memory_space<hbm>>
        %dma_wait3A_308 = arith.constant 0 : i32
        %dma_wait3A_309 = arith.constant 0 : i32
        %dma_wait3A_310 = tpu.memref_slice %arg6[%dma_wait3A_297, %dma_wait3A_308, %dma_wait3A_309] : memref<6x128x128xf32, #tpu.memory_space<vmem>> -> memref<1x128x128xf32, #tpu.memory_space<vmem>>
        %dma_wait3A_311 = tpu.memref_squeeze %dma_wait3A_310 : memref<1x128x128xf32, #tpu.memory_space<vmem>> -> memref<128x128xf32, #tpu.memory_space<vmem>>
        tpu.wait_dma2 semaphore(%arg15 : memref<!tpu.dma_semaphore, #tpu.memory_space<semaphore_mem>>) src(%dma_wait3A_311 : memref<128x128xf32, #tpu.memory_space<vmem>>) dst(%dma_wait3A_307 : memref<128x128xf32, #tpu.memory_space<hbm>>)
        %dma_start3A_312 = arith.constant 2 : i32
        %dma_start3A_313 = arith.constant 0 : i32
        %dma_start3A_314 = arith.constant 0 : i32
        %dma_start3A_315 = tpu.memref_slice %arg6[%dma_start3A_312, %dma_start3A_313, %dma_start3A_314] : memref<6x128x128xf32, #tpu.memory_space<vmem>> -> memref<1x128x128xf32, #tpu.memory_space<vmem>>
        %dma_start3A_316 = tpu.memref_squeeze %dma_start3A_315 : memref<1x128x128xf32, #tpu.memory_space<vmem>> -> memref<128x128xf32, #tpu.memory_space<vmem>>
        %dma_start3A_317 = arith.constant 0 : i32
        %dma_start3A_318 = tpu.memref_slice %arg5[%add3A_274, %dma_start3A_317] : memref<50x128xi32, #tpu.memory_space<vmem>> -> memref<1x128xi32, #tpu.memory_space<vmem>>
        %dma_start3A_319 = tpu.memref_squeeze %dma_start3A_318 : memref<1x128xi32, #tpu.memory_space<vmem>> -> memref<128xi32, #tpu.memory_space<vmem>>
        %dma_start3A_320 = arith.constant 0 : i32
        %dma_start3A_321 = arith.constant 0 : i32
        %dma_start3A_322 = tpu.memref_slice %arg2[%dma_start3A_320, %dma_start3A_321] : memref<100000x128xf32, #tpu.memory_space<hbm>> -> memref<100000x128xf32, #tpu.memory_space<hbm>>
        tpu.enqueue_indirect_dma source(%dma_start3A_322 : memref<100000x128xf32, #tpu.memory_space<hbm>>) target(%dma_start3A_316 : memref<128x128xf32, #tpu.memory_space<vmem>>) offsets(%dma_start3A_319 : memref<128xi32, #tpu.memory_space<vmem>>) semaphore(%arg9 : memref<!tpu.dma_semaphore, #tpu.memory_space<semaphore_mem>>)
      } else {
      }
      %lt3A_283 = arith.constant 50 : i32
      %lt3A_284 = arith.cmpi slt, %add3A_274, %lt3A_283 : i32
      %lt3A_285 = arith.constant 3 : i32
      %lt3A_286 = arith.cmpi slt, %add3A_272, %lt3A_285 : i32
      %and3A_287 = arith.andi %lt3A_284, %lt3A_286 : i1
      %convert_element_type3A_288 = arith.extui %and3A_287 : i1 to i32
      %cond3A_289 = arith.constant 0 : i32
      %cond3A_290 = arith.cmpi ne, %convert_element_type3A_288, %cond3A_289 : i32
      scf.if %cond3A_290 {
        %dma_start3A_296 = arith.constant 2 : i32
        %dma_start3A_297 = arith.constant 0 : i32
        %dma_start3A_298 = arith.constant 0 : i32
        %dma_start3A_299 = tpu.memref_slice %arg6[%dma_start3A_296, %dma_start3A_297, %dma_start3A_298] : memref<6x128x128xf32, #tpu.memory_space<vmem>> -> memref<1x128x128xf32, #tpu.memory_space<vmem>>
        %dma_start3A_300 = tpu.memref_squeeze %dma_start3A_299 : memref<1x128x128xf32, #tpu.memory_space<vmem>> -> memref<128x128xf32, #tpu.memory_space<vmem>>
        %dma_start3A_301 = arith.constant 0 : i32
        %dma_start3A_302 = tpu.memref_slice %arg5[%add3A_274, %dma_start3A_301] : memref<50x128xi32, #tpu.memory_space<vmem>> -> memref<1x128xi32, #tpu.memory_space<vmem>>
        %dma_start3A_303 = tpu.memref_squeeze %dma_start3A_302 : memref<1x128xi32, #tpu.memory_space<vmem>> -> memref<128xi32, #tpu.memory_space<vmem>>
        %dma_start3A_304 = arith.constant 0 : i32
        %dma_start3A_305 = arith.constant 0 : i32
        %dma_start3A_306 = tpu.memref_slice %arg2[%dma_start3A_304, %dma_start3A_305] : memref<100000x128xf32, #tpu.memory_space<hbm>> -> memref<100000x128xf32, #tpu.memory_space<hbm>>
        tpu.enqueue_indirect_dma source(%dma_start3A_306 : memref<100000x128xf32, #tpu.memory_space<hbm>>) target(%dma_start3A_300 : memref<128x128xf32, #tpu.memory_space<vmem>>) offsets(%dma_start3A_303 : memref<128xi32, #tpu.memory_space<vmem>>) semaphore(%arg9 : memref<!tpu.dma_semaphore, #tpu.memory_space<semaphore_mem>>)
      } else {
      }
      %lt3A_291 = arith.constant 50 : i32
      %lt3A_292 = arith.cmpi slt, %add3A_272, %lt3A_291 : i32
      %convert_element_type3A_293 = arith.extui %lt3A_292 : i1 to i32
      %cond3A_294 = arith.constant 0 : i32
      %cond3A_295 = arith.cmpi ne, %convert_element_type3A_293, %cond3A_294 : i32
      scf.if %cond3A_295 {
        %dma_wait3A_296 = arith.constant 5 : i32
        %dma_wait3A_297 = arith.constant 0 : i32
        %dma_wait3A_298 = arith.constant 0 : i32
        %dma_wait3A_299 = tpu.memref_slice %arg6[%dma_wait3A_296, %dma_wait3A_297, %dma_wait3A_298] : memref<6x128x128xf32, #tpu.memory_space<vmem>> -> memref<1x128x128xf32, #tpu.memory_space<vmem>>
        %dma_wait3A_300 = tpu.memref_squeeze %dma_wait3A_299 : memref<1x128x128xf32, #tpu.memory_space<vmem>> -> memref<128x128xf32, #tpu.memory_space<vmem>>
        %dma_wait3A_301 = arith.constant 0 : i32
        %dma_wait3A_302 = tpu.memref_slice %arg5[%add3A_272, %dma_wait3A_301] : memref<50x128xi32, #tpu.memory_space<vmem>> -> memref<1x128xi32, #tpu.memory_space<vmem>>
        %dma_wait3A_303 = tpu.memref_squeeze %dma_wait3A_302 : memref<1x128xi32, #tpu.memory_space<vmem>> -> memref<128xi32, #tpu.memory_space<vmem>>
        %dma_wait3A_304 = arith.constant 0 : i32
        %dma_wait3A_305 = arith.constant 0 : i32
        %dma_wait3A_306 = tpu.memref_slice %arg2[%dma_wait3A_304, %dma_wait3A_305] : memref<100000x128xf32, #tpu.memory_space<hbm>> -> memref<100000x128xf32, #tpu.memory_space<hbm>>
        tpu.wait_indirect_dma semaphore(%arg12 : memref<!tpu.dma_semaphore, #tpu.memory_space<semaphore_mem>>) src(%dma_wait3A_306 : memref<100000x128xf32, #tpu.memory_space<hbm>>) dst(%dma_wait3A_300 : memref<128x128xf32, #tpu.memory_space<vmem>>)
        %parallel_loop3A = arith.constant 0 : i32
        %parallel_loop3A_307 = arith.constant 128 : i32
        %parallel_loop3A_308 = arith.constant 1 : i32
        scf.for %parallel_loop3A_324 = %parallel_loop3A to %parallel_loop3A_307 step %parallel_loop3A_308  : i32 {
          %parallel_loop3A_325 = arith.constant 5 : i32
          %parallel_loop3A_326 = arith.index_cast %parallel_loop3A_325 : i32 to index
          %parallel_loop3A_327 = arith.index_cast %parallel_loop3A_324 : i32 to index
          %parallel_loop3A_328 = arith.constant 0 : index
          %parallel_loop3A_329 = tpu.vector_load %arg6[%parallel_loop3A_326, %parallel_loop3A_327, %parallel_loop3A_328] {strides = array<i32>} : memref<6x128x128xf32, #tpu.memory_space<vmem>>, vector<1x1x16xf32>,
          %parallel_loop3A_330 = vector.shape_cast %parallel_loop3A_329 : vector<1x1x16xf32> to vector<16xf32>
          %parallel_loop3A_331 = arith.constant 11.3137083 : f32
          %parallel_loop3A_332 = vector.broadcast %parallel_loop3A_331 : f32 to vector<16xf32>
          %parallel_loop3A_333 = arith.mulf %parallel_loop3A_330, %parallel_loop3A_332 : vector<16xf32>
          %parallel_loop3A_334 = arith.constant 5 : i32
          %parallel_loop3A_335 = arith.index_cast %parallel_loop3A_334 : i32 to index
          %parallel_loop3A_336 = arith.index_cast %parallel_loop3A_324 : i32 to index
          %parallel_loop3A_337 = arith.constant 0 : index
          %parallel_loop3A_338 = tpu.vector_load %arg6[%parallel_loop3A_335, %parallel_loop3A_336, %parallel_loop3A_337] {strides = array<i32>} : memref<6x128x128xf32, #tpu.memory_space<vmem>>, vector<1x1x16xf32>,
          %parallel_loop3A_339 = vector.shape_cast %parallel_loop3A_338 : vector<1x1x16xf32> to vector<16xf32>
          %parallel_loop3A_340 = vector.shape_cast %parallel_loop3A_333 : vector<16xf32> to vector<1x1x16xf32>
          tpu.vector_store %arg6[%parallel_loop3A_335, %parallel_loop3A_336, %parallel_loop3A_337], %parallel_loop3A_340 {strides = array<i32>} : memref<6x128x128xf32, #tpu.memory_space<vmem>>, vector<1x1x16xf32>,
          %parallel_loop3A_341 = arith.constant 5 : i32
          %parallel_loop3A_342 = arith.index_cast %parallel_loop3A_341 : i32 to index
          %parallel_loop3A_343 = arith.index_cast %parallel_loop3A_324 : i32 to index
          %parallel_loop3A_344 = arith.constant 16 : index
          %parallel_loop3A_345 = tpu.vector_load %arg6[%parallel_loop3A_342, %parallel_loop3A_343, %parallel_loop3A_344] {strides = array<i32>} : memref<6x128x128xf32, #tpu.memory_space<vmem>>, vector<1x1x16xf32>,
          %parallel_loop3A_346 = vector.shape_cast %parallel_loop3A_345 : vector<1x1x16xf32> to vector<16xf32>
          %parallel_loop3A_347 = arith.constant 11.3137083 : f32
          %parallel_loop3A_348 = vector.broadcast %parallel_loop3A_347 : f32 to vector<16xf32>
          %parallel_loop3A_349 = arith.mulf %parallel_loop3A_346, %parallel_loop3A_348 : vector<16xf32>
          %parallel_loop3A_350 = arith.constant 5 : i32
          %parallel_loop3A_351 = arith.index_cast %parallel_loop3A_350 : i32 to index
          %parallel_loop3A_352 = arith.index_cast %parallel_loop3A_324 : i32 to index
          %parallel_loop3A_353 = arith.constant 16 : index
          %parallel_loop3A_354 = tpu.vector_load %arg6[%parallel_loop3A_351, %parallel_loop3A_352, %parallel_loop3A_353] {strides = array<i32>} : memref<6x128x128xf32, #tpu.memory_space<vmem>>, vector<1x1x16xf32>,
          %parallel_loop3A_355 = vector.shape_cast %parallel_loop3A_354 : vector<1x1x16xf32> to vector<16xf32>
          %parallel_loop3A_356 = vector.shape_cast %parallel_loop3A_349 : vector<16xf32> to vector<1x1x16xf32>
          tpu.vector_store %arg6[%parallel_loop3A_351, %parallel_loop3A_352, %parallel_loop3A_353], %parallel_loop3A_356 {strides = array<i32>} : memref<6x128x128xf32, #tpu.memory_space<vmem>>, vector<1x1x16xf32>,
          %parallel_loop3A_357 = arith.constant 5 : i32
          %parallel_loop3A_358 = arith.index_cast %parallel_loop3A_357 : i32 to index
          %parallel_loop3A_359 = arith.index_cast %parallel_loop3A_324 : i32 to index
          %parallel_loop3A_360 = arith.constant 32 : index
          %parallel_loop3A_361 = tpu.vector_load %arg6[%parallel_loop3A_358, %parallel_loop3A_359, %parallel_loop3A_360] {strides = array<i32>} : memref<6x128x128xf32, #tpu.memory_space<vmem>>, vector<1x1x16xf32>,
          %parallel_loop3A_362 = vector.shape_cast %parallel_loop3A_361 : vector<1x1x16xf32> to vector<16xf32>
          %parallel_loop3A_363 = arith.constant 11.3137083 : f32
          %parallel_loop3A_364 = vector.broadcast %parallel_loop3A_363 : f32 to vector<16xf32>
          %parallel_loop3A_365 = arith.mulf %parallel_loop3A_362, %parallel_loop3A_364 : vector<16xf32>
          %parallel_loop3A_366 = arith.constant 5 : i32
          %parallel_loop3A_367 = arith.index_cast %parallel_loop3A_366 : i32 to index
          %parallel_loop3A_368 = arith.index_cast %parallel_loop3A_324 : i32 to index
          %parallel_loop3A_369 = arith.constant 32 : index
          %parallel_loop3A_370 = tpu.vector_load %arg6[%parallel_loop3A_367, %parallel_loop3A_368, %parallel_loop3A_369] {strides = array<i32>} : memref<6x128x128xf32, #tpu.memory_space<vmem>>, vector<1x1x16xf32>,
          %parallel_loop3A_371 = vector.shape_cast %parallel_loop3A_370 : vector<1x1x16xf32> to vector<16xf32>
          %parallel_loop3A_372 = vector.shape_cast %parallel_loop3A_365 : vector<16xf32> to vector<1x1x16xf32>
          tpu.vector_store %arg6[%parallel_loop3A_367, %parallel_loop3A_368, %parallel_loop3A_369], %parallel_loop3A_372 {strides = array<i32>} : memref<6x128x128xf32, #tpu.memory_space<vmem>>, vector<1x1x16xf32>,
          %parallel_loop3A_373 = arith.constant 5 : i32
          %parallel_loop3A_374 = arith.index_cast %parallel_loop3A_373 : i32 to index
          %parallel_loop3A_375 = arith.index_cast %parallel_loop3A_324 : i32 to index
          %parallel_loop3A_376 = arith.constant 48 : index
          %parallel_loop3A_377 = tpu.vector_load %arg6[%parallel_loop3A_374, %parallel_loop3A_375, %parallel_loop3A_376] {strides = array<i32>} : memref<6x128x128xf32, #tpu.memory_space<vmem>>, vector<1x1x16xf32>,
          %parallel_loop3A_378 = vector.shape_cast %parallel_loop3A_377 : vector<1x1x16xf32> to vector<16xf32>
          %parallel_loop3A_379 = arith.constant 11.3137083 : f32
          %parallel_loop3A_380 = vector.broadcast %parallel_loop3A_379 : f32 to vector<16xf32>
          %parallel_loop3A_381 = arith.mulf %parallel_loop3A_378, %parallel_loop3A_380 : vector<16xf32>
          %parallel_loop3A_382 = arith.constant 5 : i32
          %parallel_loop3A_383 = arith.index_cast %parallel_loop3A_382 : i32 to index
          %parallel_loop3A_384 = arith.index_cast %parallel_loop3A_324 : i32 to index
          %parallel_loop3A_385 = arith.constant 48 : index
          %parallel_loop3A_386 = tpu.vector_load %arg6[%parallel_loop3A_383, %parallel_loop3A_384, %parallel_loop3A_385] {strides = array<i32>} : memref<6x128x128xf32, #tpu.memory_space<vmem>>, vector<1x1x16xf32>,
          %parallel_loop3A_387 = vector.shape_cast %parallel_loop3A_386 : vector<1x1x16xf32> to vector<16xf32>
          %parallel_loop3A_388 = vector.shape_cast %parallel_loop3A_381 : vector<16xf32> to vector<1x1x16xf32>
          tpu.vector_store %arg6[%parallel_loop3A_383, %parallel_loop3A_384, %parallel_loop3A_385], %parallel_loop3A_388 {strides = array<i32>} : memref<6x128x128xf32, #tpu.memory_space<vmem>>, vector<1x1x16xf32>,
          %parallel_loop3A_389 = arith.constant 5 : i32
          %parallel_loop3A_390 = arith.index_cast %parallel_loop3A_389 : i32 to index
          %parallel_loop3A_391 = arith.index_cast %parallel_loop3A_324 : i32 to index
          %parallel_loop3A_392 = arith.constant 64 : index
          %parallel_loop3A_393 = tpu.vector_load %arg6[%parallel_loop3A_390, %parallel_loop3A_391, %parallel_loop3A_392] {strides = array<i32>} : memref<6x128x128xf32, #tpu.memory_space<vmem>>, vector<1x1x16xf32>,
          %parallel_loop3A_394 = vector.shape_cast %parallel_loop3A_393 : vector<1x1x16xf32> to vector<16xf32>
          %parallel_loop3A_395 = arith.constant 11.3137083 : f32
          %parallel_loop3A_396 = vector.broadcast %parallel_loop3A_395 : f32 to vector<16xf32>
          %parallel_loop3A_397 = arith.mulf %parallel_loop3A_394, %parallel_loop3A_396 : vector<16xf32>
          %parallel_loop3A_398 = arith.constant 5 : i32
          %parallel_loop3A_399 = arith.index_cast %parallel_loop3A_398 : i32 to index
          %parallel_loop3A_400 = arith.index_cast %parallel_loop3A_324 : i32 to index
          %parallel_loop3A_401 = arith.constant 64 : index
          %parallel_loop3A_402 = tpu.vector_load %arg6[%parallel_loop3A_399, %parallel_loop3A_400, %parallel_loop3A_401] {strides = array<i32>} : memref<6x128x128xf32, #tpu.memory_space<vmem>>, vector<1x1x16xf32>,
          %parallel_loop3A_403 = vector.shape_cast %parallel_loop3A_402 : vector<1x1x16xf32> to vector<16xf32>
          %parallel_loop3A_404 = vector.shape_cast %parallel_loop3A_397 : vector<16xf32> to vector<1x1x16xf32>
          tpu.vector_store %arg6[%parallel_loop3A_399, %parallel_loop3A_400, %parallel_loop3A_401], %parallel_loop3A_404 {strides = array<i32>} : memref<6x128x128xf32, #tpu.memory_space<vmem>>, vector<1x1x16xf32>,
          %parallel_loop3A_405 = arith.constant 5 : i32
          %parallel_loop3A_406 = arith.index_cast %parallel_loop3A_405 : i32 to index
          %parallel_loop3A_407 = arith.index_cast %parallel_loop3A_324 : i32 to index
          %parallel_loop3A_408 = arith.constant 80 : index
          %parallel_loop3A_409 = tpu.vector_load %arg6[%parallel_loop3A_406, %parallel_loop3A_407, %parallel_loop3A_408] {strides = array<i32>} : memref<6x128x128xf32, #tpu.memory_space<vmem>>, vector<1x1x16xf32>,
          %parallel_loop3A_410 = vector.shape_cast %parallel_loop3A_409 : vector<1x1x16xf32> to vector<16xf32>
          %parallel_loop3A_411 = arith.constant 11.3137083 : f32
          %parallel_loop3A_412 = vector.broadcast %parallel_loop3A_411 : f32 to vector<16xf32>
          %parallel_loop3A_413 = arith.mulf %parallel_loop3A_410, %parallel_loop3A_412 : vector<16xf32>
          %parallel_loop3A_414 = arith.constant 5 : i32
          %parallel_loop3A_415 = arith.index_cast %parallel_loop3A_414 : i32 to index
          %parallel_loop3A_416 = arith.index_cast %parallel_loop3A_324 : i32 to index
          %parallel_loop3A_417 = arith.constant 80 : index
          %parallel_loop3A_418 = tpu.vector_load %arg6[%parallel_loop3A_415, %parallel_loop3A_416, %parallel_loop3A_417] {strides = array<i32>} : memref<6x128x128xf32, #tpu.memory_space<vmem>>, vector<1x1x16xf32>,
          %parallel_loop3A_419 = vector.shape_cast %parallel_loop3A_418 : vector<1x1x16xf32> to vector<16xf32>
          %parallel_loop3A_420 = vector.shape_cast %parallel_loop3A_413 : vector<16xf32> to vector<1x1x16xf32>
          tpu.vector_store %arg6[%parallel_loop3A_415, %parallel_loop3A_416, %parallel_loop3A_417], %parallel_loop3A_420 {strides = array<i32>} : memref<6x128x128xf32, #tpu.memory_space<vmem>>, vector<1x1x16xf32>,
          %parallel_loop3A_421 = arith.constant 5 : i32
          %parallel_loop3A_422 = arith.index_cast %parallel_loop3A_421 : i32 to index
          %parallel_loop3A_423 = arith.index_cast %parallel_loop3A_324 : i32 to index
          %parallel_loop3A_424 = arith.constant 96 : index
          %parallel_loop3A_425 = tpu.vector_load %arg6[%parallel_loop3A_422, %parallel_loop3A_423, %parallel_loop3A_424] {strides = array<i32>} : memref<6x128x128xf32, #tpu.memory_space<vmem>>, vector<1x1x16xf32>,
          %parallel_loop3A_426 = vector.shape_cast %parallel_loop3A_425 : vector<1x1x16xf32> to vector<16xf32>
          %parallel_loop3A_427 = arith.constant 11.3137083 : f32
          %parallel_loop3A_428 = vector.broadcast %parallel_loop3A_427 : f32 to vector<16xf32>
          %parallel_loop3A_429 = arith.mulf %parallel_loop3A_426, %parallel_loop3A_428 : vector<16xf32>
          %parallel_loop3A_430 = arith.constant 5 : i32
          %parallel_loop3A_431 = arith.index_cast %parallel_loop3A_430 : i32 to index
          %parallel_loop3A_432 = arith.index_cast %parallel_loop3A_324 : i32 to index
          %parallel_loop3A_433 = arith.constant 96 : index
          %parallel_loop3A_434 = tpu.vector_load %arg6[%parallel_loop3A_431, %parallel_loop3A_432, %parallel_loop3A_433] {strides = array<i32>} : memref<6x128x128xf32, #tpu.memory_space<vmem>>, vector<1x1x16xf32>,
          %parallel_loop3A_435 = vector.shape_cast %parallel_loop3A_434 : vector<1x1x16xf32> to vector<16xf32>
          %parallel_loop3A_436 = vector.shape_cast %parallel_loop3A_429 : vector<16xf32> to vector<1x1x16xf32>
          tpu.vector_store %arg6[%parallel_loop3A_431, %parallel_loop3A_432, %parallel_loop3A_433], %parallel_loop3A_436 {strides = array<i32>} : memref<6x128x128xf32, #tpu.memory_space<vmem>>, vector<1x1x16xf32>,
          %parallel_loop3A_437 = arith.constant 5 : i32
          %parallel_loop3A_438 = arith.index_cast %parallel_loop3A_437 : i32 to index
          %parallel_loop3A_439 = arith.index_cast %parallel_loop3A_324 : i32 to index
          %parallel_loop3A_440 = arith.constant 112 : index
          %parallel_loop3A_441 = tpu.vector_load %arg6[%parallel_loop3A_438, %parallel_loop3A_439, %parallel_loop3A_440] {strides = array<i32>} : memref<6x128x128xf32, #tpu.memory_space<vmem>>, vector<1x1x16xf32>,
          %parallel_loop3A_442 = vector.shape_cast %parallel_loop3A_441 : vector<1x1x16xf32> to vector<16xf32>
          %parallel_loop3A_443 = arith.constant 11.3137083 : f32
          %parallel_loop3A_444 = vector.broadcast %parallel_loop3A_443 : f32 to vector<16xf32>
          %parallel_loop3A_445 = arith.mulf %parallel_loop3A_442, %parallel_loop3A_444 : vector<16xf32>
          %parallel_loop3A_446 = arith.constant 5 : i32
          %parallel_loop3A_447 = arith.index_cast %parallel_loop3A_446 : i32 to index
          %parallel_loop3A_448 = arith.index_cast %parallel_loop3A_324 : i32 to index
          %parallel_loop3A_449 = arith.constant 112 : index
          %parallel_loop3A_450 = tpu.vector_load %arg6[%parallel_loop3A_447, %parallel_loop3A_448, %parallel_loop3A_449] {strides = array<i32>} : memref<6x128x128xf32, #tpu.memory_space<vmem>>, vector<1x1x16xf32>,
          %parallel_loop3A_451 = vector.shape_cast %parallel_loop3A_450 : vector<1x1x16xf32> to vector<16xf32>
          %parallel_loop3A_452 = vector.shape_cast %parallel_loop3A_445 : vector<16xf32> to vector<1x1x16xf32>
          tpu.vector_store %arg6[%parallel_loop3A_447, %parallel_loop3A_448, %parallel_loop3A_449], %parallel_loop3A_452 {strides = array<i32>} : memref<6x128x128xf32, #tpu.memory_space<vmem>>, vector<1x1x16xf32>,
        } {sc.loop_unroll_factor = 2 : i64, sc.parallel_access}
        %dma_start3A_309 = arith.constant 5 : i32
        %dma_start3A_310 = arith.constant 0 : i32
        %dma_start3A_311 = arith.constant 0 : i32
        %dma_start3A_312 = tpu.memref_slice %arg6[%dma_start3A_309, %dma_start3A_310, %dma_start3A_311] : memref<6x128x128xf32, #tpu.memory_space<vmem>> -> memref<1x128x128xf32, #tpu.memory_space<vmem>>
        %dma_start3A_313 = tpu.memref_squeeze %dma_start3A_312 : memref<1x128x128xf32, #tpu.memory_space<vmem>> -> memref<128x128xf32, #tpu.memory_space<vmem>>
        %dma_start3A_314 = arith.constant 0 : i32
        %dma_start3A_315 = tpu.memref_slice %arg4[%add3A_272, %mul3A_2, %dma_start3A_314] : memref<50x4096x128xf32, #tpu.memory_space<hbm>> -> memref<1x128x128xf32, #tpu.memory_space<hbm>>
        %dma_start3A_316 = tpu.memref_squeeze %dma_start3A_315 : memref<1x128x128xf32, #tpu.memory_space<hbm>> -> memref<128x128xf32, #tpu.memory_space<hbm>>
        %dma_start3A_317 = arith.constant 0 : i32
        %dma_start3A_318 = tpu.memref_slice %arg4[%add3A_272, %mul3A_2, %dma_start3A_317] : memref<50x4096x128xf32, #tpu.memory_space<hbm>> -> memref<1x128x128xf32, #tpu.memory_space<hbm>>
        %dma_start3A_319 = tpu.memref_squeeze %dma_start3A_318 : memref<1x128x128xf32, #tpu.memory_space<hbm>> -> memref<128x128xf32, #tpu.memory_space<hbm>>
        %dma_start3A_320 = arith.constant 0 : i32
        %dma_start3A_321 = arith.constant 0 : i32
        %dma_start3A_322 = tpu.memref_slice %arg6[%dma_start3A_309, %dma_start3A_320, %dma_start3A_321] : memref<6x128x128xf32, #tpu.memory_space<vmem>> -> memref<1x128x128xf32, #tpu.memory_space<vmem>>
        %dma_start3A_323 = tpu.memref_squeeze %dma_start3A_322 : memref<1x128x128xf32, #tpu.memory_space<vmem>> -> memref<128x128xf32, #tpu.memory_space<vmem>>
        tpu.enqueue_dma source(%dma_start3A_323 : memref<128x128xf32, #tpu.memory_space<vmem>>) target(%dma_start3A_319 : memref<128x128xf32, #tpu.memory_space<hbm>>) target_semaphore(%arg18 : memref<!tpu.dma_semaphore, #tpu.memory_space<semaphore_mem>>)
      } else {
      }
    }
    %scan3A_42 = arith.constant 9 : i32
    %dma_wait3A = arith.constant 2 : i32
    %dma_wait3A_43 = arith.constant 44 : i32
    %dma_wait3A_44 = arith.constant 0 : i32
    %dma_wait3A_45 = arith.constant 0 : i32
    %dma_wait3A_46 = tpu.memref_slice %arg6[%dma_wait3A, %dma_wait3A_44, %dma_wait3A_45] : memref<6x128x128xf32, #tpu.memory_space<vmem>> -> memref<1x128x128xf32, #tpu.memory_space<vmem>>
    %dma_wait3A_47 = tpu.memref_squeeze %dma_wait3A_46 : memref<1x128x128xf32, #tpu.memory_space<vmem>> -> memref<128x128xf32, #tpu.memory_space<vmem>>
    %dma_wait3A_48 = arith.constant 0 : i32
    %dma_wait3A_49 = tpu.memref_slice %arg4[%dma_wait3A_43, %mul3A_2, %dma_wait3A_48] : memref<50x4096x128xf32, #tpu.memory_space<hbm>> -> memref<1x128x128xf32, #tpu.memory_space<hbm>>
    %dma_wait3A_50 = tpu.memref_squeeze %dma_wait3A_49 : memref<1x128x128xf32, #tpu.memory_space<hbm>> -> memref<128x128xf32, #tpu.memory_space<hbm>>
    %dma_wait3A_51 = arith.constant 0 : i32
    %dma_wait3A_52 = tpu.memref_slice %arg4[%dma_wait3A_43, %mul3A_2, %dma_wait3A_51] : memref<50x4096x128xf32, #tpu.memory_space<hbm>> -> memref<1x128x128xf32, #tpu.memory_space<hbm>>
    %dma_wait3A_53 = tpu.memref_squeeze %dma_wait3A_52 : memref<1x128x128xf32, #tpu.memory_space<hbm>> -> memref<128x128xf32, #tpu.memory_space<hbm>>
    %dma_wait3A_54 = arith.constant 0 : i32
    %dma_wait3A_55 = arith.constant 0 : i32
    %dma_wait3A_56 = tpu.memref_slice %arg6[%dma_wait3A, %dma_wait3A_54, %dma_wait3A_55] : memref<6x128x128xf32, #tpu.memory_space<vmem>> -> memref<1x128x128xf32, #tpu.memory_space<vmem>>
    %dma_wait3A_57 = tpu.memref_squeeze %dma_wait3A_56 : memref<1x128x128xf32, #tpu.memory_space<vmem>> -> memref<128x128xf32, #tpu.memory_space<vmem>>
    tpu.wait_dma2 semaphore(%arg15 : memref<!tpu.dma_semaphore, #tpu.memory_space<semaphore_mem>>) src(%dma_wait3A_57 : memref<128x128xf32, #tpu.memory_space<vmem>>) dst(%dma_wait3A_53 : memref<128x128xf32, #tpu.memory_space<hbm>>)
    %dma_wait3A_58 = arith.constant 3 : i32
    %dma_wait3A_59 = arith.constant 45 : i32
    %dma_wait3A_60 = arith.constant 0 : i32
    %dma_wait3A_61 = arith.constant 0 : i32
    %dma_wait3A_62 = tpu.memref_slice %arg6[%dma_wait3A_58, %dma_wait3A_60, %dma_wait3A_61] : memref<6x128x128xf32, #tpu.memory_space<vmem>> -> memref<1x128x128xf32, #tpu.memory_space<vmem>>
    %dma_wait3A_63 = tpu.memref_squeeze %dma_wait3A_62 : memref<1x128x128xf32, #tpu.memory_space<vmem>> -> memref<128x128xf32, #tpu.memory_space<vmem>>
    %dma_wait3A_64 = arith.constant 0 : i32
    %dma_wait3A_65 = tpu.memref_slice %arg4[%dma_wait3A_59, %mul3A_2, %dma_wait3A_64] : memref<50x4096x128xf32, #tpu.memory_space<hbm>> -> memref<1x128x128xf32, #tpu.memory_space<hbm>>
    %dma_wait3A_66 = tpu.memref_squeeze %dma_wait3A_65 : memref<1x128x128xf32, #tpu.memory_space<hbm>> -> memref<128x128xf32, #tpu.memory_space<hbm>>
    %dma_wait3A_67 = arith.constant 0 : i32
    %dma_wait3A_68 = tpu.memref_slice %arg4[%dma_wait3A_59, %mul3A_2, %dma_wait3A_67] : memref<50x4096x128xf32, #tpu.memory_space<hbm>> -> memref<1x128x128xf32, #tpu.memory_space<hbm>>
    %dma_wait3A_69 = tpu.memref_squeeze %dma_wait3A_68 : memref<1x128x128xf32, #tpu.memory_space<hbm>> -> memref<128x128xf32, #tpu.memory_space<hbm>>
    %dma_wait3A_70 = arith.constant 0 : i32
    %dma_wait3A_71 = arith.constant 0 : i32
    %dma_wait3A_72 = tpu.memref_slice %arg6[%dma_wait3A_58, %dma_wait3A_70, %dma_wait3A_71] : memref<6x128x128xf32, #tpu.memory_space<vmem>> -> memref<1x128x128xf32, #tpu.memory_space<vmem>>
    %dma_wait3A_73 = tpu.memref_squeeze %dma_wait3A_72 : memref<1x128x128xf32, #tpu.memory_space<vmem>> -> memref<128x128xf32, #tpu.memory_space<vmem>>
    tpu.wait_dma2 semaphore(%arg16 : memref<!tpu.dma_semaphore, #tpu.memory_space<semaphore_mem>>) src(%dma_wait3A_73 : memref<128x128xf32, #tpu.memory_space<vmem>>) dst(%dma_wait3A_69 : memref<128x128xf32, #tpu.memory_space<hbm>>)
    %dma_wait3A_74 = arith.constant 4 : i32
    %dma_wait3A_75 = arith.constant 46 : i32
    %dma_wait3A_76 = arith.constant 0 : i32
    %dma_wait3A_77 = arith.constant 0 : i32
    %dma_wait3A_78 = tpu.memref_slice %arg6[%dma_wait3A_74, %dma_wait3A_76, %dma_wait3A_77] : memref<6x128x128xf32, #tpu.memory_space<vmem>> -> memref<1x128x128xf32, #tpu.memory_space<vmem>>
    %dma_wait3A_79 = tpu.memref_squeeze %dma_wait3A_78 : memref<1x128x128xf32, #tpu.memory_space<vmem>> -> memref<128x128xf32, #tpu.memory_space<vmem>>
    %dma_wait3A_80 = arith.constant 0 : i32
    %dma_wait3A_81 = tpu.memref_slice %arg4[%dma_wait3A_75, %mul3A_2, %dma_wait3A_80] : memref<50x4096x128xf32, #tpu.memory_space<hbm>> -> memref<1x128x128xf32, #tpu.memory_space<hbm>>
    %dma_wait3A_82 = tpu.memref_squeeze %dma_wait3A_81 : memref<1x128x128xf32, #tpu.memory_space<hbm>> -> memref<128x128xf32, #tpu.memory_space<hbm>>
    %dma_wait3A_83 = arith.constant 0 : i32
    %dma_wait3A_84 = tpu.memref_slice %arg4[%dma_wait3A_75, %mul3A_2, %dma_wait3A_83] : memref<50x4096x128xf32, #tpu.memory_space<hbm>> -> memref<1x128x128xf32, #tpu.memory_space<hbm>>
    %dma_wait3A_85 = tpu.memref_squeeze %dma_wait3A_84 : memref<1x128x128xf32, #tpu.memory_space<hbm>> -> memref<128x128xf32, #tpu.memory_space<hbm>>
    %dma_wait3A_86 = arith.constant 0 : i32
    %dma_wait3A_87 = arith.constant 0 : i32
    %dma_wait3A_88 = tpu.memref_slice %arg6[%dma_wait3A_74, %dma_wait3A_86, %dma_wait3A_87] : memref<6x128x128xf32, #tpu.memory_space<vmem>> -> memref<1x128x128xf32, #tpu.memory_space<vmem>>
    %dma_wait3A_89 = tpu.memref_squeeze %dma_wait3A_88 : memref<1x128x128xf32, #tpu.memory_space<vmem>> -> memref<128x128xf32, #tpu.memory_space<vmem>>
    tpu.wait_dma2 semaphore(%arg17 : memref<!tpu.dma_semaphore, #tpu.memory_space<semaphore_mem>>) src(%dma_wait3A_89 : memref<128x128xf32, #tpu.memory_space<vmem>>) dst(%dma_wait3A_85 : memref<128x128xf32, #tpu.memory_space<hbm>>)
    %dma_wait3A_90 = arith.constant 5 : i32
    %dma_wait3A_91 = arith.constant 47 : i32
    %dma_wait3A_92 = arith.constant 0 : i32
    %dma_wait3A_93 = arith.constant 0 : i32
    %dma_wait3A_94 = tpu.memref_slice %arg6[%dma_wait3A_90, %dma_wait3A_92, %dma_wait3A_93] : memref<6x128x128xf32, #tpu.memory_space<vmem>> -> memref<1x128x128xf32, #tpu.memory_space<vmem>>
    %dma_wait3A_95 = tpu.memref_squeeze %dma_wait3A_94 : memref<1x128x128xf32, #tpu.memory_space<vmem>> -> memref<128x128xf32, #tpu.memory_space<vmem>>
    %dma_wait3A_96 = arith.constant 0 : i32
    %dma_wait3A_97 = tpu.memref_slice %arg4[%dma_wait3A_91, %mul3A_2, %dma_wait3A_96] : memref<50x4096x128xf32, #tpu.memory_space<hbm>> -> memref<1x128x128xf32, #tpu.memory_space<hbm>>
    %dma_wait3A_98 = tpu.memref_squeeze %dma_wait3A_97 : memref<1x128x128xf32, #tpu.memory_space<hbm>> -> memref<128x128xf32, #tpu.memory_space<hbm>>
    %dma_wait3A_99 = arith.constant 0 : i32
    %dma_wait3A_100 = tpu.memref_slice %arg4[%dma_wait3A_91, %mul3A_2, %dma_wait3A_99] : memref<50x4096x128xf32, #tpu.memory_space<hbm>> -> memref<1x128x128xf32, #tpu.memory_space<hbm>>
    %dma_wait3A_101 = tpu.memref_squeeze %dma_wait3A_100 : memref<1x128x128xf32, #tpu.memory_space<hbm>> -> memref<128x128xf32, #tpu.memory_space<hbm>>
    %dma_wait3A_102 = arith.constant 0 : i32
    %dma_wait3A_103 = arith.constant 0 : i32
    %dma_wait3A_104 = tpu.memref_slice %arg6[%dma_wait3A_90, %dma_wait3A_102, %dma_wait3A_103] : memref<6x128x128xf32, #tpu.memory_space<vmem>> -> memref<1x128x128xf32, #tpu.memory_space<vmem>>
    %dma_wait3A_105 = tpu.memref_squeeze %dma_wait3A_104 : memref<1x128x128xf32, #tpu.memory_space<vmem>> -> memref<128x128xf32, #tpu.memory_space<vmem>>
    tpu.wait_dma2 semaphore(%arg18 : memref<!tpu.dma_semaphore, #tpu.memory_space<semaphore_mem>>) src(%dma_wait3A_105 : memref<128x128xf32, #tpu.memory_space<vmem>>) dst(%dma_wait3A_101 : memref<128x128xf32, #tpu.memory_space<hbm>>)
    %dma_wait3A_106 = arith.constant 0 : i32
    %dma_wait3A_107 = arith.constant 48 : i32
    %dma_wait3A_108 = arith.constant 0 : i32
    %dma_wait3A_109 = arith.constant 0 : i32
    %dma_wait3A_110 = tpu.memref_slice %arg6[%dma_wait3A_106, %dma_wait3A_108, %dma_wait3A_109] : memref<6x128x128xf32, #tpu.memory_space<vmem>> -> memref<1x128x128xf32, #tpu.memory_space<vmem>>
    %dma_wait3A_111 = tpu.memref_squeeze %dma_wait3A_110 : memref<1x128x128xf32, #tpu.memory_space<vmem>> -> memref<128x128xf32, #tpu.memory_space<vmem>>
    %dma_wait3A_112 = arith.constant 0 : i32
    %dma_wait3A_113 = tpu.memref_slice %arg4[%dma_wait3A_107, %mul3A_2, %dma_wait3A_112] : memref<50x4096x128xf32, #tpu.memory_space<hbm>> -> memref<1x128x128xf32, #tpu.memory_space<hbm>>
    %dma_wait3A_114 = tpu.memref_squeeze %dma_wait3A_113 : memref<1x128x128xf32, #tpu.memory_space<hbm>> -> memref<128x128xf32, #tpu.memory_space<hbm>>
    %dma_wait3A_115 = arith.constant 0 : i32
    %dma_wait3A_116 = tpu.memref_slice %arg4[%dma_wait3A_107, %mul3A_2, %dma_wait3A_115] : memref<50x4096x128xf32, #tpu.memory_space<hbm>> -> memref<1x128x128xf32, #tpu.memory_space<hbm>>
    %dma_wait3A_117 = tpu.memref_squeeze %dma_wait3A_116 : memref<1x128x128xf32, #tpu.memory_space<hbm>> -> memref<128x128xf32, #tpu.memory_space<hbm>>
    %dma_wait3A_118 = arith.constant 0 : i32
    %dma_wait3A_119 = arith.constant 0 : i32
    %dma_wait3A_120 = tpu.memref_slice %arg6[%dma_wait3A_106, %dma_wait3A_118, %dma_wait3A_119] : memref<6x128x128xf32, #tpu.memory_space<vmem>> -> memref<1x128x128xf32, #tpu.memory_space<vmem>>
    %dma_wait3A_121 = tpu.memref_squeeze %dma_wait3A_120 : memref<1x128x128xf32, #tpu.memory_space<vmem>> -> memref<128x128xf32, #tpu.memory_space<vmem>>
    tpu.wait_dma2 semaphore(%arg13 : memref<!tpu.dma_semaphore, #tpu.memory_space<semaphore_mem>>) src(%dma_wait3A_121 : memref<128x128xf32, #tpu.memory_space<vmem>>) dst(%dma_wait3A_117 : memref<128x128xf32, #tpu.memory_space<hbm>>)
    %dma_wait3A_122 = arith.constant 1 : i32
    %dma_wait3A_123 = arith.constant 49 : i32
    %dma_wait3A_124 = arith.constant 0 : i32
    %dma_wait3A_125 = arith.constant 0 : i32
    %dma_wait3A_126 = tpu.memref_slice %arg6[%dma_wait3A_122, %dma_wait3A_124, %dma_wait3A_125] : memref<6x128x128xf32, #tpu.memory_space<vmem>> -> memref<1x128x128xf32, #tpu.memory_space<vmem>>
    %dma_wait3A_127 = tpu.memref_squeeze %dma_wait3A_126 : memref<1x128x128xf32, #tpu.memory_space<vmem>> -> memref<128x128xf32, #tpu.memory_space<vmem>>
    %dma_wait3A_128 = arith.constant 0 : i32
    %dma_wait3A_129 = tpu.memref_slice %arg4[%dma_wait3A_123, %mul3A_2, %dma_wait3A_128] : memref<50x4096x128xf32, #tpu.memory_space<hbm>> -> memref<1x128x128xf32, #tpu.memory_space<hbm>>
    %dma_wait3A_130 = tpu.memref_squeeze %dma_wait3A_129 : memref<1x128x128xf32, #tpu.memory_space<hbm>> -> memref<128x128xf32, #tpu.memory_space<hbm>>
    %dma_wait3A_131 = arith.constant 0 : i32
    %dma_wait3A_132 = tpu.memref_slice %arg4[%dma_wait3A_123, %mul3A_2, %dma_wait3A_131] : memref<50x4096x128xf32, #tpu.memory_space<hbm>> -> memref<1x128x128xf32, #tpu.memory_space<hbm>>
    %dma_wait3A_133 = tpu.memref_squeeze %dma_wait3A_132 : memref<1x128x128xf32, #tpu.memory_space<hbm>> -> memref<128x128xf32, #tpu.memory_space<hbm>>
    %dma_wait3A_134 = arith.constant 0 : i32
    %dma_wait3A_135 = arith.constant 0 : i32
    %dma_wait3A_136 = tpu.memref_slice %arg6[%dma_wait3A_122, %dma_wait3A_134, %dma_wait3A_135] : memref<6x128x128xf32, #tpu.memory_space<vmem>> -> memref<1x128x128xf32, #tpu.memory_space<vmem>>
    %dma_wait3A_137 = tpu.memref_squeeze %dma_wait3A_136 : memref<1x128x128xf32, #tpu.memory_space<vmem>> -> memref<128x128xf32, #tpu.memory_space<vmem>>
    tpu.wait_dma2 semaphore(%arg14 : memref<!tpu.dma_semaphore, #tpu.memory_space<semaphore_mem>>) src(%dma_wait3A_137 : memref<128x128xf32, #tpu.memory_space<vmem>>) dst(%dma_wait3A_133 : memref<128x128xf32, #tpu.memory_space<hbm>>)
    return
  }
}

</mosaic_0001>

<sc_bundles>
// kernel: _sc_embed.3.cloned.1.call-start
scs
__scs_entry_jumppad:
0x0: {  	(pc) =	sbr.rel $0x88, $3  }
0x1: {  	(tag) =	ssettag $0x0;
	lr =	simm.s32 $0x1  }
0x2: {  	[smem:$0x3F9F] =	sst lr;
	_ =	strace $0xD0000000  }
0x3: {  	_ = 	snop  }
0x4: {  	_ = 	snop  }
0x5: {  	_ = 	snop  }
0x6: {  	_ = 	snop  }
0x7: {  	_ = 	snop  }
__scs_overlays_trampoline_lowered:
0x8: {  	[smem:$0x3FAE] =	sst s0  }
0x9: {  	[smem:$0x3FAF] =	sst s1  }
0xa: {  	[smem:$0x3FB0] =	sst s2  }
0xb: {  	[smem:$0x3FB1] =	sst s3  }
0xc: {  	[smem:$0x3FB2] =	sst s4  }
0xd: {  	[smem:$0x3FB3] =	sst s5  }
0xe: {  	[smem:$0x3FB4] =	sst s6  }
0xf: {  	[smem:$0x3FB5] =	sst s7  }
0x10: {  	[smem:$0x3FB6] =	sst s8  }
0x11: {  	[smem:$0x3FB7] =	sst s9;
	s0 =	simm.s32 @!p0 $0x0  }
0x12: {  	s1 =	sld [smem:$0x3F9D];
	s0 =	simm.s32 @p0 $0x1  }
0x13: {  	[smem:$0x3FB8] =	sst s0;
	s0 =	simm.s32 @!p1 $0x0  }
0x14: {  	s2 =	sld [smem:$0x3F9C];
	s0 =	simm.s32 @p1 $0x1  }
0x15: {  	[smem:$0x3FB9] =	sst s0;
	s0 =	simm.s32 @!p2 $0x0  }
0x16: {  	s3 =	sld [smem:$0x3FDB];
	s0 =	simm.s32 @p2 $0x1  }
0x17: {  	s4 =	simm.s32 $0x1BF5;
	[smem:$0x3FBB] =	sst s0  }
0x18: {  	s0 =	sld [smem:$0x3F9E];
	_ =	swait.ge [sflag:s4], $0x0  }
0x19: {  	s7 =	sld [smem:$0x3F9F]  }
0x1a: {  	s8 =	sadd.s32 $0xFFFFE003, lr  }
0x1b: {  	s9 =	sadd.s32 $0xFFFFFEF7, lr;
	s5 =	simm.s32 $0xFFFFFFFF;
	p2 =	slt.u32 s8, $0xFFFFF086  }
0x1c: {  	p1 =	slt.u32 s9, $0xF7A;
	s5 =	simm.s32 @!p2 $0x0  }
0x1d: {  	s5 =	simm.s32 @p1 $0x1;
	p0 =	seq.s32 s7, s2  }
0x1e: {  	s7 =	smul.u32 @!p0 $0xF7A, s2;
	p2 =	seq.s32 @!p0 s5, $0x0  }
0x1f: {  	s9 =	smul.u32 $0xF7A, s1;
	s8 =	simm.s32 @!p0 $0x1BF5;
	p2 =	por !p2, p0  }
0x20: {  	[sflag:s8] =	ssyncset.s32 @!p0 $0xFFFFF086;
	s6 =	sadd.s32 @!p0 s3, s7;
	s7 =	simm.s32 @!p0 $0x108  }
0x21: {  	s3 =	sadd.s32 s3, s9;
	s6 =	sadd.s32 @!p0 $0x88, s6;
	s7 =	simm.s32 @p2 $0x1082  }
0x22: {  	[simem:s7], [sflag:s8] =	dma.local @!p0 [hbm:s6], $0xF7A  }
0x23: {  	s9 =	sor.u32 $0xD0000000, s2;
	s6 =	simm.s32 $0x108;
	_ =	swait.ge @!p0 [sflag:s8], $0x0  }
0x24: {  	s3 =	sadd.s32 $0x88, s3;
	s6 =	simm.s32 @!p1 $0x1082;
	[sflag:s4] =	ssyncset.s32 $0xFFFFF086  }
0x25: {  	[simem:s6], [sflag:s4] =	dma.local [hbm:s3], $0xF7A  }
0x26: {  	[smem:$0x3F9F] =	sst s1;
	(tag) =	ssettag s2;
	_ =	strace s9  }
0x27: {  	s1 =	sld [smem:$0x3FAF]  }
0x28: {  	s2 =	sld [smem:$0x3FB0]  }
0x29: {  	s4 =	sld [smem:$0x3FB2]  }
0x2a: {  	p0 =	seq.s32 s5, $0x0;
	s5 =	sld [smem:$0x3FB3]  }
0x2b: {  	s6 =	sld [smem:$0x3FB4]  }
0x2c: {  	s7 =	sld [smem:$0x3FB5]  }
0x2d: {  	s3 =	simm.s32 $0x108;
	s8 =	sld [smem:$0x3FB6]  }
0x2e: {  	s3 =	simm.s32 @!p0 $0x1082;
	s9 =	sld [smem:$0x3FB7]  }
0x2f: {  	lr =	sadd.s32 s0, s3;
	s0 =	sld [smem:$0x3FAE]  }
0x30: {  	s3 =	sld [smem:$0x3FB1]  }
0x31: {  	[smem:$0x3FBA] =	sst s10  }
0x32: {  	s10 =	sld [smem:$0x3FB8];
	_ =	sdelay $0x3  }
0x33: {  	p0 =	seq.s32 s10, $0x1;
	s10 =	sld [smem:$0x3FBA];
	_ =	sdelay $0x3  }
0x34: {  	[smem:$0x3FBA] =	sst s10  }
0x35: {  	s10 =	sld [smem:$0x3FB9];
	_ =	sdelay $0x3  }
0x36: {  	p1 =	seq.s32 s10, $0x1;
	s10 =	sld [smem:$0x3FBA];
	_ =	sdelay $0x3  }
0x37: {  	[smem:$0x3FBA] =	sst s10  }
0x38: {  	s10 =	sld [smem:$0x3FBB]  }
0x39: {  	_ = 	snop;
	(pc) =	sbr.ind lr, $3  }
0x3a: {  	_ = 	snop  }
0x3b: {  	_ = 	snop  }
0x3c: {  	p2 =	seq.s32 s10, $0x1;
	s10 =	sld [smem:$0x3FBA]  }
0x3d: {  	_ =	shalt  }
0x3e: {  	_ =	shalt  }
0x3f: {  	_ =	shalt  }
0x40: {  	_ =	shalt  }
0x41: {  	_ =	shalt  }
0x42: {  	_ =	shalt  }
0x43: {  	_ =	shalt  }
0x44: {  	_ =	shalt  }
0x45: {  	_ =	shalt  }
0x46: {  	_ =	shalt  }
0x47: {  	_ =	shalt  }
0x48: {  	_ =	shalt  }
0x49: {  	_ =	shalt  }
0x4a: {  	_ =	shalt  }
0x4b: {  	_ =	shalt  }
0x4c: {  	_ =	shalt  }
0x4d: {  	_ =	shalt  }
0x4e: {  	_ =	shalt  }
0x4f: {  	_ =	shalt  }
0x50: {  	_ =	shalt  }
0x51: {  	_ =	shalt  }
0x52: {  	_ =	shalt  }
0x53: {  	_ =	shalt  }
0x54: {  	_ =	shalt  }
0x55: {  	_ =	shalt  }
0x56: {  	_ =	shalt  }
0x57: {  	_ =	shalt  }
0x58: {  	_ =	shalt  }
0x59: {  	_ =	shalt  }
0x5a: {  	_ =	shalt  }
0x5b: {  	_ =	shalt  }
0x5c: {  	_ =	shalt  }
0x5d: {  	_ =	shalt  }
0x5e: {  	_ =	shalt  }
0x5f: {  	_ =	shalt  }
0x60: {  	_ =	shalt  }
0x61: {  	_ =	shalt  }
0x62: {  	_ =	shalt  }
0x63: {  	_ =	shalt  }
0x64: {  	_ =	shalt  }
0x65: {  	_ =	shalt  }
0x66: {  	_ =	shalt  }
0x67: {  	_ =	shalt  }
0x68: {  	_ =	shalt  }
0x69: {  	_ =	shalt  }
0x6a: {  	_ =	shalt  }
0x6b: {  	_ =	shalt  }
0x6c: {  	_ =	shalt  }
0x6d: {  	_ =	shalt  }
0x6e: {  	_ =	shalt  }
0x6f: {  	_ =	shalt  }
0x70: {  	_ =	shalt  }
0x71: {  	_ =	shalt  }
0x72: {  	_ =	shalt  }
0x73: {  	_ =	shalt  }
0x74: {  	_ =	shalt  }
0x75: {  	_ =	shalt  }
0x76: {  	_ =	shalt  }
0x77: {  	_ =	shalt  }
0x78: {  	_ =	shalt  }
0x79: {  	_ =	shalt  }
0x7a: {  	_ =	shalt  }
0x7b: {  	_ =	shalt  }
0x7c: {  	_ =	shalt  }
0x7d: {  	_ =	shalt  }
0x7e: {  	_ =	shalt  }
0x7f: {  	_ =	shalt  }
0x80: {  	_ =	shalt  }
0x81: {  	_ =	shalt  }
0x82: {  	_ =	shalt  }
0x83: {  	_ =	shalt  }
0x84: {  	_ =	shalt  }
0x85: {  	_ =	shalt  }
0x86: {  	_ =	shalt  }
0x87: {  	_ =	shalt  }
.Lfunc_end0:
.L_simem_size_0:
called_computation_lowered:
.L_overlay_start_0:
0x88: {  	s2 =	sld [smem:$0x3FD9]  }
0x89: {  	s3 =	sld [smem:$0x3FFE];
	_ =	sdelay $0x1  }
0x8a: {  	s1 =	srdreg.scid  }
0x8b: {  	s0 =	sand.u32 $0x1, s1  }
0x8c: {  	s18 =	sshll.u32 s0, $0xA;
	s2 =	sadd.s32 s3, s2  }
0x8d: {  	s2 =	sadd.s32 s2, s18  }
0x8e: {  	[smem:$0x3FC6] =	sst s2  }
0x8f: {  	_ = 	snop  }
0x90: {  	s2 =	sld [smem:$0x3FC9]  }
0x91: {  	s19 =	sld [smem:$0x3FC8]  }
0x92: {  	s4 =	sld [smem:$0x3FD0];
	(tm) =	ssettm $0x1  }
0x93: {  	s5 =	sld [smem:$0x3FFB];
	_ =	sdelay $0x3  }
0x94: {  	_ =	strace s5  }
0x95: {  	s5 =	sld [smem:$0x3FFC];
	_ =	sdelay $0x3  }
0x96: {  	_ =	strace s5  }
0x97: {  	s5 =	sld [smem:$0x3FFD];
	_ =	sdelay $0x3  }
0x98: {  	_ =	strace s5  }
0x99: {  	_ =	strace $0x8FFFFFFF  }
0x9a: {  	s20 =	sld [smem:$0x3FDB];
	_ =	sdelay $0x1  }
0x9b: {  	s6 =	simm.s32 $_scs_section_size  }
0x9c: {  	s7 =	simm.s32 $_size__tile_overlayer_lowered;
	s8 =	simm.s32 $_tile_overlayer_lowered  }
0x9d: {  	s23 =	simm.s32 $0x1BFF;
	s22 =	sshll.u32 s8, $0x1;
	s5 =	sadd.s32 s6, s20  }
0x9e: {  	s9 =	simm.s32 $0x0;
	s21 =	sshll.u32 s7, $0x1;
	s7 =	sadd.s32 s22, s5  }
0x9f: {  	[timem:s9], [sflag:s23] =	dma.local [hbm:s7], s21  }
0xa0: {  	_ =	swait.ge [sflag:s23], s21  }
0xa1: {  	s6 =	ssub.s32 $0x0, s21;
	[sflag:s23] =	ssyncset.done $0x0  }
0xa2: {  	[sflag:s23] =	ssyncadd.s32 s6;
	_ =	sdelay $0x1  }
0xa3: {  	s24 =	simm.s32 $0x1B8B  }
0xa4: {  	_ =	swait.ge [sflag:s24], $0x1  }
0xa5: {  	[sflag:s24] =	ssyncset.done $0x0  }
0xa6: {  	s25 =	simm.s32 $0x1B8E;
	[sflag:s24] =	ssyncadd.s32 $0xFFFFFFFF  }
0xa7: {  	s26 =	simm.s32 $execute0_lowered;
	[smem:$0x3FD2] =	sst s25  }
0xa8: {  	s6 =	sshll.u32 s26, $0x1;
	_ =	strace $0x80000046;
	[dreg:$0x1] =	wrdreg $0xFFFFFFFF  }
0xa9: {  	s28 =	simm.s32 $_size_execute0_lowered;
	s5 =	sadd.s32 s5, s6;
	[dreg:$0x0] =	wrdreg $0x0  }
0xaa: {  	s6 =	sshll.u32 s28, $0x1;
	[dreg:$0x2] =	wrdreg s5  }
0xab: {  	[dreg:$0x3] =	wrdreg s6  }
0xac: {  	[dreg:$0x4] =	wrdreg $0xC0  }
0xad: {  	_ =	task [dreg:s9], $0x5FFFF  }
0xae: {  	[dreg:$0x1] =	wrdreg $0xFFFFFFFF  }
0xaf: {  	[dreg:$0x0] =	wrdreg $0x60  }
0xb0: {  	[dreg:$0x2] =	wrdreg s2  }
0xb1: {  	[dreg:$0x3] =	wrdreg s19  }
0xb2: {  	[dreg:$0x4] =	wrdreg s4  }
0xb3: {  	[dreg:$0x5] =	wrdreg $0x9  }
0xb4: {  	_ =	task.clear_ibuf [dreg:s9], $0x6FFFF;
	_ =	strace $0x90000046  }
0xb5: {  	s29 =	simm.s32 $0x9;
	_ =	strace $0x80000048  }
0xb6: {  	_ =	swait.ge [sflag:s29], $0x1  }
0xb7: {  	[sflag:s29] =	ssyncadd.s32 $0xFFFFFFFF  }
0xb8: {  	_ =	strace $0x90000048  }
0xb9: {  	_ =	sfence  }
0xba: {  	s30 =	sld [smem:$0x0];
	_ =	sdelay $0x2  }
0xbb: {  	s31 =	sshll.u32 s1, $0xD;
	s1 =	sshrl.u32 s1, $0x2  }
0xbc: {  	s3 =	sand.u32 $0x4000, s31;
	s1 =	sadd.s32 s1, s30  }
0xbd: {  	s0 =	sor.u32 s3, s0;
	s1 =	sshll.u32 s1, $0x11  }
0xbe: {  	s0 =	sor.u32 s1, s0  }
0xbf: {  	s0 =	sadd.s32 $0x8F2B, s0  }
0xc0: {  	[sflag:s0] =	ssyncadd.remote.s32 $0x1  }
0xc1: {  	_ =	sfence.sel $0xFFFF  }
0xc2: {  	[dreg:$0x0] =	wrdreg $0xFFFFFFFF;
	(pc) =	sbr.abs _section_cstart, $3  }
0xc3: {  	[dreg:$0x1] =	wrdreg $0xFFFFFFFF  }
0xc4: {  	_ =	task.clear_ibuf [dreg:s9], $0x2FFFF;
	_ =	strace $0x9FFFFFFF  }
0xc5: {  	(tm) =	ssettm $0x7FFFFFFF  }
tec
execute0_lowered:
.L_overlay_start_1:
0x0: {  	(tag) =	ssettag $0x1  }
0x1: {  	s1 =	rddreg [dreg:$0x0]  }
0x2: {  	s0 =	rddreg [dreg:$0x1]  }
0x3: {  	s3 =	rddreg [dreg:$0x2];
	s2 =	srdreg.scid  }
0x4: {  	s5 =	stileid.u32;
	s4 =	simm.s32 $0x0;
	s16 =	simm.s32 $0x80  }
0x5: {  	s17 =	simm.s32 $0x1C00;
	s18 =	simm.s32 $0x5C00;
	s21 =	simm.s32 $0xDC00  }
0x6: {  	s22 =	simm.s32 $0x1;
	s28 =	simm.s32 $0x7;
	s29 =	simm.s32 $0x4  }
0x7: {  	s30 =	simm.s32 $0x8;
	s31 =	simm.s32 $0x5;
	s14 =	simm.s32 $0xC  }
0x8: {  	s2 =	sand.u32 $0x1, s2;
	s5 =	sshll.u32 s5, $0x8;
	[smem:$0x7FF] =	sst s4  }
0x9: {  	s8 =	sadd.s32 $0x10000, s3;
	s6 =	sshll.u32 s2, $0x7;
	s2 =	ssub.s32 $0x2, s2  }
0xa: {  	_ =	strace $0x80000047;
	s5 =	sor.u32 s6, s5;
	s23 =	sshrl.u32 s2, $0x1  }
0xb: {  	s7 =	sadd.s32 s0, s5;
	s24 =	ssub.s32 s2, s23;
	s26 =	sshll.u32 s5, $0x4  }
.Ltmp0:
0xc: {  	s23 =	simm.s32 $0x11C00;
	[dreg:$0x4] =	wrdreg s7;
	(pc) =	sbr.rel .LBB2_1-.Ltmp0, $4  }
0xd: {  	s25 =	sadd.s32 $0x6000, s7;
	s7 =	sshll.u32 s5, $0x7;
	s10 =	sadd.s32 s3, s26  }
0xe: {  	s0 =	smax.u32 s24, $0x1;
	s24 =	simm.s32 $0x2;
	s26 =	simm.s32 $0x3  }
0xf: {  	s5 =	simm.s32 $0x0;
	[dreg:$0x5] =	wrdreg s25;
	s9 =	sor.u32 $0x100000, s7  }
0x10: {  	[dreg:$0x6] =	wrdreg s0;
	s25 =	simm.s32 $0x15C00;
	s0 =	simm.s32 $0x6  }
.LBB2_28:
0x11: {  	s2 =	simm.s32 $0x9  }
0x12: {  	_ =	swait.ge [sflag:s2], $0x4000  }
0x13: {  	[sflag:s2] =	ssyncset.done $0x0  }
0x14: {  	s15 =	simm.s32 $0xA;
	[sflag:s2] =	ssyncadd.s32 $0xFFFFC000  }
0x15: {  	_ =	swait.ge [sflag:s15], $0x4000  }
0x16: {  	[sflag:s15] =	ssyncset.done $0x0  }
0x17: {  	s19 =	simm.s32 $0xB;
	[sflag:s15] =	ssyncadd.s32 $0xFFFFC000  }
0x18: {  	_ =	swait.ge [sflag:s19], $0x4000  }
0x19: {  	[sflag:s19] =	ssyncset.done $0x0  }
0x1a: {  	[sflag:s19] =	ssyncadd.s32 $0xFFFFC000  }
0x1b: {  	_ =	swait.ge [sflag:s14], $0x4000  }
0x1c: {  	[sflag:s14] =	ssyncset.done $0x0  }
0x1d: {  	[sflag:s14] =	ssyncadd.s32 $0xFFFFC000  }
0x1e: {  	_ =	swait.ge [sflag:s28], $0x4000  }
0x1f: {  	[sflag:s28] =	ssyncset.done $0x0  }
0x20: {  	[sflag:s28] =	ssyncadd.s32 $0xFFFFC000  }
0x21: {  	_ =	swait.ge [sflag:s30], $0x4000  }
0x22: {  	s5 =	rddreg [dreg:$0x7]  }
0x23: {  	s20 =	rddreg [dreg:$0x6];
	s5 =	sadd.s32 $0x1, s5  }
0x24: {  	p0 =	sne.s32 s5, s20  }
.Ltmp1:
0x25: {  	_ = 	snop;
	(pc) =	sbr.rel @!p0 .LBB2_29-.Ltmp1, $3  }
0x26: {  	_ =	sdelay $0x1  }
0x27: {  	[sflag:s30] =	ssyncset.done $0x0  }
0x28: {  	[sflag:s30] =	ssyncadd.s32 $0xFFFFC000  }
.LBB2_1:
0x29: {  	[dreg:$0x7] =	wrdreg s5  }
0x2a: {  	s2 =	rddreg [dreg:$0x4];
	s11 =	simm.s32 $0x400;
	s6 =	simm.s32 $0x8000  }
0x2b: {  	[tilespmem:s4], [sflag:$0xD] =	stream.strided.gather [hbm4b:s2+s11], $0x1800, s6, s11, $0x38;
	[tilespmem:$0x19C00] =	vst v63  }
0x2c: {  	s12 =	rddreg [dreg:$0x5];
	s13 =	simm.s32 $0x1800;
	s15 =	simm.s32 $0xD  }
0x2d: {  	[tilespmem:s13], [sflag:$0xD] =	stream.linear.gather [hbm4b:s12+s4], $0x100, $0x38;
	[tilespmem:$0x19C00] =	vst v63  }
0x2e: {  	_ =	swait.ge [sflag:s15], $0x1900  }
0x2f: {  	[sflag:s15] =	ssyncset.done $0x0  }
0x30: {  	[sflag:s15] =	ssyncadd.s32 $0xFFFFE700  }
0x31: {  	[tilespmem:s17], [sflag:$0x1] =	stream.indirect.gather [hbm4b:s1+s16], $0x80, s4, s16, $0xb8;
	[tilespmem:$0x19C00] =	vst v63  }
0x32: {  	_ = 	snop  }
0x33: {  	[tilespmem:s18], [sflag:$0x2] =	stream.indirect.gather [hbm4b:s1+s16], $0x80, s16, s16, $0xb8;
	[tilespmem:$0x19C00] =	vst v63  }
0x34: {  	s19 =	simm.s32 $0x100;
	s20 =	simm.s32 $0x9C00;
	s6 =	simm.s32 $0x0  }
0x35: {  	[tilespmem:s20], [sflag:$0x3] =	stream.indirect.gather [hbm4b:s1+s16], $0x80, s19, s16, $0xb8;
	[tilespmem:$0x19C00] =	vst v63  }
.LBB2_2:
0x36: {  	p0 =	seq.s32 s6, $0x0  }
.Ltmp2:
0x37: {  	_ = 	snop;
	(pc) =	sbr.rel @p0 .LBB2_3-.Ltmp2, $3  }
0x38: {  	_ = 	snop  }
0x39: {  	s15 =	smul.u32 $0x6, s6;
	_ =	sdelay $0x1  }
0x3a: {  	s11 =	sadd.s32 $0x3, s15  }
0x3b: {  	p1 =	seq.s32 s6, $0x8  }
.Ltmp3:
0x3c: {  	_ = 	snop;
	(pc) =	sbr.rel @p1 .LBB2_7-.Ltmp3, $1  }
0x3d: {  	_ =	sdelay $0x3  }
.Ltmp4:
0x3e: {  	(pc) =	sbr.rel .LBB2_6-.Ltmp4, $4  }
0x3f: {  	s5 =	simm.s32 $0xA  }
0x40: {  	_ =	swait.ge [sflag:s5], $0x4000  }
0x41: {  	s2 =	sshll.u32 s11, $0x7;
	[sflag:s5] =	ssyncset.done $0x0  }
0x42: {  	s2 =	sand.u32 $0x3FFFFF80, s2;
	[sflag:s5] =	ssyncadd.s32 $0xFFFFC000  }
.LBB2_3:
0x43: {  	s2 =	simm.s32 $0x180  }
.LBB2_6:
0x44: {  	[tilespmem:s21], [sflag:$0x4] =	stream.indirect.gather [hbm4b:s1+s16], $0x80, s2, s16, $0xb8;
	[tilespmem:$0x19C00] =	vst v63  }
.LBB2_7:
0x45: {  	_ =	swait.ge [sflag:s22], $0x4000  }
0x46: {  	[sflag:s22] =	ssyncset.done $0x0  }
0x47: {  	s5 =	simm.s32 $0x1C80;
	[sflag:s22] =	ssyncadd.s32 $0xFFFFC000  }
0x48: {  	v0 =	vld [tilespmem:s5+$0x70]  }
0x49: {  	v1 =	vld [tilespmem:s5+$0xFFFFFF90]  }
0x4a: {  	v2 =	vld [tilespmem:s5+$0xFFFFFFA0]  }
0x4b: {  	v3 =	vld [tilespmem:s5+$0xFFFFFFB0]  }
0x4c: {  	v4 =	vld [tilespmem:s5+$0xFFFFFFC0]  }
0x4d: {  	v5 =	vld [tilespmem:s5+$0xFFFFFFD0];
	v0 =	vmul.f32 $1.131370830e+01, v0  }
0x4e: {  	v6 =	vld [tilespmem:s5+$0xFFFFFFE0];
	v1 =	vmul.f32 $1.131370830e+01, v1  }
0x4f: {  	v7 =	vld [tilespmem:s5+$0xFFFFFFF0];
	v2 =	vmul.f32 $1.131370830e+01, v2;
	[tilespmem:s5+$0x70] =	vst v0  }
0x50: {  	[tilespmem:s5+$0xFFFFFF90] =	vst v1;
	v0 =	vmul.f32 $1.131370830e+01, v3;
	v3 =	vld [tilespmem:s5+$0x0]  }
0x51: {  	[tilespmem:s5+$0xFFFFFFA0] =	vst v2;
	v1 =	vmul.f32 $1.131370830e+01, v4;
	v4 =	vld [tilespmem:s5+$0x10]  }
0x52: {  	v8 =	vld [tilespmem:s5+$0x20];
	v2 =	vmul.f32 $1.131370830e+01, v5;
	[tilespmem:s5+$0xFFFFFFB0] =	vst v0  }
0x53: {  	v5 =	vmul.f32 $1.131370830e+01, v6;
	[tilespmem:s5+$0xFFFFFFC0] =	vst v1;
	v0 =	vld [tilespmem:s5+$0x30]  }
0x54: {  	[tilespmem:s5+$0xFFFFFFD0] =	vst v2;
	v2 =	vmul.f32 $1.131370830e+01, v7;
	v1 =	vld [tilespmem:s5+$0x40]  }
0x55: {  	[tilespmem:s5+$0xFFFFFFE0] =	vst v5;
	v6 =	vmul.f32 $1.131370830e+01, v3;
	v3 =	vld [tilespmem:s5+$0x50]  }
0x56: {  	[tilespmem:s5+$0xFFFFFFF0] =	vst v2;
	v2 =	vld [tilespmem:s5+$0x60];
	v5 =	vmul.f32 $1.131370830e+01, v4  }
0x57: {  	s2 =	simm.s32 $0x0;
	s12 =	simm.s32 $0x1D80;
	v4 =	vld [tilespmem:s5+$0xFFFFFF80];
	[tilespmem:s5+$0x0] =	vst v6;
	v6 =	vmul.f32 $1.131370830e+01, v8  }
.LBB2_8:
0x58: {  	v7 =	vld [tilespmem:s12+$0x70];
	s2 =	sadd.s32 $0x2, s2;
	[tilespmem:s5+$0x10] =	vst v5;
	v0 =	vmul.f32 $1.131370830e+01, v0  }
0x59: {  	v5 =	vld [tilespmem:s12+$0xFFFFFF90];
	p1 =	slt.u32 s2, $0x7E;
	[tilespmem:s5+$0x20] =	vst v6;
	v1 =	vmul.f32 $1.131370830e+01, v1  }
0x5a: {  	v6 =	vld [tilespmem:s12+$0xFFFFFFA0];
	[tilespmem:s5+$0x30] =	vst v0;
	v0 =	vmul.f32 $1.131370830e+01, v3  }
0x5b: {  	v3 =	vld [tilespmem:s12+$0xFFFFFFB0];
	[tilespmem:s5+$0x40] =	vst v1;
	v1 =	vmul.f32 $1.131370830e+01, v2  }
0x5c: {  	v2 =	vld [tilespmem:s12+$0xFFFFFFC0];
	v4 =	vmul.f32 $1.131370830e+01, v4;
	[tilespmem:s5+$0x50] =	vst v0  }
0x5d: {  	v0 =	vld [tilespmem:s12+$0xFFFFFFD0];
	v7 =	vmul.f32 $1.131370830e+01, v7;
	[tilespmem:s5+$0x60] =	vst v1  }
0x5e: {  	v1 =	vmul.f32 $1.131370830e+01, v5;
	v5 =	vld [tilespmem:s12+$0xFFFFFFE0];
	[tilespmem:s5+$0xFFFFFF80] =	vst v4;
	s5 =	smov.u32 s12  }
0x5f: {  	v4 =	vmul.f32 $1.131370830e+01, v6;
	v6 =	vld [tilespmem:s12+$0xFFFFFFF0];
	[tilespmem:s12+$0x70] =	vst v7  }
0x60: {  	[tilespmem:s12+$0xFFFFFF90] =	vst v1;
	v1 =	vmul.f32 $1.131370830e+01, v3;
	v3 =	vld [tilespmem:s12+$0x0]  }
0x61: {  	[tilespmem:s12+$0xFFFFFFA0] =	vst v4;
	v2 =	vmul.f32 $1.131370830e+01, v2;
	v4 =	vld [tilespmem:s12+$0x10]  }
0x62: {  	[tilespmem:s12+$0xFFFFFFB0] =	vst v1;
	v1 =	vmul.f32 $1.131370830e+01, v0;
	v7 =	vld [tilespmem:s12+$0x20]  }
.Ltmp5:
0x63: {  	[tilespmem:s12+$0xFFFFFFC0] =	vst v2;
	v2 =	vmul.f32 $1.131370830e+01, v5;
	v0 =	vld [tilespmem:s12+$0x30];
	(pc) =	sbr.rel @p1 .LBB2_8-.Ltmp5, $4  }
0x64: {  	[tilespmem:s12+$0xFFFFFFD0] =	vst v1;
	v5 =	vmul.f32 $1.131370830e+01, v6;
	v1 =	vld [tilespmem:s12+$0x40]  }
0x65: {  	[tilespmem:s12+$0xFFFFFFE0] =	vst v2;
	v6 =	vmul.f32 $1.131370830e+01, v3;
	v3 =	vld [tilespmem:s12+$0x50]  }
0x66: {  	[tilespmem:s12+$0xFFFFFFF0] =	vst v5;
	v5 =	vmul.f32 $1.131370830e+01, v4;
	v2 =	vld [tilespmem:s12+$0x60]  }
0x67: {  	s12 =	sadd.s32 $0x100, s12;
	v4 =	vld [tilespmem:s5+$0xFFFFFF80];
	[tilespmem:s5+$0x0] =	vst v6;
	v6 =	vmul.f32 $1.131370830e+01, v7  }
0x68: {  	[tilespmem:s5+$0x10] =	vst v5;
	v0 =	vmul.f32 $1.131370830e+01, v0  }
0x69: {  	[tilespmem:s5+$0x20] =	vst v6;
	v1 =	vmul.f32 $1.131370830e+01, v1  }
0x6a: {  	s2 =	smul.u32 $0x300000, s6;
	[tilespmem:s5+$0x30] =	vst v0;
	v61 =	vmul.f32 $1.131370830e+01, v3  }
.Ltmp6:
0x6b: {  	[tilespmem:s5+$0x40] =	vst v1;
	v62 =	vmul.f32 $1.131370830e+01, v2;
	(pc) =	sbr.rel @p0 .LBB2_10-.Ltmp6, $4  }
0x6c: {  	s12 =	sor.u32 s7, s2;
	v63 =	vmul.f32 $1.131370830e+01, v4;
	[tilespmem:s5+$0x50] =	vst v61  }
0x6d: {  	s19 =	sshrl.u32 s12, $0x3;
	[tilespmem:s5+$0x60] =	vst v62  }
0x6e: {  	s20 =	sadd.s32 s3, s19;
	[tilespmem:s5+$0xFFFFFF80] =	vst v63;
	s5 =	sadd.s32 $0x4, s15  }
0x6f: {  	[hbm4b:s20+s4] =	stream.linear.scatter [tilespmem:s17], [sflag:$0x7], $0x4000, $0x38;
	[tilespmem:$0x19C00] =	vst v63  }
0x70: {  	p1 =	seq.s32 s6, $0x8  }
.Ltmp7:
0x71: {  	_ = 	snop;
	(pc) =	sbr.rel @p1 .LBB2_14-.Ltmp7, $1  }
0x72: {  	_ =	sdelay $0x3  }
.Ltmp8:
0x73: {  	(pc) =	sbr.rel .LBB2_13-.Ltmp8, $4  }
0x74: {  	s13 =	simm.s32 $0xB  }
0x75: {  	_ =	swait.ge [sflag:s13], $0x4000  }
0x76: {  	s12 =	sshll.u32 s5, $0x7;
	[sflag:s13] =	ssyncset.done $0x0  }
0x77: {  	s12 =	sand.u32 $0x3FFFFF80, s12;
	[sflag:s13] =	ssyncadd.s32 $0xFFFFC000  }
.LBB2_10:
0x78: {  	s12 =	simm.s32 $0x200  }
.LBB2_13:
0x79: {  	[tilespmem:s23], [sflag:$0x5] =	stream.indirect.gather [hbm4b:s1+s16], $0x80, s12, s16, $0xb8;
	[tilespmem:$0x19C00] =	vst v63  }
.LBB2_14:
0x7a: {  	_ =	swait.ge [sflag:s24], $0x4000  }
0x7b: {  	[sflag:s24] =	ssyncset.done $0x0  }
0x7c: {  	s20 =	simm.s32 $0x5C00;
	[sflag:s24] =	ssyncadd.s32 $0xFFFFC000  }
0x7d: {  	v0 =	vld [tilespmem:s20+$0xF0]  }
0x7e: {  	v1 =	vld [tilespmem:s20+$0x10]  }
0x7f: {  	v2 =	vld [tilespmem:s20+$0x20]  }
0x80: {  	v3 =	vld [tilespmem:s20+$0x30]  }
0x81: {  	v4 =	vld [tilespmem:s20+$0x40]  }
0x82: {  	v5 =	vld [tilespmem:s20+$0x50];
	v0 =	vmul.f32 $1.131370830e+01, v0  }
0x83: {  	v6 =	vld [tilespmem:s20+$0x60];
	v1 =	vmul.f32 $1.131370830e+01, v1  }
0x84: {  	v7 =	vld [tilespmem:s20+$0x70];
	v2 =	vmul.f32 $1.131370830e+01, v2;
	[tilespmem:s20+$0xF0] =	vst v0  }
0x85: {  	[tilespmem:s20+$0x10] =	vst v1;
	v0 =	vmul.f32 $1.131370830e+01, v3;
	v3 =	vld [tilespmem:s20+$0x80]  }
0x86: {  	[tilespmem:s20+$0x20] =	vst v2;
	v1 =	vmul.f32 $1.131370830e+01, v4;
	v4 =	vld [tilespmem:s20+$0x90]  }
0x87: {  	v8 =	vld [tilespmem:s20+$0xA0];
	v2 =	vmul.f32 $1.131370830e+01, v5;
	[tilespmem:s20+$0x30] =	vst v0  }
0x88: {  	v5 =	vmul.f32 $1.131370830e+01, v6;
	[tilespmem:s20+$0x40] =	vst v1;
	v0 =	vld [tilespmem:s20+$0xB0]  }
0x89: {  	v6 =	vmul.f32 $1.131370830e+01, v7;
	[tilespmem:s20+$0x50] =	vst v2;
	v1 =	vld [tilespmem:s20+$0xC0]  }
0x8a: {  	[tilespmem:s20+$0x60] =	vst v5;
	v2 =	vld [tilespmem:s20+$0xD0];
	v7 =	vmul.f32 $1.131370830e+01, v3  }
0x8b: {  	[tilespmem:s20+$0x70] =	vst v6;
	v3 =	vld [tilespmem:s20+$0xE0];
	v5 =	vmul.f32 $1.131370830e+01, v4  }
0x8c: {  	s12 =	simm.s32 $0x0;
	s13 =	simm.s32 $0x5D00;
	v6 =	vmul.f32 $1.131370830e+01, v8;
	v4 =	vld [tilespmem:s20+$0x0];
	[tilespmem:s20+$0x80] =	vst v7  }
.LBB2_15:
0x8d: {  	v7 =	vld [tilespmem:s13+$0xF0];
	s12 =	sadd.s32 $0x2, s12;
	[tilespmem:s20+$0x90] =	vst v5;
	v0 =	vmul.f32 $1.131370830e+01, v0  }
0x8e: {  	v5 =	vld [tilespmem:s13+$0x10];
	p1 =	slt.u32 s12, $0x7E;
	[tilespmem:s20+$0xA0] =	vst v6;
	v1 =	vmul.f32 $1.131370830e+01, v1  }
0x8f: {  	v6 =	vld [tilespmem:s13+$0x20];
	[tilespmem:s20+$0xB0] =	vst v0;
	v0 =	vmul.f32 $1.131370830e+01, v2  }
0x90: {  	v2 =	vld [tilespmem:s13+$0x30];
	[tilespmem:s20+$0xC0] =	vst v1;
	v1 =	vmul.f32 $1.131370830e+01, v3  }
0x91: {  	v3 =	vld [tilespmem:s13+$0x40];
	v4 =	vmul.f32 $1.131370830e+01, v4;
	[tilespmem:s20+$0xD0] =	vst v0  }
0x92: {  	v0 =	vld [tilespmem:s13+$0x50];
	v7 =	vmul.f32 $1.131370830e+01, v7;
	[tilespmem:s20+$0xE0] =	vst v1  }
0x93: {  	v1 =	vmul.f32 $1.131370830e+01, v5;
	v5 =	vld [tilespmem:s13+$0x60];
	[tilespmem:s20+$0x0] =	vst v4;
	s20 =	smov.u32 s13  }
0x94: {  	v4 =	vmul.f32 $1.131370830e+01, v6;
	v6 =	vld [tilespmem:s13+$0x70];
	[tilespmem:s13+$0xF0] =	vst v7  }
0x95: {  	[tilespmem:s13+$0x10] =	vst v1;
	v1 =	vmul.f32 $1.131370830e+01, v2;
	v2 =	vld [tilespmem:s13+$0x80]  }
0x96: {  	[tilespmem:s13+$0x20] =	vst v4;
	v3 =	vmul.f32 $1.131370830e+01, v3;
	v4 =	vld [tilespmem:s13+$0x90]  }
0x97: {  	[tilespmem:s13+$0x30] =	vst v1;
	v1 =	vmul.f32 $1.131370830e+01, v0;
	v7 =	vld [tilespmem:s13+$0xA0]  }
.Ltmp9:
0x98: {  	[tilespmem:s13+$0x40] =	vst v3;
	v3 =	vmul.f32 $1.131370830e+01, v5;
	v0 =	vld [tilespmem:s13+$0xB0];
	(pc) =	sbr.rel @p1 .LBB2_15-.Ltmp9, $4  }
0x99: {  	[tilespmem:s13+$0x50] =	vst v1;
	v5 =	vmul.f32 $1.131370830e+01, v6;
	v1 =	vld [tilespmem:s13+$0xC0]  }
0x9a: {  	[tilespmem:s13+$0x60] =	vst v3;
	v6 =	vmul.f32 $1.131370830e+01, v2;
	v2 =	vld [tilespmem:s13+$0xD0]  }
0x9b: {  	[tilespmem:s13+$0x70] =	vst v5;
	v5 =	vmul.f32 $1.131370830e+01, v4;
	v3 =	vld [tilespmem:s13+$0xE0]  }
0x9c: {  	s13 =	sadd.s32 $0x100, s13;
	v4 =	vld [tilespmem:s20+$0x0];
	[tilespmem:s20+$0x80] =	vst v6;
	v6 =	vmul.f32 $1.131370830e+01, v7  }
0x9d: {  	[tilespmem:s20+$0x90] =	vst v5;
	v0 =	vmul.f32 $1.131370830e+01, v0  }
0x9e: {  	[tilespmem:s20+$0xA0] =	vst v6;
	v1 =	vmul.f32 $1.131370830e+01, v1  }
0x9f: {  	[tilespmem:s20+$0xB0] =	vst v0;
	v61 =	vmul.f32 $1.131370830e+01, v2  }
0xa0: {  	[tilespmem:s20+$0xC0] =	vst v1;
	v62 =	vmul.f32 $1.131370830e+01, v3  }
.Ltmp10:
0xa1: {  	v63 =	vmul.f32 $1.131370830e+01, v4;
	[tilespmem:s20+$0xD0] =	vst v61;
	(pc) =	sbr.rel @p0 .LBB2_19-.Ltmp10, $4  }
0xa2: {  	[tilespmem:s20+$0xE0] =	vst v62  }
0xa3: {  	s12 =	sadd.s32 s19, s8;
	[tilespmem:s20+$0x0] =	vst v63  }
0xa4: {  	[hbm4b:s12+s4] =	stream.linear.scatter [tilespmem:s18], [sflag:$0x8], $0x4000, $0x38;
	[tilespmem:$0x19C00] =	vst v63  }
0xa5: {  	s15 =	sadd.s32 $0x5, s15;
	s12 =	simm.s32 $0x280  }
0xa6: {  	p0 =	seq.s32 s6, $0x8  }
.Ltmp11:
0xa7: {  	_ = 	snop;
	(pc) =	sbr.rel @p0 .LBB2_28-.Ltmp11, $1  }
0xa8: {  	_ =	sdelay $0x3  }
0xa9: {  	_ =	swait.ge [sflag:s14], $0x4000  }
0xaa: {  	s12 =	sshll.u32 s15, $0x7;
	[sflag:s14] =	ssyncset.done $0x0  }
0xab: {  	s12 =	sand.u32 $0x3FFFFF80, s12;
	[sflag:s14] =	ssyncadd.s32 $0xFFFFC000  }
.LBB2_19:
0xac: {  	[tilespmem:s25], [sflag:$0x6] =	stream.indirect.gather [hbm4b:s1+s16], $0x80, s12, s16, $0xb8;
	[tilespmem:$0x19C00] =	vst v63  }
0xad: {  	_ =	swait.ge [sflag:s26], $0x4000  }
0xae: {  	[sflag:s26] =	ssyncset.done $0x0  }
0xaf: {  	s19 =	simm.s32 $0x9C00;
	[sflag:s26] =	ssyncadd.s32 $0xFFFFC000  }
0xb0: {  	v0 =	vld [tilespmem:s19+$0xF0]  }
0xb1: {  	v1 =	vld [tilespmem:s19+$0x10]  }
0xb2: {  	v2 =	vld [tilespmem:s19+$0x20]  }
0xb3: {  	v3 =	vld [tilespmem:s19+$0x30]  }
0xb4: {  	v4 =	vld [tilespmem:s19+$0x40]  }
0xb5: {  	v5 =	vld [tilespmem:s19+$0x50];
	v0 =	vmul.f32 $1.131370830e+01, v0  }
0xb6: {  	v6 =	vld [tilespmem:s19+$0x60];
	v1 =	vmul.f32 $1.131370830e+01, v1  }
0xb7: {  	v7 =	vld [tilespmem:s19+$0x70];
	v2 =	vmul.f32 $1.131370830e+01, v2;
	[tilespmem:s19+$0xF0] =	vst v0  }
0xb8: {  	[tilespmem:s19+$0x10] =	vst v1;
	v0 =	vmul.f32 $1.131370830e+01, v3;
	v3 =	vld [tilespmem:s19+$0x80]  }
0xb9: {  	[tilespmem:s19+$0x20] =	vst v2;
	v1 =	vmul.f32 $1.131370830e+01, v4;
	v4 =	vld [tilespmem:s19+$0x90]  }
0xba: {  	v8 =	vld [tilespmem:s19+$0xA0];
	v2 =	vmul.f32 $1.131370830e+01, v5;
	[tilespmem:s19+$0x30] =	vst v0  }
0xbb: {  	v5 =	vmul.f32 $1.131370830e+01, v6;
	[tilespmem:s19+$0x40] =	vst v1;
	v0 =	vld [tilespmem:s19+$0xB0]  }
0xbc: {  	v6 =	vmul.f32 $1.131370830e+01, v7;
	[tilespmem:s19+$0x50] =	vst v2;
	v1 =	vld [tilespmem:s19+$0xC0]  }
0xbd: {  	[tilespmem:s19+$0x60] =	vst v5;
	v2 =	vld [tilespmem:s19+$0xD0];
	v7 =	vmul.f32 $1.131370830e+01, v3  }
0xbe: {  	[tilespmem:s19+$0x70] =	vst v6;
	v3 =	vld [tilespmem:s19+$0xE0];
	v5 =	vmul.f32 $1.131370830e+01, v4  }
0xbf: {  	s12 =	simm.s32 $0x0;
	s13 =	simm.s32 $0x9D00;
	v6 =	vmul.f32 $1.131370830e+01, v8;
	v4 =	vld [tilespmem:s19+$0x0];
	[tilespmem:s19+$0x80] =	vst v7  }
.LBB2_20:
0xc0: {  	v7 =	vld [tilespmem:s13+$0xF0];
	s12 =	sadd.s32 $0x2, s12;
	[tilespmem:s19+$0x90] =	vst v5;
	v0 =	vmul.f32 $1.131370830e+01, v0  }
0xc1: {  	v5 =	vld [tilespmem:s13+$0x10];
	p0 =	slt.u32 s12, $0x7E;
	[tilespmem:s19+$0xA0] =	vst v6;
	v1 =	vmul.f32 $1.131370830e+01, v1  }
0xc2: {  	v6 =	vld [tilespmem:s13+$0x20];
	[tilespmem:s19+$0xB0] =	vst v0;
	v0 =	vmul.f32 $1.131370830e+01, v2  }
0xc3: {  	v2 =	vld [tilespmem:s13+$0x30];
	[tilespmem:s19+$0xC0] =	vst v1;
	v1 =	vmul.f32 $1.131370830e+01, v3  }
0xc4: {  	v3 =	vld [tilespmem:s13+$0x40];
	v4 =	vmul.f32 $1.131370830e+01, v4;
	[tilespmem:s19+$0xD0] =	vst v0  }
0xc5: {  	v0 =	vld [tilespmem:s13+$0x50];
	v7 =	vmul.f32 $1.131370830e+01, v7;
	[tilespmem:s19+$0xE0] =	vst v1  }
0xc6: {  	v1 =	vmul.f32 $1.131370830e+01, v5;
	v5 =	vld [tilespmem:s13+$0x60];
	[tilespmem:s19+$0x0] =	vst v4;
	s19 =	smov.u32 s13  }
0xc7: {  	v4 =	vmul.f32 $1.131370830e+01, v6;
	v6 =	vld [tilespmem:s13+$0x70];
	[tilespmem:s13+$0xF0] =	vst v7  }
0xc8: {  	[tilespmem:s13+$0x10] =	vst v1;
	v1 =	vmul.f32 $1.131370830e+01, v2;
	v2 =	vld [tilespmem:s13+$0x80]  }
0xc9: {  	[tilespmem:s13+$0x20] =	vst v4;
	v3 =	vmul.f32 $1.131370830e+01, v3;
	v4 =	vld [tilespmem:s13+$0x90]  }
0xca: {  	[tilespmem:s13+$0x30] =	vst v1;
	v1 =	vmul.f32 $1.131370830e+01, v0;
	v7 =	vld [tilespmem:s13+$0xA0]  }
.Ltmp12:
0xcb: {  	[tilespmem:s13+$0x40] =	vst v3;
	v3 =	vmul.f32 $1.131370830e+01, v5;
	v0 =	vld [tilespmem:s13+$0xB0];
	(pc) =	sbr.rel @p0 .LBB2_20-.Ltmp12, $4  }
0xcc: {  	[tilespmem:s13+$0x50] =	vst v1;
	v5 =	vmul.f32 $1.131370830e+01, v6;
	v1 =	vld [tilespmem:s13+$0xC0]  }
0xcd: {  	[tilespmem:s13+$0x60] =	vst v3;
	v6 =	vmul.f32 $1.131370830e+01, v2;
	v2 =	vld [tilespmem:s13+$0xD0]  }
0xce: {  	[tilespmem:s13+$0x70] =	vst v5;
	v5 =	vmul.f32 $1.131370830e+01, v4;
	v3 =	vld [tilespmem:s13+$0xE0]  }
0xcf: {  	s13 =	sadd.s32 $0x100, s13;
	v4 =	vld [tilespmem:s19+$0x0];
	[tilespmem:s19+$0x80] =	vst v6;
	v6 =	vmul.f32 $1.131370830e+01, v7  }
0xd0: {  	[tilespmem:s19+$0x90] =	vst v5;
	v0 =	vmul.f32 $1.131370830e+01, v0  }
0xd1: {  	[tilespmem:s19+$0xA0] =	vst v6;
	v1 =	vmul.f32 $1.131370830e+01, v1  }
0xd2: {  	[tilespmem:s19+$0xB0] =	vst v0;
	v0 =	vmul.f32 $1.131370830e+01, v2  }
0xd3: {  	[tilespmem:s19+$0xC0] =	vst v1;
	v1 =	vmul.f32 $1.131370830e+01, v3  }
0xd4: {  	s2 =	sadd.s32 s9, s2;
	v2 =	vmul.f32 $1.131370830e+01, v4;
	[tilespmem:s19+$0xD0] =	vst v0  }
0xd5: {  	s2 =	sshrl.u32 s2, $0x3;
	[tilespmem:s19+$0xE0] =	vst v1  }
0xd6: {  	s12 =	simm.s32 $0x9C00;
	s2 =	sadd.s32 s3, s2;
	[tilespmem:s19+$0x0] =	vst v2;
	s19 =	smul.u32 $0xC00, s6  }
0xd7: {  	[hbm4b:s2+s4] =	stream.linear.scatter [tilespmem:s12], [sflag:$0x9], $0x4000, $0x38;
	[tilespmem:$0x19C00] =	vst v63  }
0xd8: {  	_ =	swait.ge [sflag:s28], $0x4000  }
0xd9: {  	s2 =	sshra.s32 s19, $0x2;
	[sflag:s28] =	ssyncset.done $0x0  }
0xda: {  	s20 =	sadd.s32 $0x300, s2;
	[sflag:s28] =	ssyncadd.s32 $0xFFFFC000  }
0xdb: {  	[tilespmem:s17], [sflag:$0x1] =	stream.indirect.gather [hbm4b:s1+s16], $0x80, s20, s16, $0xb8;
	[tilespmem:$0x19C00] =	vst v63  }
0xdc: {  	_ =	swait.ge [sflag:s29], $0x4000  }
0xdd: {  	[sflag:s29] =	ssyncset.done $0x0  }
0xde: {  	s19 =	simm.s32 $0xDC00;
	[sflag:s29] =	ssyncadd.s32 $0xFFFFC000  }
0xdf: {  	v0 =	vld [tilespmem:s19+$0xF0]  }
0xe0: {  	v1 =	vld [tilespmem:s19+$0x10]  }
0xe1: {  	v2 =	vld [tilespmem:s19+$0x20]  }
0xe2: {  	v3 =	vld [tilespmem:s19+$0x30]  }
0xe3: {  	v4 =	vld [tilespmem:s19+$0x40]  }
0xe4: {  	v5 =	vld [tilespmem:s19+$0x50];
	v0 =	vmul.f32 $1.131370830e+01, v0  }
0xe5: {  	v6 =	vld [tilespmem:s19+$0x60];
	v1 =	vmul.f32 $1.131370830e+01, v1  }
0xe6: {  	v7 =	vld [tilespmem:s19+$0x70];
	v2 =	vmul.f32 $1.131370830e+01, v2;
	[tilespmem:s19+$0xF0] =	vst v0  }
0xe7: {  	[tilespmem:s19+$0x10] =	vst v1;
	v0 =	vmul.f32 $1.131370830e+01, v3;
	v3 =	vld [tilespmem:s19+$0x80]  }
0xe8: {  	[tilespmem:s19+$0x20] =	vst v2;
	v1 =	vmul.f32 $1.131370830e+01, v4;
	v4 =	vld [tilespmem:s19+$0x90]  }
0xe9: {  	v8 =	vld [tilespmem:s19+$0xA0];
	v2 =	vmul.f32 $1.131370830e+01, v5;
	[tilespmem:s19+$0x30] =	vst v0  }
0xea: {  	v5 =	vmul.f32 $1.131370830e+01, v6;
	[tilespmem:s19+$0x40] =	vst v1;
	v0 =	vld [tilespmem:s19+$0xB0]  }
0xeb: {  	v6 =	vmul.f32 $1.131370830e+01, v7;
	[tilespmem:s19+$0x50] =	vst v2;
	v1 =	vld [tilespmem:s19+$0xC0]  }
0xec: {  	[tilespmem:s19+$0x60] =	vst v5;
	v2 =	vld [tilespmem:s19+$0xD0];
	v7 =	vmul.f32 $1.131370830e+01, v3  }
0xed: {  	[tilespmem:s19+$0x70] =	vst v6;
	v3 =	vld [tilespmem:s19+$0xE0];
	v5 =	vmul.f32 $1.131370830e+01, v4  }
0xee: {  	s13 =	simm.s32 $0xDD00;
	s12 =	simm.s32 $0x0;
	v6 =	vmul.f32 $1.131370830e+01, v8;
	v4 =	vld [tilespmem:s19+$0x0];
	[tilespmem:s19+$0x80] =	vst v7  }
.LBB2_22:
0xef: {  	v7 =	vld [tilespmem:s13+$0xF0];
	s12 =	sadd.s32 $0x2, s12;
	[tilespmem:s19+$0x90] =	vst v5;
	v0 =	vmul.f32 $1.131370830e+01, v0  }
0xf0: {  	v5 =	vld [tilespmem:s13+$0x10];
	p0 =	slt.u32 s12, $0x7E;
	[tilespmem:s19+$0xA0] =	vst v6;
	v1 =	vmul.f32 $1.131370830e+01, v1  }
0xf1: {  	v6 =	vld [tilespmem:s13+$0x20];
	[tilespmem:s19+$0xB0] =	vst v0;
	v0 =	vmul.f32 $1.131370830e+01, v2  }
0xf2: {  	v2 =	vld [tilespmem:s13+$0x30];
	[tilespmem:s19+$0xC0] =	vst v1;
	v1 =	vmul.f32 $1.131370830e+01, v3  }
0xf3: {  	v3 =	vld [tilespmem:s13+$0x40];
	v4 =	vmul.f32 $1.131370830e+01, v4;
	[tilespmem:s19+$0xD0] =	vst v0  }
0xf4: {  	v0 =	vld [tilespmem:s13+$0x50];
	v7 =	vmul.f32 $1.131370830e+01, v7;
	[tilespmem:s19+$0xE0] =	vst v1  }
0xf5: {  	v1 =	vmul.f32 $1.131370830e+01, v5;
	v5 =	vld [tilespmem:s13+$0x60];
	[tilespmem:s19+$0x0] =	vst v4;
	s19 =	smov.u32 s13  }
0xf6: {  	v4 =	vmul.f32 $1.131370830e+01, v6;
	v6 =	vld [tilespmem:s13+$0x70];
	[tilespmem:s13+$0xF0] =	vst v7  }
0xf7: {  	[tilespmem:s13+$0x10] =	vst v1;
	v1 =	vmul.f32 $1.131370830e+01, v2;
	v2 =	vld [tilespmem:s13+$0x80]  }
0xf8: {  	[tilespmem:s13+$0x20] =	vst v4;
	v3 =	vmul.f32 $1.131370830e+01, v3;
	v4 =	vld [tilespmem:s13+$0x90]  }
0xf9: {  	[tilespmem:s13+$0x30] =	vst v1;
	v1 =	vmul.f32 $1.131370830e+01, v0;
	v7 =	vld [tilespmem:s13+$0xA0]  }
.Ltmp13:
0xfa: {  	[tilespmem:s13+$0x40] =	vst v3;
	v3 =	vmul.f32 $1.131370830e+01, v5;
	v0 =	vld [tilespmem:s13+$0xB0];
	(pc) =	sbr.rel @p0 .LBB2_22-.Ltmp13, $4  }
0xfb: {  	[tilespmem:s13+$0x50] =	vst v1;
	v5 =	vmul.f32 $1.131370830e+01, v6;
	v1 =	vld [tilespmem:s13+$0xC0]  }
0xfc: {  	[tilespmem:s13+$0x60] =	vst v3;
	v6 =	vmul.f32 $1.131370830e+01, v2;
	v2 =	vld [tilespmem:s13+$0xD0]  }
0xfd: {  	[tilespmem:s13+$0x70] =	vst v5;
	v5 =	vmul.f32 $1.131370830e+01, v4;
	v3 =	vld [tilespmem:s13+$0xE0]  }
0xfe: {  	s13 =	sadd.s32 $0x100, s13;
	v4 =	vld [tilespmem:s19+$0x0];
	[tilespmem:s19+$0x80] =	vst v6;
	v6 =	vmul.f32 $1.131370830e+01, v7  }
0xff: {  	[tilespmem:s19+$0x90] =	vst v5;
	v0 =	vmul.f32 $1.131370830e+01, v0  }
0x100: {  	[tilespmem:s19+$0xA0] =	vst v6;
	v1 =	vmul.f32 $1.131370830e+01, v1  }
0x101: {  	[tilespmem:s19+$0xB0] =	vst v0;
	v0 =	vmul.f32 $1.131370830e+01, v2  }
0x102: {  	[tilespmem:s19+$0xC0] =	vst v1;
	v1 =	vmul.f32 $1.131370830e+01, v3  }
0x103: {  	v2 =	vmul.f32 $1.131370830e+01, v4;
	[tilespmem:s19+$0xD0] =	vst v0  }
0x104: {  	s11 =	sshll.u32 s11, $0x10;
	[tilespmem:s19+$0xE0] =	vst v1  }
0x105: {  	s11 =	sadd.s32 s11, s10;
	[tilespmem:s19+$0x0] =	vst v2  }
0x106: {  	[hbm4b:s11+s4] =	stream.linear.scatter [tilespmem:s21], [sflag:$0xA], $0x4000, $0x38;
	[tilespmem:$0x19C00] =	vst v63  }
0x107: {  	_ =	swait.ge [sflag:s30], $0x4000  }
0x108: {  	[sflag:s30] =	ssyncset.done $0x0  }
0x109: {  	s20 =	sadd.s32 $0x380, s2;
	[sflag:s30] =	ssyncadd.s32 $0xFFFFC000  }
0x10a: {  	[tilespmem:s18], [sflag:$0x2] =	stream.indirect.gather [hbm4b:s1+s16], $0x80, s20, s16, $0xb8;
	[tilespmem:$0x19C00] =	vst v63  }
0x10b: {  	_ =	swait.ge [sflag:s31], $0x4000  }
0x10c: {  	[sflag:s31] =	ssyncset.done $0x0  }
0x10d: {  	s11 =	simm.s32 $0x11C00;
	[sflag:s31] =	ssyncadd.s32 $0xFFFFC000  }
0x10e: {  	v0 =	vld [tilespmem:s11+$0xF0]  }
0x10f: {  	v1 =	vld [tilespmem:s11+$0x10]  }
0x110: {  	v2 =	vld [tilespmem:s11+$0x20]  }
0x111: {  	v3 =	vld [tilespmem:s11+$0x30]  }
0x112: {  	v4 =	vld [tilespmem:s11+$0x40]  }
0x113: {  	v5 =	vld [tilespmem:s11+$0x50];
	v0 =	vmul.f32 $1.131370830e+01, v0  }
0x114: {  	v6 =	vld [tilespmem:s11+$0x60];
	v1 =	vmul.f32 $1.131370830e+01, v1  }
0x115: {  	v7 =	vld [tilespmem:s11+$0x70];
	v2 =	vmul.f32 $1.131370830e+01, v2;
	[tilespmem:s11+$0xF0] =	vst v0  }
0x116: {  	[tilespmem:s11+$0x10] =	vst v1;
	v0 =	vmul.f32 $1.131370830e+01, v3;
	v3 =	vld [tilespmem:s11+$0x80]  }
0x117: {  	[tilespmem:s11+$0x20] =	vst v2;
	v1 =	vmul.f32 $1.131370830e+01, v4;
	v4 =	vld [tilespmem:s11+$0x90]  }
0x118: {  	v8 =	vld [tilespmem:s11+$0xA0];
	v2 =	vmul.f32 $1.131370830e+01, v5;
	[tilespmem:s11+$0x30] =	vst v0  }
0x119: {  	v5 =	vmul.f32 $1.131370830e+01, v6;
	[tilespmem:s11+$0x40] =	vst v1;
	v0 =	vld [tilespmem:s11+$0xB0]  }
0x11a: {  	v6 =	vmul.f32 $1.131370830e+01, v7;
	[tilespmem:s11+$0x50] =	vst v2;
	v1 =	vld [tilespmem:s11+$0xC0]  }
0x11b: {  	[tilespmem:s11+$0x60] =	vst v5;
	v2 =	vld [tilespmem:s11+$0xD0];
	v7 =	vmul.f32 $1.131370830e+01, v3  }
0x11c: {  	[tilespmem:s11+$0x70] =	vst v6;
	v3 =	vld [tilespmem:s11+$0xE0];
	v5 =	vmul.f32 $1.131370830e+01, v4  }
0x11d: {  	s12 =	simm.s32 $0x0;
	s13 =	simm.s32 $0x11D00;
	v6 =	vmul.f32 $1.131370830e+01, v8;
	v4 =	vld [tilespmem:s11+$0x0];
	[tilespmem:s11+$0x80] =	vst v7  }
.LBB2_24:
0x11e: {  	v7 =	vld [tilespmem:s13+$0xF0];
	s12 =	sadd.s32 $0x2, s12;
	[tilespmem:s11+$0x90] =	vst v5;
	v0 =	vmul.f32 $1.131370830e+01, v0  }
0x11f: {  	v5 =	vld [tilespmem:s13+$0x10];
	p0 =	slt.u32 s12, $0x7E;
	[tilespmem:s11+$0xA0] =	vst v6;
	v1 =	vmul.f32 $1.131370830e+01, v1  }
0x120: {  	v6 =	vld [tilespmem:s13+$0x20];
	[tilespmem:s11+$0xB0] =	vst v0;
	v0 =	vmul.f32 $1.131370830e+01, v2  }
0x121: {  	v2 =	vld [tilespmem:s13+$0x30];
	[tilespmem:s11+$0xC0] =	vst v1;
	v1 =	vmul.f32 $1.131370830e+01, v3  }
0x122: {  	v3 =	vld [tilespmem:s13+$0x40];
	v4 =	vmul.f32 $1.131370830e+01, v4;
	[tilespmem:s11+$0xD0] =	vst v0  }
0x123: {  	v0 =	vld [tilespmem:s13+$0x50];
	v7 =	vmul.f32 $1.131370830e+01, v7;
	[tilespmem:s11+$0xE0] =	vst v1  }
0x124: {  	v1 =	vmul.f32 $1.131370830e+01, v5;
	v5 =	vld [tilespmem:s13+$0x60];
	[tilespmem:s11+$0x0] =	vst v4;
	s11 =	smov.u32 s13  }
0x125: {  	v4 =	vmul.f32 $1.131370830e+01, v6;
	v6 =	vld [tilespmem:s13+$0x70];
	[tilespmem:s13+$0xF0] =	vst v7  }
0x126: {  	[tilespmem:s13+$0x10] =	vst v1;
	v1 =	vmul.f32 $1.131370830e+01, v2;
	v2 =	vld [tilespmem:s13+$0x80]  }
0x127: {  	[tilespmem:s13+$0x20] =	vst v4;
	v3 =	vmul.f32 $1.131370830e+01, v3;
	v4 =	vld [tilespmem:s13+$0x90]  }
0x128: {  	[tilespmem:s13+$0x30] =	vst v1;
	v1 =	vmul.f32 $1.131370830e+01, v0;
	v7 =	vld [tilespmem:s13+$0xA0]  }
.Ltmp14:
0x129: {  	[tilespmem:s13+$0x40] =	vst v3;
	v3 =	vmul.f32 $1.131370830e+01, v5;
	v0 =	vld [tilespmem:s13+$0xB0];
	(pc) =	sbr.rel @p0 .LBB2_24-.Ltmp14, $4  }
0x12a: {  	[tilespmem:s13+$0x50] =	vst v1;
	v5 =	vmul.f32 $1.131370830e+01, v6;
	v1 =	vld [tilespmem:s13+$0xC0]  }
0x12b: {  	[tilespmem:s13+$0x60] =	vst v3;
	v6 =	vmul.f32 $1.131370830e+01, v2;
	v2 =	vld [tilespmem:s13+$0xD0]  }
0x12c: {  	[tilespmem:s13+$0x70] =	vst v5;
	v5 =	vmul.f32 $1.131370830e+01, v4;
	v3 =	vld [tilespmem:s13+$0xE0]  }
0x12d: {  	s13 =	sadd.s32 $0x100, s13;
	v4 =	vld [tilespmem:s11+$0x0];
	[tilespmem:s11+$0x80] =	vst v6;
	v6 =	vmul.f32 $1.131370830e+01, v7  }
0x12e: {  	[tilespmem:s11+$0x90] =	vst v5;
	v0 =	vmul.f32 $1.131370830e+01, v0  }
0x12f: {  	[tilespmem:s11+$0xA0] =	vst v6;
	v1 =	vmul.f32 $1.131370830e+01, v1  }
0x130: {  	[tilespmem:s11+$0xB0] =	vst v0;
	v0 =	vmul.f32 $1.131370830e+01, v2  }
0x131: {  	[tilespmem:s11+$0xC0] =	vst v1;
	v1 =	vmul.f32 $1.131370830e+01, v3  }
0x132: {  	v2 =	vmul.f32 $1.131370830e+01, v4;
	[tilespmem:s11+$0xD0] =	vst v0  }
0x133: {  	s5 =	sshll.u32 s5, $0x10;
	[tilespmem:s11+$0xE0] =	vst v1  }
0x134: {  	p0 =	sgt.u32 s6, $0x6;
	s5 =	sadd.s32 s5, s10;
	[tilespmem:s11+$0x0] =	vst v2  }
0x135: {  	[hbm4b:s5+s4] =	stream.linear.scatter [tilespmem:s23], [sflag:$0xB], $0x4000, $0x38;
	[tilespmem:$0x19C00] =	vst v63  }
0x136: {  	s5 =	simm.s32 @!p0 $0x9  }
0x137: {  	_ =	swait.ge @!p0 [sflag:s5], $0x4000  }
0x138: {  	s2 =	sadd.s32 @!p0 $0x400, s2;
	[sflag:s5] =	ssyncset.done @!p0 $0x0  }
0x139: {  	s11 =	simm.s32 @!p0 $0x9C00;
	[sflag:s5] =	ssyncadd.s32 @!p0 $0xFFFFC000;
	s5 =	simm.s32 @!p0 $0x80  }
0x13a: {  	[tilespmem:s11], [sflag:$0x3] =	stream.indirect.gather @!p0 [hbm4b:s1+s5], $0x80, s2, s5, $0xb8;
	[tilespmem:$0x19C00] =	vst v63  }
0x13b: {  	_ =	swait.ge [sflag:s0], $0x4000  }
0x13c: {  	[sflag:s0] =	ssyncset.done $0x0  }
0x13d: {  	s2 =	simm.s32 $0x15C00;
	[sflag:s0] =	ssyncadd.s32 $0xFFFFC000  }
0x13e: {  	v0 =	vld [tilespmem:s2+$0xF0]  }
0x13f: {  	v1 =	vld [tilespmem:s2+$0x10]  }
0x140: {  	v2 =	vld [tilespmem:s2+$0x20]  }
0x141: {  	v3 =	vld [tilespmem:s2+$0x30]  }
0x142: {  	v4 =	vld [tilespmem:s2+$0x40]  }
0x143: {  	v5 =	vld [tilespmem:s2+$0x50];
	v0 =	vmul.f32 $1.131370830e+01, v0  }
0x144: {  	v6 =	vld [tilespmem:s2+$0x60];
	v1 =	vmul.f32 $1.131370830e+01, v1  }
0x145: {  	v7 =	vld [tilespmem:s2+$0x70];
	v2 =	vmul.f32 $1.131370830e+01, v2;
	[tilespmem:s2+$0xF0] =	vst v0  }
0x146: {  	[tilespmem:s2+$0x10] =	vst v1;
	v0 =	vmul.f32 $1.131370830e+01, v3;
	v3 =	vld [tilespmem:s2+$0x80]  }
0x147: {  	[tilespmem:s2+$0x20] =	vst v2;
	v1 =	vmul.f32 $1.131370830e+01, v4;
	v4 =	vld [tilespmem:s2+$0x90]  }
0x148: {  	v8 =	vld [tilespmem:s2+$0xA0];
	v2 =	vmul.f32 $1.131370830e+01, v5;
	[tilespmem:s2+$0x30] =	vst v0  }
0x149: {  	v5 =	vmul.f32 $1.131370830e+01, v6;
	[tilespmem:s2+$0x40] =	vst v1;
	v0 =	vld [tilespmem:s2+$0xB0]  }
0x14a: {  	v6 =	vmul.f32 $1.131370830e+01, v7;
	[tilespmem:s2+$0x50] =	vst v2;
	v1 =	vld [tilespmem:s2+$0xC0]  }
0x14b: {  	[tilespmem:s2+$0x60] =	vst v5;
	v2 =	vld [tilespmem:s2+$0xD0];
	v7 =	vmul.f32 $1.131370830e+01, v3  }
0x14c: {  	[tilespmem:s2+$0x70] =	vst v6;
	v3 =	vld [tilespmem:s2+$0xE0];
	v5 =	vmul.f32 $1.131370830e+01, v4  }
0x14d: {  	s5 =	simm.s32 $0x0;
	s11 =	simm.s32 $0x15D00;
	v6 =	vmul.f32 $1.131370830e+01, v8;
	v4 =	vld [tilespmem:s2+$0x0];
	[tilespmem:s2+$0x80] =	vst v7  }
.LBB2_26:
0x14e: {  	v7 =	vld [tilespmem:s11+$0xF0];
	s5 =	sadd.s32 $0x2, s5;
	[tilespmem:s2+$0x90] =	vst v5;
	v0 =	vmul.f32 $1.131370830e+01, v0  }
0x14f: {  	v5 =	vld [tilespmem:s11+$0x10];
	p0 =	slt.u32 s5, $0x7E;
	[tilespmem:s2+$0xA0] =	vst v6;
	v1 =	vmul.f32 $1.131370830e+01, v1  }
0x150: {  	v6 =	vld [tilespmem:s11+$0x20];
	[tilespmem:s2+$0xB0] =	vst v0;
	v0 =	vmul.f32 $1.131370830e+01, v2  }
0x151: {  	v2 =	vld [tilespmem:s11+$0x30];
	[tilespmem:s2+$0xC0] =	vst v1;
	v1 =	vmul.f32 $1.131370830e+01, v3  }
0x152: {  	v3 =	vld [tilespmem:s11+$0x40];
	v4 =	vmul.f32 $1.131370830e+01, v4;
	[tilespmem:s2+$0xD0] =	vst v0  }
0x153: {  	v0 =	vld [tilespmem:s11+$0x50];
	v7 =	vmul.f32 $1.131370830e+01, v7;
	[tilespmem:s2+$0xE0] =	vst v1  }
0x154: {  	v1 =	vmul.f32 $1.131370830e+01, v5;
	v5 =	vld [tilespmem:s11+$0x60];
	[tilespmem:s2+$0x0] =	vst v4;
	s2 =	smov.u32 s11  }
0x155: {  	v4 =	vmul.f32 $1.131370830e+01, v6;
	v6 =	vld [tilespmem:s11+$0x70];
	[tilespmem:s11+$0xF0] =	vst v7  }
0x156: {  	[tilespmem:s11+$0x10] =	vst v1;
	v1 =	vmul.f32 $1.131370830e+01, v2;
	v2 =	vld [tilespmem:s11+$0x80]  }
0x157: {  	[tilespmem:s11+$0x20] =	vst v4;
	v3 =	vmul.f32 $1.131370830e+01, v3;
	v4 =	vld [tilespmem:s11+$0x90]  }
0x158: {  	[tilespmem:s11+$0x30] =	vst v1;
	v1 =	vmul.f32 $1.131370830e+01, v0;
	v7 =	vld [tilespmem:s11+$0xA0]  }
.Ltmp15:
0x159: {  	[tilespmem:s11+$0x40] =	vst v3;
	v3 =	vmul.f32 $1.131370830e+01, v5;
	v0 =	vld [tilespmem:s11+$0xB0];
	(pc) =	sbr.rel @p0 .LBB2_26-.Ltmp15, $4  }
0x15a: {  	[tilespmem:s11+$0x50] =	vst v1;
	v5 =	vmul.f32 $1.131370830e+01, v6;
	v1 =	vld [tilespmem:s11+$0xC0]  }
0x15b: {  	[tilespmem:s11+$0x60] =	vst v3;
	v6 =	vmul.f32 $1.131370830e+01, v2;
	v2 =	vld [tilespmem:s11+$0xD0]  }
0x15c: {  	[tilespmem:s11+$0x70] =	vst v5;
	v5 =	vmul.f32 $1.131370830e+01, v4;
	v3 =	vld [tilespmem:s11+$0xE0]  }
0x15d: {  	s11 =	sadd.s32 $0x100, s11;
	v4 =	vld [tilespmem:s2+$0x0];
	[tilespmem:s2+$0x80] =	vst v6;
	v6 =	vmul.f32 $1.131370830e+01, v7  }
0x15e: {  	[tilespmem:s2+$0x90] =	vst v5;
	v0 =	vmul.f32 $1.131370830e+01, v0  }
0x15f: {  	s6 =	sadd.s32 $0x1, s6;
	[tilespmem:s2+$0xA0] =	vst v6;
	v1 =	vmul.f32 $1.131370830e+01, v1  }
0x160: {  	p0 =	sne.s32 s6, $0x9;
	[tilespmem:s2+$0xB0] =	vst v0;
	v61 =	vmul.f32 $1.131370830e+01, v2  }
.Ltmp16:
0x161: {  	[tilespmem:s2+$0xC0] =	vst v1;
	v62 =	vmul.f32 $1.131370830e+01, v3;
	(pc) =	sbr.rel @p0 .LBB2_2-.Ltmp16, $4  }
.Ltmp17:
0x162: {  	v63 =	vmul.f32 $1.131370830e+01, v4;
	[tilespmem:s2+$0xD0] =	vst v61;
	(pc) =	sbr.rel @!p0 .LBB2_28-.Ltmp17, $4  }
0x163: {  	s5 =	sshll.u32 s15, $0x10;
	[tilespmem:s2+$0xE0] =	vst v62  }
0x164: {  	s20 =	sadd.s32 s5, s10;
	[tilespmem:s2+$0x0] =	vst v63  }
0x165: {  	[hbm4b:s20+s4] =	stream.linear.scatter [tilespmem:s25], [sflag:$0xC], $0x4000, $0x38;
	[tilespmem:$0x19C00] =	vst v63  }
0x166: {  	_ = 	snop  }
.LBB2_29:
0x167: {  	_ =	sfence.sel $0x180000  }
0x168: {  	[bflag:$0x0] =	sbarrier.arrive $0xFFFF  }
0x169: {  	_ =	strace $0x90000047  }
0x16a: {  	s0 =	stileid.u32;
	[bflag:$0x2] =	sbarrier.arrive $0xFFFF  }
0x16b: {  	p0 =	sne.s32 s0, $0x0;
	s0 =	rddreg [dreg:$0x3]  }
0x16c: {  	s0 =	sadd.s32 @!p0 $0x100000, s0  }
0x16d: {  	[sflag:s0] =	ssyncadd.tile.s32 @!p0 $0x1;
	_ =	shalt  }
.Lfunc_end2:
_tile_overlayer_lowered:
.L_overlay_start_2:
0x16e: {  	(tag) =	ssettag $0x2  }
0x16f: {  	s0 =	rddreg [dreg:$0x0];
	s2 =	stileid.u32  }
0x170: {  	s1 =	rddreg [dreg:$0x1];
	p0 =	sne.s32 s2, $0x0  }
0x171: {  	s3 =	rddreg [dreg:$0x2];
	[bflag:$0x3] =	sbarrier.arrive $0xFFFF;
	s2 =	simm.s32 @!p0 $0x1C0D  }
0x172: {  	[timem:s3], [sflag:s2] =	dma.local @!p0 [hbm:s0], s1  }
0x173: {  	s0 =	simm.s32 @!p0 $0xD  }
0x174: {  	_ =	swait.ge @!p0 [sflag:s0], s1  }
0x175: {  	s1 =	ssub.s32 @!p0 $0x0, s1;
	[sflag:s0] =	ssyncset.done @!p0 $0x0  }
0x176: {  	[sflag:s0] =	ssyncadd.s32 @!p0 s1  }
0x177: {  	[bflag:$0x3] =	sbarrier.arrive $0xFFFF  }
0x178: {  	_ =	shalt  }

</sc_bundles>
